<compile_context>
chip_gen: v7x
topology: tpu7x:2x2x1
jax: 0.10.2.dev20260603
libtpu: 0.0.44.dev20260713+nightly
codegen_flags: <defaults>
</compile_context>

<pallas_src>
import functools

import jax
import jax.numpy as jnp
from jax import lax
from jax.experimental import pallas as pl
from jax.experimental.pallas import tpu as pltpu
from jax.experimental.pallas import tpu_sc as plsc

N_NODES = 10000
D_IN = 128
D_HID = 32
N_EDGES = 320000

NC = 2
NS = 16
NW = NC * NS
NPAD = 10240
ROWS_PER_TILE = NPAD // NS
CHUNK = 128
CH_PER_W = 80
EPAD = NW * CH_PER_W * CHUNK
RING = 8
DIST = 4
WROWS = NPAD * D_HID // 128

_sc_mesh = plsc.VectorSubcoreMesh(core_axis_name="c", subcore_axis_name="s")
_sc_params = pltpu.CompilerParams(use_tc_tiling_on_sc=False)



@functools.partial(
    pl.kernel,
    out_type=jax.ShapeDtypeStruct((NC, NPAD), jnp.float32),
    mesh=_sc_mesh,
    compiler_params=_sc_params,
    scratch_types=[
        pltpu.VMEM((CHUNK,), jnp.float32),
        pltpu.VMEM((CH_PER_W, CHUNK), jnp.int32),
        pltpu.VMEM_SHARED((NPAD,), jnp.float32),
    ],
)
def _sc_degree(dst2d_hbm, ones_hbm, zeros1_hbm, out_hbm, ones_v, dst_all, deg_sh):
    c = lax.axis_index("c")
    s = lax.axis_index("s")
    w = c * NS + s
    pltpu.sync_copy(zeros1_hbm, deg_sh.at[pl.ds(s * ROWS_PER_TILE, ROWS_PER_TILE)])
    pltpu.sync_copy(ones_hbm, ones_v)
    pltpu.sync_copy(dst2d_hbm.at[pl.ds(w * CH_PER_W, CH_PER_W)], dst_all)
    plsc.subcore_barrier()

    def body(it, carry):
        pltpu.sync_copy(ones_v, deg_sh.at[dst_all.at[it]], add=True)
        return carry

    lax.fori_loop(0, CH_PER_W, body, 0)
    plsc.subcore_barrier()
    sl = pl.ds(s * ROWS_PER_TILE, ROWS_PER_TILE)
    pltpu.sync_copy(deg_sh.at[sl], out_hbm.at[c, sl])



@functools.partial(
    pl.kernel,
    out_type=jax.ShapeDtypeStruct((NC, NPAD, D_HID), jnp.float32),
    mesh=_sc_mesh,
    compiler_params=_sc_params,
    scratch_types=[
        pltpu.VMEM((CH_PER_W, CHUNK), jnp.int32),
        pltpu.VMEM((CH_PER_W, CHUNK), jnp.int32),
        pltpu.VMEM((RING, CHUNK, D_HID), jnp.float32),
        pltpu.VMEM_SHARED((NPAD, D_HID), jnp.float32),
        pltpu.SemaphoreType.DMA((RING,)),
        pltpu.SemaphoreType.DMA((RING,)),
    ],
)
def _sc_scatter(g_hbm, src2d_hbm, dst2d_hbm, zeros2_hbm, out_hbm,
                src_all, dst_all, rows, agg_sh, gsem, ssem):
    c = lax.axis_index("c")
    s = lax.axis_index("s")
    w = c * NS + s
    pltpu.sync_copy(zeros2_hbm, agg_sh.at[pl.ds(s * ROWS_PER_TILE, ROWS_PER_TILE)])
    pltpu.sync_copy(src2d_hbm.at[pl.ds(w * CH_PER_W, CH_PER_W)], src_all)
    pltpu.sync_copy(dst2d_hbm.at[pl.ds(w * CH_PER_W, CH_PER_W)], dst_all)
    plsc.subcore_barrier()

    def gather_start(b, it):
        pltpu.async_copy(g_hbm.at[src_all.at[it]], rows.at[b], gsem.at[b])

    def gather_wait(b, it):
        pltpu.make_async_copy(g_hbm.at[src_all.at[it]], rows.at[b],
                              gsem.at[b]).wait()

    def scat_start(b, it):
        pltpu.async_copy(rows.at[b], agg_sh.at[dst_all.at[it]], ssem.at[b],
                         add=True)

    def scat_wait(b, it):
        pltpu.make_async_copy(rows.at[b], agg_sh.at[dst_all.at[it]],
                              ssem.at[b]).wait()

    for b in range(DIST):
        gather_start(b, b)

    def group(k, carry):
        for b in range(RING):
            it = k * RING + b
            gather_wait(b, it)
            scat_start(b, it)
            wb = (b + DIST) % RING
            if b >= DIST:
                scat_wait(wb, it - DIST)

                @pl.when(k < (CH_PER_W // RING) - 1)
                def _():
                    gather_start(wb, it + DIST)
            else:
                @pl.when(k > 0)
                def _():
                    scat_wait(wb, it - DIST)

                gather_start(wb, it + DIST)
        return carry

    lax.fori_loop(0, CH_PER_W // RING, group, 0)
    for it in range(CH_PER_W - DIST, CH_PER_W):
        scat_wait(it % RING, it)
    plsc.subcore_barrier()
    sl = pl.ds(s * ROWS_PER_TILE, ROWS_PER_TILE)
    pltpu.sync_copy(agg_sh.at[sl], out_hbm.at[c, sl])



def _tc1_body(x_ref, w1_ref, degpt_ref, g1_ref, dis_ref):
    deg = degpt_ref[:, 0:1] + degpt_ref[:, 1:2] + 1.0
    dis = lax.rsqrt(deg)
    dis_ref[...] = dis
    h = jnp.dot(x_ref[...], w1_ref[...], preferred_element_type=jnp.float32)
    g1_ref[0:N_NODES] = dis[:N_NODES] * h
    g1_ref[N_NODES:] = jnp.zeros((NPAD - N_NODES, D_HID), jnp.float32)


def _tc2_body(aggp_ref, g1_ref, dis_ref, b1_ref, g2_ref):
    dis = dis_ref[...]
    t = aggp_ref[0] + aggp_ref[1] + g1_ref[...]
    g2_ref[...] = dis * (dis * t + b1_ref[...])


def _tc3_body(aggp_ref, g2_ref, dis_ref, w2_ref, b2_ref, out_ref):
    t = aggp_ref[0] + aggp_ref[1] + g2_ref[...]
    pre = (dis_ref[...] * t)[:N_NODES]
    y = jnp.dot(pre, w2_ref[...], preferred_element_type=jnp.float32) + b2_ref[...]
    out_ref[...] = jnp.maximum(y, 0.0)


_tc1 = pl.pallas_call(
    _tc1_body,
    out_shape=(jax.ShapeDtypeStruct((NPAD, D_HID), jnp.float32),
               jax.ShapeDtypeStruct((NPAD, 1), jnp.float32)),
)
_tc2 = pl.pallas_call(
    _tc2_body,
    out_shape=jax.ShapeDtypeStruct((NPAD, D_HID), jnp.float32),
)
_tc3 = pl.pallas_call(
    _tc3_body,
    out_shape=jax.ShapeDtypeStruct((N_NODES, D_IN), jnp.float32),
)


def kernel(x, adj, W1, b1, W2, b2):
    x = x.astype(jnp.float32)
    pad = N_NODES + jnp.arange(EPAD - N_EDGES, dtype=jnp.int32) % (NPAD - N_NODES)
    src = jnp.concatenate([adj[0].astype(jnp.int32), pad]).reshape(
        NW * CH_PER_W, CHUNK)
    dst = jnp.concatenate([adj[1].astype(jnp.int32), pad]).reshape(
        NW * CH_PER_W, CHUNK)

    ones_ch = jnp.ones((CHUNK,), jnp.float32)
    zeros1 = jnp.zeros((ROWS_PER_TILE,), jnp.float32)
    zeros2 = jnp.zeros((ROWS_PER_TILE, D_HID), jnp.float32)

    degp = _sc_degree(dst, ones_ch, zeros1)
    degpt = degp.T

    g1, dis = _tc1(x, W1, degpt)
    aggp1 = _sc_scatter(g1, src, dst, zeros2)
    g2 = _tc2(aggp1, g1, dis, b1[None, :])
    aggp2 = _sc_scatter(g2, src, dst, zeros2)
    out = _tc3(aggp2, g2, dis, W2, b2[None, :])
    return out

# --- scband reference (transcript-rebuilt; emitter-appended) ---
"""Pipeline reference for scband-gcndec-68238440399156 (READ-ONLY COPY).

The authoritative reference and input builder live on the scoring server;
editing this copy changes nothing except your own understanding.
"""

import jax, jax.numpy as jnp
import numpy as np

N_NODES = 10000
D_IN = 128
D_HID = 32
N_EDGES = 320000


def gcn_conv(x, src, dst, W, b, num_nodes):
    # PyG GCNConv: add self-loops, symmetric normalization D^-1/2 (A+I) D^-1/2 X W + b
    loop = jnp.arange(num_nodes, dtype=src.dtype)
    src_sl = jnp.concatenate([src, loop])
    dst_sl = jnp.concatenate([dst, loop])
    deg = jnp.zeros((num_nodes,), dtype=x.dtype).at[dst_sl].add(1.0)
    deg_inv_sqrt = jnp.where(deg > 0, 1.0 / jnp.sqrt(deg), 0.0)
    norm = deg_inv_sqrt[src_sl] * deg_inv_sqrt[dst_sl]
    h = x @ W
    msg = h[src_sl] * norm[:, None]
    out = jnp.zeros((num_nodes, h.shape[1]), dtype=h.dtype).at[dst_sl].add(msg)
    return out + b


def setup_inputs(seed: int = 0) -> dict:
    key = jax.random.key(seed)
    k1, k2, k3, k4, k5, k6 = jax.random.split(key, 6)
    x = jax.random.normal(k1, (N_NODES, D_IN), dtype=jnp.float32)
    adj = jax.random.randint(k2, (2, N_EDGES), 0, N_NODES, dtype=jnp.int64 if jax.config.read('jax_enable_x64') else jnp.int32)
    # glorot-ish init for weights
    W1 = jax.random.normal(k3, (D_IN, D_HID), dtype=jnp.float32) * (1.0 / np.sqrt(D_IN))
    b1 = jnp.zeros((D_HID,), dtype=jnp.float32)
    W2 = jax.random.normal(k4, (D_HID, D_IN), dtype=jnp.float32) * (1.0 / np.sqrt(D_HID))
    b2 = jnp.zeros((D_IN,), dtype=jnp.float32)
    return {"x": x, "adj": adj, "W1": W1, "b1": b1, "W2": W2, "b2": b2}


def reference(x, adj, W1, b1, W2, b2):
    x = x.astype(jnp.float32)
    src, dst = adj[0], adj[1]
    h = gcn_conv(x, src, dst, W1, b1, N_NODES)
    h = gcn_conv(h, src, dst, W2, b2, N_NODES)
    return jax.nn.relu(h)

if __name__ == "__main__":
    import jax
    _d = setup_inputs()
    print(jax.jit(kernel)(*tuple(_d.values())))

</pallas_src>

<mosaic_0001>
#map = affine_map<(d0, d1) -> (0, 0)>
#map1 = affine_map<(d0, d1) -> (0, 0, 0)>
module attributes {stable_mosaic.version = 14 : i64} {
  func.func @_sc_scatter(%arg0: i32, %arg1: i32, %arg2: memref<10240x32xf32, #tpu.memory_space<hbm>>, %arg3: memref<2560x128xi32, #tpu.memory_space<hbm>>, %arg4: memref<2560x128xi32, #tpu.memory_space<hbm>>, %arg5: memref<640x32xf32, #tpu.memory_space<hbm>>, %arg6: memref<2x10240x32xf32, #tpu.memory_space<hbm>>, %arg7: memref<80x128xi32, #tpu.memory_space<vmem>>, %arg8: memref<80x128xi32, #tpu.memory_space<vmem>>, %arg9: memref<8x128x32xf32, #tpu.memory_space<vmem>>, %arg10: memref<10240x32xf32, #tpu.memory_space<vmem_shared>>, %arg11: memref<8x!tpu.dma_semaphore, #tpu.memory_space<semaphore_mem>>, %arg12: memref<8x!tpu.dma_semaphore, #tpu.memory_space<semaphore_mem>>) attributes {dimension_semantics = [#tpu.dimension_semantics<core_parallel>, #tpu.dimension_semantics<subcore_parallel>], iteration_bounds = array<i64: 2, 16>, scalar_prefetch = 0 : i64, scratch_operands = 6 : i64, tpu.core_type = #tpu.core_type<sc_vector_subcore>, window_params = [{transform_indices = #map}, {transform_indices = #map}, {transform_indices = #map}, {transform_indices = #map}, {transform_indices = #map1}]} {
    %mul3A = arith.constant 16 : i32
    %mul3A_0 = arith.muli %arg0, %mul3A : i32
    %add3A = arith.addi %mul3A_0, %arg1 : i32
    %mul3A_1 = arith.constant 640 : i32
    %mul3A_2 = arith.muli %arg1, %mul3A_1 : i32
    "tpu.region"() ({
      %run_scoped3A = tpu.sem_alloc : memref<!tpu.dma_semaphore, #tpu.memory_space<semaphore_mem>>
      %dma_start3A_133 = arith.constant 0 : i32
      %dma_start3A_134 = tpu.memref_slice %arg10[%mul3A_2, %dma_start3A_133] : memref<10240x32xf32, #tpu.memory_space<vmem_shared>> -> memref<640x32xf32, #tpu.memory_space<vmem_shared>>
      tpu.enqueue_dma source(%arg5 : memref<640x32xf32, #tpu.memory_space<hbm>>) target(%dma_start3A_134 : memref<640x32xf32, #tpu.memory_space<vmem_shared>>) target_semaphore(%run_scoped3A : memref<!tpu.dma_semaphore, #tpu.memory_space<semaphore_mem>>)
      %dma_wait3A_135 = arith.constant 0 : i32
      %dma_wait3A_136 = tpu.memref_slice %arg10[%mul3A_2, %dma_wait3A_135] : memref<10240x32xf32, #tpu.memory_space<vmem_shared>> -> memref<640x32xf32, #tpu.memory_space<vmem_shared>>
      tpu.wait_dma2 semaphore(%run_scoped3A : memref<!tpu.dma_semaphore, #tpu.memory_space<semaphore_mem>>) src(%arg5 : memref<640x32xf32, #tpu.memory_space<hbm>>) dst(%dma_wait3A_136 : memref<640x32xf32, #tpu.memory_space<vmem_shared>>)
      tpu.yield
    }) : () -> ()
    %mul3A_3 = arith.constant 80 : i32
    %mul3A_4 = arith.muli %add3A, %mul3A_3 : i32
    "tpu.region"() ({
      %run_scoped3A = tpu.sem_alloc : memref<!tpu.dma_semaphore, #tpu.memory_space<semaphore_mem>>
      %dma_start3A_133 = arith.constant 0 : i32
      %dma_start3A_134 = tpu.memref_slice %arg3[%mul3A_4, %dma_start3A_133] : memref<2560x128xi32, #tpu.memory_space<hbm>> -> memref<80x128xi32, #tpu.memory_space<hbm>>
      %dma_start3A_135 = arith.constant 0 : i32
      %dma_start3A_136 = tpu.memref_slice %arg3[%mul3A_4, %dma_start3A_135] : memref<2560x128xi32, #tpu.memory_space<hbm>> -> memref<80x128xi32, #tpu.memory_space<hbm>>
      tpu.enqueue_dma source(%dma_start3A_136 : memref<80x128xi32, #tpu.memory_space<hbm>>) target(%arg7 : memref<80x128xi32, #tpu.memory_space<vmem>>) target_semaphore(%run_scoped3A : memref<!tpu.dma_semaphore, #tpu.memory_space<semaphore_mem>>)
      %dma_wait3A_137 = arith.constant 0 : i32
      %dma_wait3A_138 = tpu.memref_slice %arg3[%mul3A_4, %dma_wait3A_137] : memref<2560x128xi32, #tpu.memory_space<hbm>> -> memref<80x128xi32, #tpu.memory_space<hbm>>
      %dma_wait3A_139 = arith.constant 0 : i32
      %dma_wait3A_140 = tpu.memref_slice %arg3[%mul3A_4, %dma_wait3A_139] : memref<2560x128xi32, #tpu.memory_space<hbm>> -> memref<80x128xi32, #tpu.memory_space<hbm>>
      tpu.wait_dma2 semaphore(%run_scoped3A : memref<!tpu.dma_semaphore, #tpu.memory_space<semaphore_mem>>) src(%dma_wait3A_140 : memref<80x128xi32, #tpu.memory_space<hbm>>) dst(%arg7 : memref<80x128xi32, #tpu.memory_space<vmem>>)
      tpu.yield
    }) : () -> ()
    %mul3A_5 = arith.constant 80 : i32
    %mul3A_6 = arith.muli %add3A, %mul3A_5 : i32
    "tpu.region"() ({
      %run_scoped3A = tpu.sem_alloc : memref<!tpu.dma_semaphore, #tpu.memory_space<semaphore_mem>>
      %dma_start3A_133 = arith.constant 0 : i32
      %dma_start3A_134 = tpu.memref_slice %arg4[%mul3A_6, %dma_start3A_133] : memref<2560x128xi32, #tpu.memory_space<hbm>> -> memref<80x128xi32, #tpu.memory_space<hbm>>
      %dma_start3A_135 = arith.constant 0 : i32
      %dma_start3A_136 = tpu.memref_slice %arg4[%mul3A_6, %dma_start3A_135] : memref<2560x128xi32, #tpu.memory_space<hbm>> -> memref<80x128xi32, #tpu.memory_space<hbm>>
      tpu.enqueue_dma source(%dma_start3A_136 : memref<80x128xi32, #tpu.memory_space<hbm>>) target(%arg8 : memref<80x128xi32, #tpu.memory_space<vmem>>) target_semaphore(%run_scoped3A : memref<!tpu.dma_semaphore, #tpu.memory_space<semaphore_mem>>)
      %dma_wait3A_137 = arith.constant 0 : i32
      %dma_wait3A_138 = tpu.memref_slice %arg4[%mul3A_6, %dma_wait3A_137] : memref<2560x128xi32, #tpu.memory_space<hbm>> -> memref<80x128xi32, #tpu.memory_space<hbm>>
      %dma_wait3A_139 = arith.constant 0 : i32
      %dma_wait3A_140 = tpu.memref_slice %arg4[%mul3A_6, %dma_wait3A_139] : memref<2560x128xi32, #tpu.memory_space<hbm>> -> memref<80x128xi32, #tpu.memory_space<hbm>>
      tpu.wait_dma2 semaphore(%run_scoped3A : memref<!tpu.dma_semaphore, #tpu.memory_space<semaphore_mem>>) src(%dma_wait3A_140 : memref<80x128xi32, #tpu.memory_space<hbm>>) dst(%arg8 : memref<80x128xi32, #tpu.memory_space<vmem>>)
      tpu.yield
    }) : () -> ()
    %barrier3A = arith.constant 0 : index
    tpu.barrier barrier_id(%barrier3A)
    %dma_start3A = arith.constant 0 : i32
    %dma_start3A_7 = arith.constant 0 : i32
    %dma_start3A_8 = arith.constant 0 : i32
    %dma_start3A_9 = arith.constant 0 : i32
    %dma_start3A_10 = arith.constant 0 : i32
    %dma_start3A_11 = tpu.memref_slice %arg9[%dma_start3A_7, %dma_start3A_9, %dma_start3A_10] : memref<8x128x32xf32, #tpu.memory_space<vmem>> -> memref<1x128x32xf32, #tpu.memory_space<vmem>>
    %dma_start3A_12 = tpu.memref_squeeze %dma_start3A_11 : memref<1x128x32xf32, #tpu.memory_space<vmem>> -> memref<128x32xf32, #tpu.memory_space<vmem>>
    %dma_start3A_13 = arith.constant 0 : i32
    %dma_start3A_14 = tpu.memref_slice %arg7[%dma_start3A, %dma_start3A_13] : memref<80x128xi32, #tpu.memory_space<vmem>> -> memref<1x128xi32, #tpu.memory_space<vmem>>
    %dma_start3A_15 = tpu.memref_squeeze %dma_start3A_14 : memref<1x128xi32, #tpu.memory_space<vmem>> -> memref<128xi32, #tpu.memory_space<vmem>>
    %dma_start3A_16 = arith.constant 0 : i32
    %dma_start3A_17 = arith.constant 0 : i32
    %dma_start3A_18 = tpu.memref_slice %arg2[%dma_start3A_16, %dma_start3A_17] : memref<10240x32xf32, #tpu.memory_space<hbm>> -> memref<10240x32xf32, #tpu.memory_space<hbm>>
    %dma_start3A_19 = tpu.memref_slice %arg11[%dma_start3A_8] : memref<8x!tpu.dma_semaphore, #tpu.memory_space<semaphore_mem>> -> memref<1x!tpu.dma_semaphore, #tpu.memory_space<semaphore_mem>>
    %dma_start3A_20 = tpu.memref_squeeze %dma_start3A_19 : memref<1x!tpu.dma_semaphore, #tpu.memory_space<semaphore_mem>> -> memref<!tpu.dma_semaphore, #tpu.memory_space<semaphore_mem>>
    tpu.enqueue_indirect_dma source(%dma_start3A_18 : memref<10240x32xf32, #tpu.memory_space<hbm>>) target(%dma_start3A_12 : memref<128x32xf32, #tpu.memory_space<vmem>>) offsets(%dma_start3A_15 : memref<128xi32, #tpu.memory_space<vmem>>) semaphore(%dma_start3A_20 : memref<!tpu.dma_semaphore, #tpu.memory_space<semaphore_mem>>)
    %dma_start3A_21 = arith.constant 1 : i32
    %dma_start3A_22 = arith.constant 1 : i32
    %dma_start3A_23 = arith.constant 1 : i32
    %dma_start3A_24 = arith.constant 0 : i32
    %dma_start3A_25 = arith.constant 0 : i32
    %dma_start3A_26 = tpu.memref_slice %arg9[%dma_start3A_22, %dma_start3A_24, %dma_start3A_25] : memref<8x128x32xf32, #tpu.memory_space<vmem>> -> memref<1x128x32xf32, #tpu.memory_space<vmem>>
    %dma_start3A_27 = tpu.memref_squeeze %dma_start3A_26 : memref<1x128x32xf32, #tpu.memory_space<vmem>> -> memref<128x32xf32, #tpu.memory_space<vmem>>
    %dma_start3A_28 = arith.constant 0 : i32
    %dma_start3A_29 = tpu.memref_slice %arg7[%dma_start3A_21, %dma_start3A_28] : memref<80x128xi32, #tpu.memory_space<vmem>> -> memref<1x128xi32, #tpu.memory_space<vmem>>
    %dma_start3A_30 = tpu.memref_squeeze %dma_start3A_29 : memref<1x128xi32, #tpu.memory_space<vmem>> -> memref<128xi32, #tpu.memory_space<vmem>>
    %dma_start3A_31 = arith.constant 0 : i32
    %dma_start3A_32 = arith.constant 0 : i32
    %dma_start3A_33 = tpu.memref_slice %arg2[%dma_start3A_31, %dma_start3A_32] : memref<10240x32xf32, #tpu.memory_space<hbm>> -> memref<10240x32xf32, #tpu.memory_space<hbm>>
    %dma_start3A_34 = tpu.memref_slice %arg11[%dma_start3A_23] : memref<8x!tpu.dma_semaphore, #tpu.memory_space<semaphore_mem>> -> memref<1x!tpu.dma_semaphore, #tpu.memory_space<semaphore_mem>>
    %dma_start3A_35 = tpu.memref_squeeze %dma_start3A_34 : memref<1x!tpu.dma_semaphore, #tpu.memory_space<semaphore_mem>> -> memref<!tpu.dma_semaphore, #tpu.memory_space<semaphore_mem>>
    tpu.enqueue_indirect_dma source(%dma_start3A_33 : memref<10240x32xf32, #tpu.memory_space<hbm>>) target(%dma_start3A_27 : memref<128x32xf32, #tpu.memory_space<vmem>>) offsets(%dma_start3A_30 : memref<128xi32, #tpu.memory_space<vmem>>) semaphore(%dma_start3A_35 : memref<!tpu.dma_semaphore, #tpu.memory_space<semaphore_mem>>)
    %dma_start3A_36 = arith.constant 2 : i32
    %dma_start3A_37 = arith.constant 2 : i32
    %dma_start3A_38 = arith.constant 2 : i32
    %dma_start3A_39 = arith.constant 0 : i32
    %dma_start3A_40 = arith.constant 0 : i32
    %dma_start3A_41 = tpu.memref_slice %arg9[%dma_start3A_37, %dma_start3A_39, %dma_start3A_40] : memref<8x128x32xf32, #tpu.memory_space<vmem>> -> memref<1x128x32xf32, #tpu.memory_space<vmem>>
    %dma_start3A_42 = tpu.memref_squeeze %dma_start3A_41 : memref<1x128x32xf32, #tpu.memory_space<vmem>> -> memref<128x32xf32, #tpu.memory_space<vmem>>
    %dma_start3A_43 = arith.constant 0 : i32
    %dma_start3A_44 = tpu.memref_slice %arg7[%dma_start3A_36, %dma_start3A_43] : memref<80x128xi32, #tpu.memory_space<vmem>> -> memref<1x128xi32, #tpu.memory_space<vmem>>
    %dma_start3A_45 = tpu.memref_squeeze %dma_start3A_44 : memref<1x128xi32, #tpu.memory_space<vmem>> -> memref<128xi32, #tpu.memory_space<vmem>>
    %dma_start3A_46 = arith.constant 0 : i32
    %dma_start3A_47 = arith.constant 0 : i32
    %dma_start3A_48 = tpu.memref_slice %arg2[%dma_start3A_46, %dma_start3A_47] : memref<10240x32xf32, #tpu.memory_space<hbm>> -> memref<10240x32xf32, #tpu.memory_space<hbm>>
    %dma_start3A_49 = tpu.memref_slice %arg11[%dma_start3A_38] : memref<8x!tpu.dma_semaphore, #tpu.memory_space<semaphore_mem>> -> memref<1x!tpu.dma_semaphore, #tpu.memory_space<semaphore_mem>>
    %dma_start3A_50 = tpu.memref_squeeze %dma_start3A_49 : memref<1x!tpu.dma_semaphore, #tpu.memory_space<semaphore_mem>> -> memref<!tpu.dma_semaphore, #tpu.memory_space<semaphore_mem>>
    tpu.enqueue_indirect_dma source(%dma_start3A_48 : memref<10240x32xf32, #tpu.memory_space<hbm>>) target(%dma_start3A_42 : memref<128x32xf32, #tpu.memory_space<vmem>>) offsets(%dma_start3A_45 : memref<128xi32, #tpu.memory_space<vmem>>) semaphore(%dma_start3A_50 : memref<!tpu.dma_semaphore, #tpu.memory_space<semaphore_mem>>)
    %dma_start3A_51 = arith.constant 3 : i32
    %dma_start3A_52 = arith.constant 3 : i32
    %dma_start3A_53 = arith.constant 3 : i32
    %dma_start3A_54 = arith.constant 0 : i32
    %dma_start3A_55 = arith.constant 0 : i32
    %dma_start3A_56 = tpu.memref_slice %arg9[%dma_start3A_52, %dma_start3A_54, %dma_start3A_55] : memref<8x128x32xf32, #tpu.memory_space<vmem>> -> memref<1x128x32xf32, #tpu.memory_space<vmem>>
    %dma_start3A_57 = tpu.memref_squeeze %dma_start3A_56 : memref<1x128x32xf32, #tpu.memory_space<vmem>> -> memref<128x32xf32, #tpu.memory_space<vmem>>
    %dma_start3A_58 = arith.constant 0 : i32
    %dma_start3A_59 = tpu.memref_slice %arg7[%dma_start3A_51, %dma_start3A_58] : memref<80x128xi32, #tpu.memory_space<vmem>> -> memref<1x128xi32, #tpu.memory_space<vmem>>
    %dma_start3A_60 = tpu.memref_squeeze %dma_start3A_59 : memref<1x128xi32, #tpu.memory_space<vmem>> -> memref<128xi32, #tpu.memory_space<vmem>>
    %dma_start3A_61 = arith.constant 0 : i32
    %dma_start3A_62 = arith.constant 0 : i32
    %dma_start3A_63 = tpu.memref_slice %arg2[%dma_start3A_61, %dma_start3A_62] : memref<10240x32xf32, #tpu.memory_space<hbm>> -> memref<10240x32xf32, #tpu.memory_space<hbm>>
    %dma_start3A_64 = tpu.memref_slice %arg11[%dma_start3A_53] : memref<8x!tpu.dma_semaphore, #tpu.memory_space<semaphore_mem>> -> memref<1x!tpu.dma_semaphore, #tpu.memory_space<semaphore_mem>>
    %dma_start3A_65 = tpu.memref_squeeze %dma_start3A_64 : memref<1x!tpu.dma_semaphore, #tpu.memory_space<semaphore_mem>> -> memref<!tpu.dma_semaphore, #tpu.memory_space<semaphore_mem>>
    tpu.enqueue_indirect_dma source(%dma_start3A_63 : memref<10240x32xf32, #tpu.memory_space<hbm>>) target(%dma_start3A_57 : memref<128x32xf32, #tpu.memory_space<vmem>>) offsets(%dma_start3A_60 : memref<128xi32, #tpu.memory_space<vmem>>) semaphore(%dma_start3A_65 : memref<!tpu.dma_semaphore, #tpu.memory_space<semaphore_mem>>)
    %scan3A = arith.constant 0 : i32
    %scan3A_66 = arith.constant 0 : i32
    %scan3A_67 = arith.constant 10 : i32
    %scan3A_68 = arith.addi %scan3A_66, %scan3A_67 : i32
    %scan3A_69 = arith.constant 1 : i32
    scf.for %scan3A_133 = %scan3A_66 to %scan3A_68 step %scan3A_69  : i32 {
      %mul3A_134 = arith.constant 8 : i32
      %mul3A_135 = arith.muli %scan3A_133, %mul3A_134 : i32
      %add3A_136 = arith.constant 0 : i32
      %add3A_137 = arith.addi %mul3A_135, %add3A_136 : i32
      %dma_wait3A_138 = arith.constant 0 : i32
      %dma_wait3A_139 = arith.constant 0 : i32
      %dma_wait3A_140 = arith.constant 0 : i32
      %dma_wait3A_141 = arith.constant 0 : i32
      %dma_wait3A_142 = tpu.memref_slice %arg9[%dma_wait3A_138, %dma_wait3A_140, %dma_wait3A_141] : memref<8x128x32xf32, #tpu.memory_space<vmem>> -> memref<1x128x32xf32, #tpu.memory_space<vmem>>
      %dma_wait3A_143 = tpu.memref_squeeze %dma_wait3A_142 : memref<1x128x32xf32, #tpu.memory_space<vmem>> -> memref<128x32xf32, #tpu.memory_space<vmem>>
      %dma_wait3A_144 = arith.constant 0 : i32
      %dma_wait3A_145 = tpu.memref_slice %arg7[%add3A_137, %dma_wait3A_144] : memref<80x128xi32, #tpu.memory_space<vmem>> -> memref<1x128xi32, #tpu.memory_space<vmem>>
      %dma_wait3A_146 = tpu.memref_squeeze %dma_wait3A_145 : memref<1x128xi32, #tpu.memory_space<vmem>> -> memref<128xi32, #tpu.memory_space<vmem>>
      %dma_wait3A_147 = arith.constant 0 : i32
      %dma_wait3A_148 = arith.constant 0 : i32
      %dma_wait3A_149 = tpu.memref_slice %arg2[%dma_wait3A_147, %dma_wait3A_148] : memref<10240x32xf32, #tpu.memory_space<hbm>> -> memref<10240x32xf32, #tpu.memory_space<hbm>>
      %dma_wait3A_150 = tpu.memref_slice %arg11[%dma_wait3A_139] : memref<8x!tpu.dma_semaphore, #tpu.memory_space<semaphore_mem>> -> memref<1x!tpu.dma_semaphore, #tpu.memory_space<semaphore_mem>>
      %dma_wait3A_151 = tpu.memref_squeeze %dma_wait3A_150 : memref<1x!tpu.dma_semaphore, #tpu.memory_space<semaphore_mem>> -> memref<!tpu.dma_semaphore, #tpu.memory_space<semaphore_mem>>
      tpu.wait_indirect_dma semaphore(%dma_wait3A_151 : memref<!tpu.dma_semaphore, #tpu.memory_space<semaphore_mem>>) src(%dma_wait3A_149 : memref<10240x32xf32, #tpu.memory_space<hbm>>) dst(%dma_wait3A_143 : memref<128x32xf32, #tpu.memory_space<vmem>>)
      %dma_start3A_152 = arith.constant 0 : i32
      %dma_start3A_153 = arith.constant 0 : i32
      %dma_start3A_154 = arith.constant 0 : i32
      %dma_start3A_155 = arith.constant 0 : i32
      %dma_start3A_156 = tpu.memref_slice %arg9[%dma_start3A_152, %dma_start3A_154, %dma_start3A_155] : memref<8x128x32xf32, #tpu.memory_space<vmem>> -> memref<1x128x32xf32, #tpu.memory_space<vmem>>
      %dma_start3A_157 = tpu.memref_squeeze %dma_start3A_156 : memref<1x128x32xf32, #tpu.memory_space<vmem>> -> memref<128x32xf32, #tpu.memory_space<vmem>>
      %dma_start3A_158 = arith.constant 0 : i32
      %dma_start3A_159 = tpu.memref_slice %arg8[%add3A_137, %dma_start3A_158] : memref<80x128xi32, #tpu.memory_space<vmem>> -> memref<1x128xi32, #tpu.memory_space<vmem>>
      %dma_start3A_160 = tpu.memref_squeeze %dma_start3A_159 : memref<1x128xi32, #tpu.memory_space<vmem>> -> memref<128xi32, #tpu.memory_space<vmem>>
      %dma_start3A_161 = arith.constant 0 : i32
      %dma_start3A_162 = arith.constant 0 : i32
      %dma_start3A_163 = tpu.memref_slice %arg10[%dma_start3A_161, %dma_start3A_162] : memref<10240x32xf32, #tpu.memory_space<vmem_shared>> -> memref<10240x32xf32, #tpu.memory_space<vmem_shared>>
      %dma_start3A_164 = tpu.memref_slice %arg12[%dma_start3A_153] : memref<8x!tpu.dma_semaphore, #tpu.memory_space<semaphore_mem>> -> memref<1x!tpu.dma_semaphore, #tpu.memory_space<semaphore_mem>>
      %dma_start3A_165 = tpu.memref_squeeze %dma_start3A_164 : memref<1x!tpu.dma_semaphore, #tpu.memory_space<semaphore_mem>> -> memref<!tpu.dma_semaphore, #tpu.memory_space<semaphore_mem>>
      tpu.enqueue_indirect_dma source(%dma_start3A_157 : memref<128x32xf32, #tpu.memory_space<vmem>>) target(%dma_start3A_163 : memref<10240x32xf32, #tpu.memory_space<vmem_shared>>) offsets(%dma_start3A_160 : memref<128xi32, #tpu.memory_space<vmem>>) semaphore(%dma_start3A_165 : memref<!tpu.dma_semaphore, #tpu.memory_space<semaphore_mem>>) {add = true}
      %gt3A = arith.constant 0 : i32
      %gt3A_166 = arith.cmpi sgt, %scan3A_133, %gt3A : i32
      %convert_element_type3A = arith.extui %gt3A_166 : i1 to i32
      %cond3A = arith.constant 0 : i32
      %cond3A_167 = arith.cmpi ne, %convert_element_type3A, %cond3A : i32
      scf.if %cond3A_167 {
        %sub3A_553 = arith.constant 4 : i32
        %sub3A_554 = arith.subi %add3A_137, %sub3A_553 : i32
        %dma_wait3A_555 = arith.constant 4 : i32
        %dma_wait3A_556 = arith.constant 4 : i32
        %dma_wait3A_557 = arith.constant 0 : i32
        %dma_wait3A_558 = arith.constant 0 : i32
        %dma_wait3A_559 = tpu.memref_slice %arg9[%dma_wait3A_555, %dma_wait3A_557, %dma_wait3A_558] : memref<8x128x32xf32, #tpu.memory_space<vmem>> -> memref<1x128x32xf32, #tpu.memory_space<vmem>>
        %dma_wait3A_560 = tpu.memref_squeeze %dma_wait3A_559 : memref<1x128x32xf32, #tpu.memory_space<vmem>> -> memref<128x32xf32, #tpu.memory_space<vmem>>
        %dma_wait3A_561 = arith.constant 0 : i32
        %dma_wait3A_562 = tpu.memref_slice %arg8[%sub3A_554, %dma_wait3A_561] : memref<80x128xi32, #tpu.memory_space<vmem>> -> memref<1x128xi32, #tpu.memory_space<vmem>>
        %dma_wait3A_563 = tpu.memref_squeeze %dma_wait3A_562 : memref<1x128xi32, #tpu.memory_space<vmem>> -> memref<128xi32, #tpu.memory_space<vmem>>
        %dma_wait3A_564 = arith.constant 0 : i32
        %dma_wait3A_565 = arith.constant 0 : i32
        %dma_wait3A_566 = tpu.memref_slice %arg10[%dma_wait3A_564, %dma_wait3A_565] : memref<10240x32xf32, #tpu.memory_space<vmem_shared>> -> memref<10240x32xf32, #tpu.memory_space<vmem_shared>>
        %dma_wait3A_567 = tpu.memref_slice %arg12[%dma_wait3A_556] : memref<8x!tpu.dma_semaphore, #tpu.memory_space<semaphore_mem>> -> memref<1x!tpu.dma_semaphore, #tpu.memory_space<semaphore_mem>>
        %dma_wait3A_568 = tpu.memref_squeeze %dma_wait3A_567 : memref<1x!tpu.dma_semaphore, #tpu.memory_space<semaphore_mem>> -> memref<!tpu.dma_semaphore, #tpu.memory_space<semaphore_mem>>
        tpu.wait_indirect_dma semaphore(%dma_wait3A_568 : memref<!tpu.dma_semaphore, #tpu.memory_space<semaphore_mem>>) src(%dma_wait3A_560 : memref<128x32xf32, #tpu.memory_space<vmem>>) dst(%dma_wait3A_566 : memref<10240x32xf32, #tpu.memory_space<vmem_shared>>)
      } else {
      }
      %add3A_168 = arith.constant 4 : i32
      %add3A_169 = arith.addi %add3A_137, %add3A_168 : i32
      %dma_start3A_170 = arith.constant 4 : i32
      %dma_start3A_171 = arith.constant 4 : i32
      %dma_start3A_172 = arith.constant 0 : i32
      %dma_start3A_173 = arith.constant 0 : i32
      %dma_start3A_174 = tpu.memref_slice %arg9[%dma_start3A_170, %dma_start3A_172, %dma_start3A_173] : memref<8x128x32xf32, #tpu.memory_space<vmem>> -> memref<1x128x32xf32, #tpu.memory_space<vmem>>
      %dma_start3A_175 = tpu.memref_squeeze %dma_start3A_174 : memref<1x128x32xf32, #tpu.memory_space<vmem>> -> memref<128x32xf32, #tpu.memory_space<vmem>>
      %dma_start3A_176 = arith.constant 0 : i32
      %dma_start3A_177 = tpu.memref_slice %arg7[%add3A_169, %dma_start3A_176] : memref<80x128xi32, #tpu.memory_space<vmem>> -> memref<1x128xi32, #tpu.memory_space<vmem>>
      %dma_start3A_178 = tpu.memref_squeeze %dma_start3A_177 : memref<1x128xi32, #tpu.memory_space<vmem>> -> memref<128xi32, #tpu.memory_space<vmem>>
      %dma_start3A_179 = arith.constant 0 : i32
      %dma_start3A_180 = arith.constant 0 : i32
      %dma_start3A_181 = tpu.memref_slice %arg2[%dma_start3A_179, %dma_start3A_180] : memref<10240x32xf32, #tpu.memory_space<hbm>> -> memref<10240x32xf32, #tpu.memory_space<hbm>>
      %dma_start3A_182 = tpu.memref_slice %arg11[%dma_start3A_171] : memref<8x!tpu.dma_semaphore, #tpu.memory_space<semaphore_mem>> -> memref<1x!tpu.dma_semaphore, #tpu.memory_space<semaphore_mem>>
      %dma_start3A_183 = tpu.memref_squeeze %dma_start3A_182 : memref<1x!tpu.dma_semaphore, #tpu.memory_space<semaphore_mem>> -> memref<!tpu.dma_semaphore, #tpu.memory_space<semaphore_mem>>
      tpu.enqueue_indirect_dma source(%dma_start3A_181 : memref<10240x32xf32, #tpu.memory_space<hbm>>) target(%dma_start3A_175 : memref<128x32xf32, #tpu.memory_space<vmem>>) offsets(%dma_start3A_178 : memref<128xi32, #tpu.memory_space<vmem>>) semaphore(%dma_start3A_183 : memref<!tpu.dma_semaphore, #tpu.memory_space<semaphore_mem>>)
      %mul3A_184 = arith.constant 8 : i32
      %mul3A_185 = arith.muli %scan3A_133, %mul3A_184 : i32
      %add3A_186 = arith.constant 1 : i32
      %add3A_187 = arith.addi %mul3A_185, %add3A_186 : i32
      %dma_wait3A_188 = arith.constant 1 : i32
      %dma_wait3A_189 = arith.constant 1 : i32
      %dma_wait3A_190 = arith.constant 0 : i32
      %dma_wait3A_191 = arith.constant 0 : i32
      %dma_wait3A_192 = tpu.memref_slice %arg9[%dma_wait3A_188, %dma_wait3A_190, %dma_wait3A_191] : memref<8x128x32xf32, #tpu.memory_space<vmem>> -> memref<1x128x32xf32, #tpu.memory_space<vmem>>
      %dma_wait3A_193 = tpu.memref_squeeze %dma_wait3A_192 : memref<1x128x32xf32, #tpu.memory_space<vmem>> -> memref<128x32xf32, #tpu.memory_space<vmem>>
      %dma_wait3A_194 = arith.constant 0 : i32
      %dma_wait3A_195 = tpu.memref_slice %arg7[%add3A_187, %dma_wait3A_194] : memref<80x128xi32, #tpu.memory_space<vmem>> -> memref<1x128xi32, #tpu.memory_space<vmem>>
      %dma_wait3A_196 = tpu.memref_squeeze %dma_wait3A_195 : memref<1x128xi32, #tpu.memory_space<vmem>> -> memref<128xi32, #tpu.memory_space<vmem>>
      %dma_wait3A_197 = arith.constant 0 : i32
      %dma_wait3A_198 = arith.constant 0 : i32
      %dma_wait3A_199 = tpu.memref_slice %arg2[%dma_wait3A_197, %dma_wait3A_198] : memref<10240x32xf32, #tpu.memory_space<hbm>> -> memref<10240x32xf32, #tpu.memory_space<hbm>>
      %dma_wait3A_200 = tpu.memref_slice %arg11[%dma_wait3A_189] : memref<8x!tpu.dma_semaphore, #tpu.memory_space<semaphore_mem>> -> memref<1x!tpu.dma_semaphore, #tpu.memory_space<semaphore_mem>>
      %dma_wait3A_201 = tpu.memref_squeeze %dma_wait3A_200 : memref<1x!tpu.dma_semaphore, #tpu.memory_space<semaphore_mem>> -> memref<!tpu.dma_semaphore, #tpu.memory_space<semaphore_mem>>
      tpu.wait_indirect_dma semaphore(%dma_wait3A_201 : memref<!tpu.dma_semaphore, #tpu.memory_space<semaphore_mem>>) src(%dma_wait3A_199 : memref<10240x32xf32, #tpu.memory_space<hbm>>) dst(%dma_wait3A_193 : memref<128x32xf32, #tpu.memory_space<vmem>>)
      %dma_start3A_202 = arith.constant 1 : i32
      %dma_start3A_203 = arith.constant 1 : i32
      %dma_start3A_204 = arith.constant 0 : i32
      %dma_start3A_205 = arith.constant 0 : i32
      %dma_start3A_206 = tpu.memref_slice %arg9[%dma_start3A_202, %dma_start3A_204, %dma_start3A_205] : memref<8x128x32xf32, #tpu.memory_space<vmem>> -> memref<1x128x32xf32, #tpu.memory_space<vmem>>
      %dma_start3A_207 = tpu.memref_squeeze %dma_start3A_206 : memref<1x128x32xf32, #tpu.memory_space<vmem>> -> memref<128x32xf32, #tpu.memory_space<vmem>>
      %dma_start3A_208 = arith.constant 0 : i32
      %dma_start3A_209 = tpu.memref_slice %arg8[%add3A_187, %dma_start3A_208] : memref<80x128xi32, #tpu.memory_space<vmem>> -> memref<1x128xi32, #tpu.memory_space<vmem>>
      %dma_start3A_210 = tpu.memref_squeeze %dma_start3A_209 : memref<1x128xi32, #tpu.memory_space<vmem>> -> memref<128xi32, #tpu.memory_space<vmem>>
      %dma_start3A_211 = arith.constant 0 : i32
      %dma_start3A_212 = arith.constant 0 : i32
      %dma_start3A_213 = tpu.memref_slice %arg10[%dma_start3A_211, %dma_start3A_212] : memref<10240x32xf32, #tpu.memory_space<vmem_shared>> -> memref<10240x32xf32, #tpu.memory_space<vmem_shared>>
      %dma_start3A_214 = tpu.memref_slice %arg12[%dma_start3A_203] : memref<8x!tpu.dma_semaphore, #tpu.memory_space<semaphore_mem>> -> memref<1x!tpu.dma_semaphore, #tpu.memory_space<semaphore_mem>>
      %dma_start3A_215 = tpu.memref_squeeze %dma_start3A_214 : memref<1x!tpu.dma_semaphore, #tpu.memory_space<semaphore_mem>> -> memref<!tpu.dma_semaphore, #tpu.memory_space<semaphore_mem>>
      tpu.enqueue_indirect_dma source(%dma_start3A_207 : memref<128x32xf32, #tpu.memory_space<vmem>>) target(%dma_start3A_213 : memref<10240x32xf32, #tpu.memory_space<vmem_shared>>) offsets(%dma_start3A_210 : memref<128xi32, #tpu.memory_space<vmem>>) semaphore(%dma_start3A_215 : memref<!tpu.dma_semaphore, #tpu.memory_space<semaphore_mem>>) {add = true}
      %gt3A_216 = arith.constant 0 : i32
      %gt3A_217 = arith.cmpi sgt, %scan3A_133, %gt3A_216 : i32
      %convert_element_type3A_218 = arith.extui %gt3A_217 : i1 to i32
      %cond3A_219 = arith.constant 0 : i32
      %cond3A_220 = arith.cmpi ne, %convert_element_type3A_218, %cond3A_219 : i32
      scf.if %cond3A_220 {
        %sub3A_553 = arith.constant 4 : i32
        %sub3A_554 = arith.subi %add3A_187, %sub3A_553 : i32
        %dma_wait3A_555 = arith.constant 5 : i32
        %dma_wait3A_556 = arith.constant 5 : i32
        %dma_wait3A_557 = arith.constant 0 : i32
        %dma_wait3A_558 = arith.constant 0 : i32
        %dma_wait3A_559 = tpu.memref_slice %arg9[%dma_wait3A_555, %dma_wait3A_557, %dma_wait3A_558] : memref<8x128x32xf32, #tpu.memory_space<vmem>> -> memref<1x128x32xf32, #tpu.memory_space<vmem>>
        %dma_wait3A_560 = tpu.memref_squeeze %dma_wait3A_559 : memref<1x128x32xf32, #tpu.memory_space<vmem>> -> memref<128x32xf32, #tpu.memory_space<vmem>>
        %dma_wait3A_561 = arith.constant 0 : i32
        %dma_wait3A_562 = tpu.memref_slice %arg8[%sub3A_554, %dma_wait3A_561] : memref<80x128xi32, #tpu.memory_space<vmem>> -> memref<1x128xi32, #tpu.memory_space<vmem>>
        %dma_wait3A_563 = tpu.memref_squeeze %dma_wait3A_562 : memref<1x128xi32, #tpu.memory_space<vmem>> -> memref<128xi32, #tpu.memory_space<vmem>>
        %dma_wait3A_564 = arith.constant 0 : i32
        %dma_wait3A_565 = arith.constant 0 : i32
        %dma_wait3A_566 = tpu.memref_slice %arg10[%dma_wait3A_564, %dma_wait3A_565] : memref<10240x32xf32, #tpu.memory_space<vmem_shared>> -> memref<10240x32xf32, #tpu.memory_space<vmem_shared>>
        %dma_wait3A_567 = tpu.memref_slice %arg12[%dma_wait3A_556] : memref<8x!tpu.dma_semaphore, #tpu.memory_space<semaphore_mem>> -> memref<1x!tpu.dma_semaphore, #tpu.memory_space<semaphore_mem>>
        %dma_wait3A_568 = tpu.memref_squeeze %dma_wait3A_567 : memref<1x!tpu.dma_semaphore, #tpu.memory_space<semaphore_mem>> -> memref<!tpu.dma_semaphore, #tpu.memory_space<semaphore_mem>>
        tpu.wait_indirect_dma semaphore(%dma_wait3A_568 : memref<!tpu.dma_semaphore, #tpu.memory_space<semaphore_mem>>) src(%dma_wait3A_560 : memref<128x32xf32, #tpu.memory_space<vmem>>) dst(%dma_wait3A_566 : memref<10240x32xf32, #tpu.memory_space<vmem_shared>>)
      } else {
      }
      %add3A_221 = arith.constant 4 : i32
      %add3A_222 = arith.addi %add3A_187, %add3A_221 : i32
      %dma_start3A_223 = arith.constant 5 : i32
      %dma_start3A_224 = arith.constant 5 : i32
      %dma_start3A_225 = arith.constant 0 : i32
      %dma_start3A_226 = arith.constant 0 : i32
      %dma_start3A_227 = tpu.memref_slice %arg9[%dma_start3A_223, %dma_start3A_225, %dma_start3A_226] : memref<8x128x32xf32, #tpu.memory_space<vmem>> -> memref<1x128x32xf32, #tpu.memory_space<vmem>>
      %dma_start3A_228 = tpu.memref_squeeze %dma_start3A_227 : memref<1x128x32xf32, #tpu.memory_space<vmem>> -> memref<128x32xf32, #tpu.memory_space<vmem>>
      %dma_start3A_229 = arith.constant 0 : i32
      %dma_start3A_230 = tpu.memref_slice %arg7[%add3A_222, %dma_start3A_229] : memref<80x128xi32, #tpu.memory_space<vmem>> -> memref<1x128xi32, #tpu.memory_space<vmem>>
      %dma_start3A_231 = tpu.memref_squeeze %dma_start3A_230 : memref<1x128xi32, #tpu.memory_space<vmem>> -> memref<128xi32, #tpu.memory_space<vmem>>
      %dma_start3A_232 = arith.constant 0 : i32
      %dma_start3A_233 = arith.constant 0 : i32
      %dma_start3A_234 = tpu.memref_slice %arg2[%dma_start3A_232, %dma_start3A_233] : memref<10240x32xf32, #tpu.memory_space<hbm>> -> memref<10240x32xf32, #tpu.memory_space<hbm>>
      %dma_start3A_235 = tpu.memref_slice %arg11[%dma_start3A_224] : memref<8x!tpu.dma_semaphore, #tpu.memory_space<semaphore_mem>> -> memref<1x!tpu.dma_semaphore, #tpu.memory_space<semaphore_mem>>
      %dma_start3A_236 = tpu.memref_squeeze %dma_start3A_235 : memref<1x!tpu.dma_semaphore, #tpu.memory_space<semaphore_mem>> -> memref<!tpu.dma_semaphore, #tpu.memory_space<semaphore_mem>>
      tpu.enqueue_indirect_dma source(%dma_start3A_234 : memref<10240x32xf32, #tpu.memory_space<hbm>>) target(%dma_start3A_228 : memref<128x32xf32, #tpu.memory_space<vmem>>) offsets(%dma_start3A_231 : memref<128xi32, #tpu.memory_space<vmem>>) semaphore(%dma_start3A_236 : memref<!tpu.dma_semaphore, #tpu.memory_space<semaphore_mem>>)
      %mul3A_237 = arith.constant 8 : i32
      %mul3A_238 = arith.muli %scan3A_133, %mul3A_237 : i32
      %add3A_239 = arith.constant 2 : i32
      %add3A_240 = arith.addi %mul3A_238, %add3A_239 : i32
      %dma_wait3A_241 = arith.constant 2 : i32
      %dma_wait3A_242 = arith.constant 2 : i32
      %dma_wait3A_243 = arith.constant 0 : i32
      %dma_wait3A_244 = arith.constant 0 : i32
      %dma_wait3A_245 = tpu.memref_slice %arg9[%dma_wait3A_241, %dma_wait3A_243, %dma_wait3A_244] : memref<8x128x32xf32, #tpu.memory_space<vmem>> -> memref<1x128x32xf32, #tpu.memory_space<vmem>>
      %dma_wait3A_246 = tpu.memref_squeeze %dma_wait3A_245 : memref<1x128x32xf32, #tpu.memory_space<vmem>> -> memref<128x32xf32, #tpu.memory_space<vmem>>
      %dma_wait3A_247 = arith.constant 0 : i32
      %dma_wait3A_248 = tpu.memref_slice %arg7[%add3A_240, %dma_wait3A_247] : memref<80x128xi32, #tpu.memory_space<vmem>> -> memref<1x128xi32, #tpu.memory_space<vmem>>
      %dma_wait3A_249 = tpu.memref_squeeze %dma_wait3A_248 : memref<1x128xi32, #tpu.memory_space<vmem>> -> memref<128xi32, #tpu.memory_space<vmem>>
      %dma_wait3A_250 = arith.constant 0 : i32
      %dma_wait3A_251 = arith.constant 0 : i32
      %dma_wait3A_252 = tpu.memref_slice %arg2[%dma_wait3A_250, %dma_wait3A_251] : memref<10240x32xf32, #tpu.memory_space<hbm>> -> memref<10240x32xf32, #tpu.memory_space<hbm>>
      %dma_wait3A_253 = tpu.memref_slice %arg11[%dma_wait3A_242] : memref<8x!tpu.dma_semaphore, #tpu.memory_space<semaphore_mem>> -> memref<1x!tpu.dma_semaphore, #tpu.memory_space<semaphore_mem>>
      %dma_wait3A_254 = tpu.memref_squeeze %dma_wait3A_253 : memref<1x!tpu.dma_semaphore, #tpu.memory_space<semaphore_mem>> -> memref<!tpu.dma_semaphore, #tpu.memory_space<semaphore_mem>>
      tpu.wait_indirect_dma semaphore(%dma_wait3A_254 : memref<!tpu.dma_semaphore, #tpu.memory_space<semaphore_mem>>) src(%dma_wait3A_252 : memref<10240x32xf32, #tpu.memory_space<hbm>>) dst(%dma_wait3A_246 : memref<128x32xf32, #tpu.memory_space<vmem>>)
      %dma_start3A_255 = arith.constant 2 : i32
      %dma_start3A_256 = arith.constant 2 : i32
      %dma_start3A_257 = arith.constant 0 : i32
      %dma_start3A_258 = arith.constant 0 : i32
      %dma_start3A_259 = tpu.memref_slice %arg9[%dma_start3A_255, %dma_start3A_257, %dma_start3A_258] : memref<8x128x32xf32, #tpu.memory_space<vmem>> -> memref<1x128x32xf32, #tpu.memory_space<vmem>>
      %dma_start3A_260 = tpu.memref_squeeze %dma_start3A_259 : memref<1x128x32xf32, #tpu.memory_space<vmem>> -> memref<128x32xf32, #tpu.memory_space<vmem>>
      %dma_start3A_261 = arith.constant 0 : i32
      %dma_start3A_262 = tpu.memref_slice %arg8[%add3A_240, %dma_start3A_261] : memref<80x128xi32, #tpu.memory_space<vmem>> -> memref<1x128xi32, #tpu.memory_space<vmem>>
      %dma_start3A_263 = tpu.memref_squeeze %dma_start3A_262 : memref<1x128xi32, #tpu.memory_space<vmem>> -> memref<128xi32, #tpu.memory_space<vmem>>
      %dma_start3A_264 = arith.constant 0 : i32
      %dma_start3A_265 = arith.constant 0 : i32
      %dma_start3A_266 = tpu.memref_slice %arg10[%dma_start3A_264, %dma_start3A_265] : memref<10240x32xf32, #tpu.memory_space<vmem_shared>> -> memref<10240x32xf32, #tpu.memory_space<vmem_shared>>
      %dma_start3A_267 = tpu.memref_slice %arg12[%dma_start3A_256] : memref<8x!tpu.dma_semaphore, #tpu.memory_space<semaphore_mem>> -> memref<1x!tpu.dma_semaphore, #tpu.memory_space<semaphore_mem>>
      %dma_start3A_268 = tpu.memref_squeeze %dma_start3A_267 : memref<1x!tpu.dma_semaphore, #tpu.memory_space<semaphore_mem>> -> memref<!tpu.dma_semaphore, #tpu.memory_space<semaphore_mem>>
      tpu.enqueue_indirect_dma source(%dma_start3A_260 : memref<128x32xf32, #tpu.memory_space<vmem>>) target(%dma_start3A_266 : memref<10240x32xf32, #tpu.memory_space<vmem_shared>>) offsets(%dma_start3A_263 : memref<128xi32, #tpu.memory_space<vmem>>) semaphore(%dma_start3A_268 : memref<!tpu.dma_semaphore, #tpu.memory_space<semaphore_mem>>) {add = true}
      %gt3A_269 = arith.constant 0 : i32
      %gt3A_270 = arith.cmpi sgt, %scan3A_133, %gt3A_269 : i32
      %convert_element_type3A_271 = arith.extui %gt3A_270 : i1 to i32
      %cond3A_272 = arith.constant 0 : i32
      %cond3A_273 = arith.cmpi ne, %convert_element_type3A_271, %cond3A_272 : i32
      scf.if %cond3A_273 {
        %sub3A_553 = arith.constant 4 : i32
        %sub3A_554 = arith.subi %add3A_240, %sub3A_553 : i32
        %dma_wait3A_555 = arith.constant 6 : i32
        %dma_wait3A_556 = arith.constant 6 : i32
        %dma_wait3A_557 = arith.constant 0 : i32
        %dma_wait3A_558 = arith.constant 0 : i32
        %dma_wait3A_559 = tpu.memref_slice %arg9[%dma_wait3A_555, %dma_wait3A_557, %dma_wait3A_558] : memref<8x128x32xf32, #tpu.memory_space<vmem>> -> memref<1x128x32xf32, #tpu.memory_space<vmem>>
        %dma_wait3A_560 = tpu.memref_squeeze %dma_wait3A_559 : memref<1x128x32xf32, #tpu.memory_space<vmem>> -> memref<128x32xf32, #tpu.memory_space<vmem>>
        %dma_wait3A_561 = arith.constant 0 : i32
        %dma_wait3A_562 = tpu.memref_slice %arg8[%sub3A_554, %dma_wait3A_561] : memref<80x128xi32, #tpu.memory_space<vmem>> -> memref<1x128xi32, #tpu.memory_space<vmem>>
        %dma_wait3A_563 = tpu.memref_squeeze %dma_wait3A_562 : memref<1x128xi32, #tpu.memory_space<vmem>> -> memref<128xi32, #tpu.memory_space<vmem>>
        %dma_wait3A_564 = arith.constant 0 : i32
        %dma_wait3A_565 = arith.constant 0 : i32
        %dma_wait3A_566 = tpu.memref_slice %arg10[%dma_wait3A_564, %dma_wait3A_565] : memref<10240x32xf32, #tpu.memory_space<vmem_shared>> -> memref<10240x32xf32, #tpu.memory_space<vmem_shared>>
        %dma_wait3A_567 = tpu.memref_slice %arg12[%dma_wait3A_556] : memref<8x!tpu.dma_semaphore, #tpu.memory_space<semaphore_mem>> -> memref<1x!tpu.dma_semaphore, #tpu.memory_space<semaphore_mem>>
        %dma_wait3A_568 = tpu.memref_squeeze %dma_wait3A_567 : memref<1x!tpu.dma_semaphore, #tpu.memory_space<semaphore_mem>> -> memref<!tpu.dma_semaphore, #tpu.memory_space<semaphore_mem>>
        tpu.wait_indirect_dma semaphore(%dma_wait3A_568 : memref<!tpu.dma_semaphore, #tpu.memory_space<semaphore_mem>>) src(%dma_wait3A_560 : memref<128x32xf32, #tpu.memory_space<vmem>>) dst(%dma_wait3A_566 : memref<10240x32xf32, #tpu.memory_space<vmem_shared>>)
      } else {
      }
      %add3A_274 = arith.constant 4 : i32
      %add3A_275 = arith.addi %add3A_240, %add3A_274 : i32
      %dma_start3A_276 = arith.constant 6 : i32
      %dma_start3A_277 = arith.constant 6 : i32
      %dma_start3A_278 = arith.constant 0 : i32
      %dma_start3A_279 = arith.constant 0 : i32
      %dma_start3A_280 = tpu.memref_slice %arg9[%dma_start3A_276, %dma_start3A_278, %dma_start3A_279] : memref<8x128x32xf32, #tpu.memory_space<vmem>> -> memref<1x128x32xf32, #tpu.memory_space<vmem>>
      %dma_start3A_281 = tpu.memref_squeeze %dma_start3A_280 : memref<1x128x32xf32, #tpu.memory_space<vmem>> -> memref<128x32xf32, #tpu.memory_space<vmem>>
      %dma_start3A_282 = arith.constant 0 : i32
      %dma_start3A_283 = tpu.memref_slice %arg7[%add3A_275, %dma_start3A_282] : memref<80x128xi32, #tpu.memory_space<vmem>> -> memref<1x128xi32, #tpu.memory_space<vmem>>
      %dma_start3A_284 = tpu.memref_squeeze %dma_start3A_283 : memref<1x128xi32, #tpu.memory_space<vmem>> -> memref<128xi32, #tpu.memory_space<vmem>>
      %dma_start3A_285 = arith.constant 0 : i32
      %dma_start3A_286 = arith.constant 0 : i32
      %dma_start3A_287 = tpu.memref_slice %arg2[%dma_start3A_285, %dma_start3A_286] : memref<10240x32xf32, #tpu.memory_space<hbm>> -> memref<10240x32xf32, #tpu.memory_space<hbm>>
      %dma_start3A_288 = tpu.memref_slice %arg11[%dma_start3A_277] : memref<8x!tpu.dma_semaphore, #tpu.memory_space<semaphore_mem>> -> memref<1x!tpu.dma_semaphore, #tpu.memory_space<semaphore_mem>>
      %dma_start3A_289 = tpu.memref_squeeze %dma_start3A_288 : memref<1x!tpu.dma_semaphore, #tpu.memory_space<semaphore_mem>> -> memref<!tpu.dma_semaphore, #tpu.memory_space<semaphore_mem>>
      tpu.enqueue_indirect_dma source(%dma_start3A_287 : memref<10240x32xf32, #tpu.memory_space<hbm>>) target(%dma_start3A_281 : memref<128x32xf32, #tpu.memory_space<vmem>>) offsets(%dma_start3A_284 : memref<128xi32, #tpu.memory_space<vmem>>) semaphore(%dma_start3A_289 : memref<!tpu.dma_semaphore, #tpu.memory_space<semaphore_mem>>)
      %mul3A_290 = arith.constant 8 : i32
      %mul3A_291 = arith.muli %scan3A_133, %mul3A_290 : i32
      %add3A_292 = arith.constant 3 : i32
      %add3A_293 = arith.addi %mul3A_291, %add3A_292 : i32
      %dma_wait3A_294 = arith.constant 3 : i32
      %dma_wait3A_295 = arith.constant 3 : i32
      %dma_wait3A_296 = arith.constant 0 : i32
      %dma_wait3A_297 = arith.constant 0 : i32
      %dma_wait3A_298 = tpu.memref_slice %arg9[%dma_wait3A_294, %dma_wait3A_296, %dma_wait3A_297] : memref<8x128x32xf32, #tpu.memory_space<vmem>> -> memref<1x128x32xf32, #tpu.memory_space<vmem>>
      %dma_wait3A_299 = tpu.memref_squeeze %dma_wait3A_298 : memref<1x128x32xf32, #tpu.memory_space<vmem>> -> memref<128x32xf32, #tpu.memory_space<vmem>>
      %dma_wait3A_300 = arith.constant 0 : i32
      %dma_wait3A_301 = tpu.memref_slice %arg7[%add3A_293, %dma_wait3A_300] : memref<80x128xi32, #tpu.memory_space<vmem>> -> memref<1x128xi32, #tpu.memory_space<vmem>>
      %dma_wait3A_302 = tpu.memref_squeeze %dma_wait3A_301 : memref<1x128xi32, #tpu.memory_space<vmem>> -> memref<128xi32, #tpu.memory_space<vmem>>
      %dma_wait3A_303 = arith.constant 0 : i32
      %dma_wait3A_304 = arith.constant 0 : i32
      %dma_wait3A_305 = tpu.memref_slice %arg2[%dma_wait3A_303, %dma_wait3A_304] : memref<10240x32xf32, #tpu.memory_space<hbm>> -> memref<10240x32xf32, #tpu.memory_space<hbm>>
      %dma_wait3A_306 = tpu.memref_slice %arg11[%dma_wait3A_295] : memref<8x!tpu.dma_semaphore, #tpu.memory_space<semaphore_mem>> -> memref<1x!tpu.dma_semaphore, #tpu.memory_space<semaphore_mem>>
      %dma_wait3A_307 = tpu.memref_squeeze %dma_wait3A_306 : memref<1x!tpu.dma_semaphore, #tpu.memory_space<semaphore_mem>> -> memref<!tpu.dma_semaphore, #tpu.memory_space<semaphore_mem>>
      tpu.wait_indirect_dma semaphore(%dma_wait3A_307 : memref<!tpu.dma_semaphore, #tpu.memory_space<semaphore_mem>>) src(%dma_wait3A_305 : memref<10240x32xf32, #tpu.memory_space<hbm>>) dst(%dma_wait3A_299 : memref<128x32xf32, #tpu.memory_space<vmem>>)
      %dma_start3A_308 = arith.constant 3 : i32
      %dma_start3A_309 = arith.constant 3 : i32
      %dma_start3A_310 = arith.constant 0 : i32
      %dma_start3A_311 = arith.constant 0 : i32
      %dma_start3A_312 = tpu.memref_slice %arg9[%dma_start3A_308, %dma_start3A_310, %dma_start3A_311] : memref<8x128x32xf32, #tpu.memory_space<vmem>> -> memref<1x128x32xf32, #tpu.memory_space<vmem>>
      %dma_start3A_313 = tpu.memref_squeeze %dma_start3A_312 : memref<1x128x32xf32, #tpu.memory_space<vmem>> -> memref<128x32xf32, #tpu.memory_space<vmem>>
      %dma_start3A_314 = arith.constant 0 : i32
      %dma_start3A_315 = tpu.memref_slice %arg8[%add3A_293, %dma_start3A_314] : memref<80x128xi32, #tpu.memory_space<vmem>> -> memref<1x128xi32, #tpu.memory_space<vmem>>
      %dma_start3A_316 = tpu.memref_squeeze %dma_start3A_315 : memref<1x128xi32, #tpu.memory_space<vmem>> -> memref<128xi32, #tpu.memory_space<vmem>>
      %dma_start3A_317 = arith.constant 0 : i32
      %dma_start3A_318 = arith.constant 0 : i32
      %dma_start3A_319 = tpu.memref_slice %arg10[%dma_start3A_317, %dma_start3A_318] : memref<10240x32xf32, #tpu.memory_space<vmem_shared>> -> memref<10240x32xf32, #tpu.memory_space<vmem_shared>>
      %dma_start3A_320 = tpu.memref_slice %arg12[%dma_start3A_309] : memref<8x!tpu.dma_semaphore, #tpu.memory_space<semaphore_mem>> -> memref<1x!tpu.dma_semaphore, #tpu.memory_space<semaphore_mem>>
      %dma_start3A_321 = tpu.memref_squeeze %dma_start3A_320 : memref<1x!tpu.dma_semaphore, #tpu.memory_space<semaphore_mem>> -> memref<!tpu.dma_semaphore, #tpu.memory_space<semaphore_mem>>
      tpu.enqueue_indirect_dma source(%dma_start3A_313 : memref<128x32xf32, #tpu.memory_space<vmem>>) target(%dma_start3A_319 : memref<10240x32xf32, #tpu.memory_space<vmem_shared>>) offsets(%dma_start3A_316 : memref<128xi32, #tpu.memory_space<vmem>>) semaphore(%dma_start3A_321 : memref<!tpu.dma_semaphore, #tpu.memory_space<semaphore_mem>>) {add = true}
      %gt3A_322 = arith.constant 0 : i32
      %gt3A_323 = arith.cmpi sgt, %scan3A_133, %gt3A_322 : i32
      %convert_element_type3A_324 = arith.extui %gt3A_323 : i1 to i32
      %cond3A_325 = arith.constant 0 : i32
      %cond3A_326 = arith.cmpi ne, %convert_element_type3A_324, %cond3A_325 : i32
      scf.if %cond3A_326 {
        %sub3A_553 = arith.constant 4 : i32
        %sub3A_554 = arith.subi %add3A_293, %sub3A_553 : i32
        %dma_wait3A_555 = arith.constant 7 : i32
        %dma_wait3A_556 = arith.constant 7 : i32
        %dma_wait3A_557 = arith.constant 0 : i32
        %dma_wait3A_558 = arith.constant 0 : i32
        %dma_wait3A_559 = tpu.memref_slice %arg9[%dma_wait3A_555, %dma_wait3A_557, %dma_wait3A_558] : memref<8x128x32xf32, #tpu.memory_space<vmem>> -> memref<1x128x32xf32, #tpu.memory_space<vmem>>
        %dma_wait3A_560 = tpu.memref_squeeze %dma_wait3A_559 : memref<1x128x32xf32, #tpu.memory_space<vmem>> -> memref<128x32xf32, #tpu.memory_space<vmem>>
        %dma_wait3A_561 = arith.constant 0 : i32
        %dma_wait3A_562 = tpu.memref_slice %arg8[%sub3A_554, %dma_wait3A_561] : memref<80x128xi32, #tpu.memory_space<vmem>> -> memref<1x128xi32, #tpu.memory_space<vmem>>
        %dma_wait3A_563 = tpu.memref_squeeze %dma_wait3A_562 : memref<1x128xi32, #tpu.memory_space<vmem>> -> memref<128xi32, #tpu.memory_space<vmem>>
        %dma_wait3A_564 = arith.constant 0 : i32
        %dma_wait3A_565 = arith.constant 0 : i32
        %dma_wait3A_566 = tpu.memref_slice %arg10[%dma_wait3A_564, %dma_wait3A_565] : memref<10240x32xf32, #tpu.memory_space<vmem_shared>> -> memref<10240x32xf32, #tpu.memory_space<vmem_shared>>
        %dma_wait3A_567 = tpu.memref_slice %arg12[%dma_wait3A_556] : memref<8x!tpu.dma_semaphore, #tpu.memory_space<semaphore_mem>> -> memref<1x!tpu.dma_semaphore, #tpu.memory_space<semaphore_mem>>
        %dma_wait3A_568 = tpu.memref_squeeze %dma_wait3A_567 : memref<1x!tpu.dma_semaphore, #tpu.memory_space<semaphore_mem>> -> memref<!tpu.dma_semaphore, #tpu.memory_space<semaphore_mem>>
        tpu.wait_indirect_dma semaphore(%dma_wait3A_568 : memref<!tpu.dma_semaphore, #tpu.memory_space<semaphore_mem>>) src(%dma_wait3A_560 : memref<128x32xf32, #tpu.memory_space<vmem>>) dst(%dma_wait3A_566 : memref<10240x32xf32, #tpu.memory_space<vmem_shared>>)
      } else {
      }
      %add3A_327 = arith.constant 4 : i32
      %add3A_328 = arith.addi %add3A_293, %add3A_327 : i32
      %dma_start3A_329 = arith.constant 7 : i32
      %dma_start3A_330 = arith.constant 7 : i32
      %dma_start3A_331 = arith.constant 0 : i32
      %dma_start3A_332 = arith.constant 0 : i32
      %dma_start3A_333 = tpu.memref_slice %arg9[%dma_start3A_329, %dma_start3A_331, %dma_start3A_332] : memref<8x128x32xf32, #tpu.memory_space<vmem>> -> memref<1x128x32xf32, #tpu.memory_space<vmem>>
      %dma_start3A_334 = tpu.memref_squeeze %dma_start3A_333 : memref<1x128x32xf32, #tpu.memory_space<vmem>> -> memref<128x32xf32, #tpu.memory_space<vmem>>
      %dma_start3A_335 = arith.constant 0 : i32
      %dma_start3A_336 = tpu.memref_slice %arg7[%add3A_328, %dma_start3A_335] : memref<80x128xi32, #tpu.memory_space<vmem>> -> memref<1x128xi32, #tpu.memory_space<vmem>>
      %dma_start3A_337 = tpu.memref_squeeze %dma_start3A_336 : memref<1x128xi32, #tpu.memory_space<vmem>> -> memref<128xi32, #tpu.memory_space<vmem>>
      %dma_start3A_338 = arith.constant 0 : i32
      %dma_start3A_339 = arith.constant 0 : i32
      %dma_start3A_340 = tpu.memref_slice %arg2[%dma_start3A_338, %dma_start3A_339] : memref<10240x32xf32, #tpu.memory_space<hbm>> -> memref<10240x32xf32, #tpu.memory_space<hbm>>
      %dma_start3A_341 = tpu.memref_slice %arg11[%dma_start3A_330] : memref<8x!tpu.dma_semaphore, #tpu.memory_space<semaphore_mem>> -> memref<1x!tpu.dma_semaphore, #tpu.memory_space<semaphore_mem>>
      %dma_start3A_342 = tpu.memref_squeeze %dma_start3A_341 : memref<1x!tpu.dma_semaphore, #tpu.memory_space<semaphore_mem>> -> memref<!tpu.dma_semaphore, #tpu.memory_space<semaphore_mem>>
      tpu.enqueue_indirect_dma source(%dma_start3A_340 : memref<10240x32xf32, #tpu.memory_space<hbm>>) target(%dma_start3A_334 : memref<128x32xf32, #tpu.memory_space<vmem>>) offsets(%dma_start3A_337 : memref<128xi32, #tpu.memory_space<vmem>>) semaphore(%dma_start3A_342 : memref<!tpu.dma_semaphore, #tpu.memory_space<semaphore_mem>>)
      %mul3A_343 = arith.constant 8 : i32
      %mul3A_344 = arith.muli %scan3A_133, %mul3A_343 : i32
      %add3A_345 = arith.constant 4 : i32
      %add3A_346 = arith.addi %mul3A_344, %add3A_345 : i32
      %dma_wait3A_347 = arith.constant 4 : i32
      %dma_wait3A_348 = arith.constant 4 : i32
      %dma_wait3A_349 = arith.constant 0 : i32
      %dma_wait3A_350 = arith.constant 0 : i32
      %dma_wait3A_351 = tpu.memref_slice %arg9[%dma_wait3A_347, %dma_wait3A_349, %dma_wait3A_350] : memref<8x128x32xf32, #tpu.memory_space<vmem>> -> memref<1x128x32xf32, #tpu.memory_space<vmem>>
      %dma_wait3A_352 = tpu.memref_squeeze %dma_wait3A_351 : memref<1x128x32xf32, #tpu.memory_space<vmem>> -> memref<128x32xf32, #tpu.memory_space<vmem>>
      %dma_wait3A_353 = arith.constant 0 : i32
      %dma_wait3A_354 = tpu.memref_slice %arg7[%add3A_346, %dma_wait3A_353] : memref<80x128xi32, #tpu.memory_space<vmem>> -> memref<1x128xi32, #tpu.memory_space<vmem>>
      %dma_wait3A_355 = tpu.memref_squeeze %dma_wait3A_354 : memref<1x128xi32, #tpu.memory_space<vmem>> -> memref<128xi32, #tpu.memory_space<vmem>>
      %dma_wait3A_356 = arith.constant 0 : i32
      %dma_wait3A_357 = arith.constant 0 : i32
      %dma_wait3A_358 = tpu.memref_slice %arg2[%dma_wait3A_356, %dma_wait3A_357] : memref<10240x32xf32, #tpu.memory_space<hbm>> -> memref<10240x32xf32, #tpu.memory_space<hbm>>
      %dma_wait3A_359 = tpu.memref_slice %arg11[%dma_wait3A_348] : memref<8x!tpu.dma_semaphore, #tpu.memory_space<semaphore_mem>> -> memref<1x!tpu.dma_semaphore, #tpu.memory_space<semaphore_mem>>
      %dma_wait3A_360 = tpu.memref_squeeze %dma_wait3A_359 : memref<1x!tpu.dma_semaphore, #tpu.memory_space<semaphore_mem>> -> memref<!tpu.dma_semaphore, #tpu.memory_space<semaphore_mem>>
      tpu.wait_indirect_dma semaphore(%dma_wait3A_360 : memref<!tpu.dma_semaphore, #tpu.memory_space<semaphore_mem>>) src(%dma_wait3A_358 : memref<10240x32xf32, #tpu.memory_space<hbm>>) dst(%dma_wait3A_352 : memref<128x32xf32, #tpu.memory_space<vmem>>)
      %dma_start3A_361 = arith.constant 4 : i32
      %dma_start3A_362 = arith.constant 4 : i32
      %dma_start3A_363 = arith.constant 0 : i32
      %dma_start3A_364 = arith.constant 0 : i32
      %dma_start3A_365 = tpu.memref_slice %arg9[%dma_start3A_361, %dma_start3A_363, %dma_start3A_364] : memref<8x128x32xf32, #tpu.memory_space<vmem>> -> memref<1x128x32xf32, #tpu.memory_space<vmem>>
      %dma_start3A_366 = tpu.memref_squeeze %dma_start3A_365 : memref<1x128x32xf32, #tpu.memory_space<vmem>> -> memref<128x32xf32, #tpu.memory_space<vmem>>
      %dma_start3A_367 = arith.constant 0 : i32
      %dma_start3A_368 = tpu.memref_slice %arg8[%add3A_346, %dma_start3A_367] : memref<80x128xi32, #tpu.memory_space<vmem>> -> memref<1x128xi32, #tpu.memory_space<vmem>>
      %dma_start3A_369 = tpu.memref_squeeze %dma_start3A_368 : memref<1x128xi32, #tpu.memory_space<vmem>> -> memref<128xi32, #tpu.memory_space<vmem>>
      %dma_start3A_370 = arith.constant 0 : i32
      %dma_start3A_371 = arith.constant 0 : i32
      %dma_start3A_372 = tpu.memref_slice %arg10[%dma_start3A_370, %dma_start3A_371] : memref<10240x32xf32, #tpu.memory_space<vmem_shared>> -> memref<10240x32xf32, #tpu.memory_space<vmem_shared>>
      %dma_start3A_373 = tpu.memref_slice %arg12[%dma_start3A_362] : memref<8x!tpu.dma_semaphore, #tpu.memory_space<semaphore_mem>> -> memref<1x!tpu.dma_semaphore, #tpu.memory_space<semaphore_mem>>
      %dma_start3A_374 = tpu.memref_squeeze %dma_start3A_373 : memref<1x!tpu.dma_semaphore, #tpu.memory_space<semaphore_mem>> -> memref<!tpu.dma_semaphore, #tpu.memory_space<semaphore_mem>>
      tpu.enqueue_indirect_dma source(%dma_start3A_366 : memref<128x32xf32, #tpu.memory_space<vmem>>) target(%dma_start3A_372 : memref<10240x32xf32, #tpu.memory_space<vmem_shared>>) offsets(%dma_start3A_369 : memref<128xi32, #tpu.memory_space<vmem>>) semaphore(%dma_start3A_374 : memref<!tpu.dma_semaphore, #tpu.memory_space<semaphore_mem>>) {add = true}
      %sub3A = arith.constant 4 : i32
      %sub3A_375 = arith.subi %add3A_346, %sub3A : i32
      %dma_wait3A_376 = arith.constant 0 : i32
      %dma_wait3A_377 = arith.constant 0 : i32
      %dma_wait3A_378 = arith.constant 0 : i32
      %dma_wait3A_379 = arith.constant 0 : i32
      %dma_wait3A_380 = tpu.memref_slice %arg9[%dma_wait3A_376, %dma_wait3A_378, %dma_wait3A_379] : memref<8x128x32xf32, #tpu.memory_space<vmem>> -> memref<1x128x32xf32, #tpu.memory_space<vmem>>
      %dma_wait3A_381 = tpu.memref_squeeze %dma_wait3A_380 : memref<1x128x32xf32, #tpu.memory_space<vmem>> -> memref<128x32xf32, #tpu.memory_space<vmem>>
      %dma_wait3A_382 = arith.constant 0 : i32
      %dma_wait3A_383 = tpu.memref_slice %arg8[%sub3A_375, %dma_wait3A_382] : memref<80x128xi32, #tpu.memory_space<vmem>> -> memref<1x128xi32, #tpu.memory_space<vmem>>
      %dma_wait3A_384 = tpu.memref_squeeze %dma_wait3A_383 : memref<1x128xi32, #tpu.memory_space<vmem>> -> memref<128xi32, #tpu.memory_space<vmem>>
      %dma_wait3A_385 = arith.constant 0 : i32
      %dma_wait3A_386 = arith.constant 0 : i32
      %dma_wait3A_387 = tpu.memref_slice %arg10[%dma_wait3A_385, %dma_wait3A_386] : memref<10240x32xf32, #tpu.memory_space<vmem_shared>> -> memref<10240x32xf32, #tpu.memory_space<vmem_shared>>
      %dma_wait3A_388 = tpu.memref_slice %arg12[%dma_wait3A_377] : memref<8x!tpu.dma_semaphore, #tpu.memory_space<semaphore_mem>> -> memref<1x!tpu.dma_semaphore, #tpu.memory_space<semaphore_mem>>
      %dma_wait3A_389 = tpu.memref_squeeze %dma_wait3A_388 : memref<1x!tpu.dma_semaphore, #tpu.memory_space<semaphore_mem>> -> memref<!tpu.dma_semaphore, #tpu.memory_space<semaphore_mem>>
      tpu.wait_indirect_dma semaphore(%dma_wait3A_389 : memref<!tpu.dma_semaphore, #tpu.memory_space<semaphore_mem>>) src(%dma_wait3A_381 : memref<128x32xf32, #tpu.memory_space<vmem>>) dst(%dma_wait3A_387 : memref<10240x32xf32, #tpu.memory_space<vmem_shared>>)
      %lt3A = arith.constant 9 : i32
      %lt3A_390 = arith.cmpi slt, %scan3A_133, %lt3A : i32
      %convert_element_type3A_391 = arith.extui %lt3A_390 : i1 to i32
      %cond3A_392 = arith.constant 0 : i32
      %cond3A_393 = arith.cmpi ne, %convert_element_type3A_391, %cond3A_392 : i32
      scf.if %cond3A_393 {
        %add3A_553 = arith.constant 4 : i32
        %add3A_554 = arith.addi %add3A_346, %add3A_553 : i32
        %dma_start3A_555 = arith.constant 0 : i32
        %dma_start3A_556 = arith.constant 0 : i32
        %dma_start3A_557 = arith.constant 0 : i32
        %dma_start3A_558 = arith.constant 0 : i32
        %dma_start3A_559 = tpu.memref_slice %arg9[%dma_start3A_555, %dma_start3A_557, %dma_start3A_558] : memref<8x128x32xf32, #tpu.memory_space<vmem>> -> memref<1x128x32xf32, #tpu.memory_space<vmem>>
        %dma_start3A_560 = tpu.memref_squeeze %dma_start3A_559 : memref<1x128x32xf32, #tpu.memory_space<vmem>> -> memref<128x32xf32, #tpu.memory_space<vmem>>
        %dma_start3A_561 = arith.constant 0 : i32
        %dma_start3A_562 = tpu.memref_slice %arg7[%add3A_554, %dma_start3A_561] : memref<80x128xi32, #tpu.memory_space<vmem>> -> memref<1x128xi32, #tpu.memory_space<vmem>>
        %dma_start3A_563 = tpu.memref_squeeze %dma_start3A_562 : memref<1x128xi32, #tpu.memory_space<vmem>> -> memref<128xi32, #tpu.memory_space<vmem>>
        %dma_start3A_564 = arith.constant 0 : i32
        %dma_start3A_565 = arith.constant 0 : i32
        %dma_start3A_566 = tpu.memref_slice %arg2[%dma_start3A_564, %dma_start3A_565] : memref<10240x32xf32, #tpu.memory_space<hbm>> -> memref<10240x32xf32, #tpu.memory_space<hbm>>
        %dma_start3A_567 = tpu.memref_slice %arg11[%dma_start3A_556] : memref<8x!tpu.dma_semaphore, #tpu.memory_space<semaphore_mem>> -> memref<1x!tpu.dma_semaphore, #tpu.memory_space<semaphore_mem>>
        %dma_start3A_568 = tpu.memref_squeeze %dma_start3A_567 : memref<1x!tpu.dma_semaphore, #tpu.memory_space<semaphore_mem>> -> memref<!tpu.dma_semaphore, #tpu.memory_space<semaphore_mem>>
        tpu.enqueue_indirect_dma source(%dma_start3A_566 : memref<10240x32xf32, #tpu.memory_space<hbm>>) target(%dma_start3A_560 : memref<128x32xf32, #tpu.memory_space<vmem>>) offsets(%dma_start3A_563 : memref<128xi32, #tpu.memory_space<vmem>>) semaphore(%dma_start3A_568 : memref<!tpu.dma_semaphore, #tpu.memory_space<semaphore_mem>>)
      } else {
      }
      %mul3A_394 = arith.constant 8 : i32
      %mul3A_395 = arith.muli %scan3A_133, %mul3A_394 : i32
      %add3A_396 = arith.constant 5 : i32
      %add3A_397 = arith.addi %mul3A_395, %add3A_396 : i32
      %dma_wait3A_398 = arith.constant 5 : i32
      %dma_wait3A_399 = arith.constant 5 : i32
      %dma_wait3A_400 = arith.constant 0 : i32
      %dma_wait3A_401 = arith.constant 0 : i32
      %dma_wait3A_402 = tpu.memref_slice %arg9[%dma_wait3A_398, %dma_wait3A_400, %dma_wait3A_401] : memref<8x128x32xf32, #tpu.memory_space<vmem>> -> memref<1x128x32xf32, #tpu.memory_space<vmem>>
      %dma_wait3A_403 = tpu.memref_squeeze %dma_wait3A_402 : memref<1x128x32xf32, #tpu.memory_space<vmem>> -> memref<128x32xf32, #tpu.memory_space<vmem>>
      %dma_wait3A_404 = arith.constant 0 : i32
      %dma_wait3A_405 = tpu.memref_slice %arg7[%add3A_397, %dma_wait3A_404] : memref<80x128xi32, #tpu.memory_space<vmem>> -> memref<1x128xi32, #tpu.memory_space<vmem>>
      %dma_wait3A_406 = tpu.memref_squeeze %dma_wait3A_405 : memref<1x128xi32, #tpu.memory_space<vmem>> -> memref<128xi32, #tpu.memory_space<vmem>>
      %dma_wait3A_407 = arith.constant 0 : i32
      %dma_wait3A_408 = arith.constant 0 : i32
      %dma_wait3A_409 = tpu.memref_slice %arg2[%dma_wait3A_407, %dma_wait3A_408] : memref<10240x32xf32, #tpu.memory_space<hbm>> -> memref<10240x32xf32, #tpu.memory_space<hbm>>
      %dma_wait3A_410 = tpu.memref_slice %arg11[%dma_wait3A_399] : memref<8x!tpu.dma_semaphore, #tpu.memory_space<semaphore_mem>> -> memref<1x!tpu.dma_semaphore, #tpu.memory_space<semaphore_mem>>
      %dma_wait3A_411 = tpu.memref_squeeze %dma_wait3A_410 : memref<1x!tpu.dma_semaphore, #tpu.memory_space<semaphore_mem>> -> memref<!tpu.dma_semaphore, #tpu.memory_space<semaphore_mem>>
      tpu.wait_indirect_dma semaphore(%dma_wait3A_411 : memref<!tpu.dma_semaphore, #tpu.memory_space<semaphore_mem>>) src(%dma_wait3A_409 : memref<10240x32xf32, #tpu.memory_space<hbm>>) dst(%dma_wait3A_403 : memref<128x32xf32, #tpu.memory_space<vmem>>)
      %dma_start3A_412 = arith.constant 5 : i32
      %dma_start3A_413 = arith.constant 5 : i32
      %dma_start3A_414 = arith.constant 0 : i32
      %dma_start3A_415 = arith.constant 0 : i32
      %dma_start3A_416 = tpu.memref_slice %arg9[%dma_start3A_412, %dma_start3A_414, %dma_start3A_415] : memref<8x128x32xf32, #tpu.memory_space<vmem>> -> memref<1x128x32xf32, #tpu.memory_space<vmem>>
      %dma_start3A_417 = tpu.memref_squeeze %dma_start3A_416 : memref<1x128x32xf32, #tpu.memory_space<vmem>> -> memref<128x32xf32, #tpu.memory_space<vmem>>
      %dma_start3A_418 = arith.constant 0 : i32
      %dma_start3A_419 = tpu.memref_slice %arg8[%add3A_397, %dma_start3A_418] : memref<80x128xi32, #tpu.memory_space<vmem>> -> memref<1x128xi32, #tpu.memory_space<vmem>>
      %dma_start3A_420 = tpu.memref_squeeze %dma_start3A_419 : memref<1x128xi32, #tpu.memory_space<vmem>> -> memref<128xi32, #tpu.memory_space<vmem>>
      %dma_start3A_421 = arith.constant 0 : i32
      %dma_start3A_422 = arith.constant 0 : i32
      %dma_start3A_423 = tpu.memref_slice %arg10[%dma_start3A_421, %dma_start3A_422] : memref<10240x32xf32, #tpu.memory_space<vmem_shared>> -> memref<10240x32xf32, #tpu.memory_space<vmem_shared>>
      %dma_start3A_424 = tpu.memref_slice %arg12[%dma_start3A_413] : memref<8x!tpu.dma_semaphore, #tpu.memory_space<semaphore_mem>> -> memref<1x!tpu.dma_semaphore, #tpu.memory_space<semaphore_mem>>
      %dma_start3A_425 = tpu.memref_squeeze %dma_start3A_424 : memref<1x!tpu.dma_semaphore, #tpu.memory_space<semaphore_mem>> -> memref<!tpu.dma_semaphore, #tpu.memory_space<semaphore_mem>>
      tpu.enqueue_indirect_dma source(%dma_start3A_417 : memref<128x32xf32, #tpu.memory_space<vmem>>) target(%dma_start3A_423 : memref<10240x32xf32, #tpu.memory_space<vmem_shared>>) offsets(%dma_start3A_420 : memref<128xi32, #tpu.memory_space<vmem>>) semaphore(%dma_start3A_425 : memref<!tpu.dma_semaphore, #tpu.memory_space<semaphore_mem>>) {add = true}
      %sub3A_426 = arith.constant 4 : i32
      %sub3A_427 = arith.subi %add3A_397, %sub3A_426 : i32
      %dma_wait3A_428 = arith.constant 1 : i32
      %dma_wait3A_429 = arith.constant 1 : i32
      %dma_wait3A_430 = arith.constant 0 : i32
      %dma_wait3A_431 = arith.constant 0 : i32
      %dma_wait3A_432 = tpu.memref_slice %arg9[%dma_wait3A_428, %dma_wait3A_430, %dma_wait3A_431] : memref<8x128x32xf32, #tpu.memory_space<vmem>> -> memref<1x128x32xf32, #tpu.memory_space<vmem>>
      %dma_wait3A_433 = tpu.memref_squeeze %dma_wait3A_432 : memref<1x128x32xf32, #tpu.memory_space<vmem>> -> memref<128x32xf32, #tpu.memory_space<vmem>>
      %dma_wait3A_434 = arith.constant 0 : i32
      %dma_wait3A_435 = tpu.memref_slice %arg8[%sub3A_427, %dma_wait3A_434] : memref<80x128xi32, #tpu.memory_space<vmem>> -> memref<1x128xi32, #tpu.memory_space<vmem>>
      %dma_wait3A_436 = tpu.memref_squeeze %dma_wait3A_435 : memref<1x128xi32, #tpu.memory_space<vmem>> -> memref<128xi32, #tpu.memory_space<vmem>>
      %dma_wait3A_437 = arith.constant 0 : i32
      %dma_wait3A_438 = arith.constant 0 : i32
      %dma_wait3A_439 = tpu.memref_slice %arg10[%dma_wait3A_437, %dma_wait3A_438] : memref<10240x32xf32, #tpu.memory_space<vmem_shared>> -> memref<10240x32xf32, #tpu.memory_space<vmem_shared>>
      %dma_wait3A_440 = tpu.memref_slice %arg12[%dma_wait3A_429] : memref<8x!tpu.dma_semaphore, #tpu.memory_space<semaphore_mem>> -> memref<1x!tpu.dma_semaphore, #tpu.memory_space<semaphore_mem>>
      %dma_wait3A_441 = tpu.memref_squeeze %dma_wait3A_440 : memref<1x!tpu.dma_semaphore, #tpu.memory_space<semaphore_mem>> -> memref<!tpu.dma_semaphore, #tpu.memory_space<semaphore_mem>>
      tpu.wait_indirect_dma semaphore(%dma_wait3A_441 : memref<!tpu.dma_semaphore, #tpu.memory_space<semaphore_mem>>) src(%dma_wait3A_433 : memref<128x32xf32, #tpu.memory_space<vmem>>) dst(%dma_wait3A_439 : memref<10240x32xf32, #tpu.memory_space<vmem_shared>>)
      %lt3A_442 = arith.constant 9 : i32
      %lt3A_443 = arith.cmpi slt, %scan3A_133, %lt3A_442 : i32
      %convert_element_type3A_444 = arith.extui %lt3A_443 : i1 to i32
      %cond3A_445 = arith.constant 0 : i32
      %cond3A_446 = arith.cmpi ne, %convert_element_type3A_444, %cond3A_445 : i32
      scf.if %cond3A_446 {
        %add3A_553 = arith.constant 4 : i32
        %add3A_554 = arith.addi %add3A_397, %add3A_553 : i32
        %dma_start3A_555 = arith.constant 1 : i32
        %dma_start3A_556 = arith.constant 1 : i32
        %dma_start3A_557 = arith.constant 0 : i32
        %dma_start3A_558 = arith.constant 0 : i32
        %dma_start3A_559 = tpu.memref_slice %arg9[%dma_start3A_555, %dma_start3A_557, %dma_start3A_558] : memref<8x128x32xf32, #tpu.memory_space<vmem>> -> memref<1x128x32xf32, #tpu.memory_space<vmem>>
        %dma_start3A_560 = tpu.memref_squeeze %dma_start3A_559 : memref<1x128x32xf32, #tpu.memory_space<vmem>> -> memref<128x32xf32, #tpu.memory_space<vmem>>
        %dma_start3A_561 = arith.constant 0 : i32
        %dma_start3A_562 = tpu.memref_slice %arg7[%add3A_554, %dma_start3A_561] : memref<80x128xi32, #tpu.memory_space<vmem>> -> memref<1x128xi32, #tpu.memory_space<vmem>>
        %dma_start3A_563 = tpu.memref_squeeze %dma_start3A_562 : memref<1x128xi32, #tpu.memory_space<vmem>> -> memref<128xi32, #tpu.memory_space<vmem>>
        %dma_start3A_564 = arith.constant 0 : i32
        %dma_start3A_565 = arith.constant 0 : i32
        %dma_start3A_566 = tpu.memref_slice %arg2[%dma_start3A_564, %dma_start3A_565] : memref<10240x32xf32, #tpu.memory_space<hbm>> -> memref<10240x32xf32, #tpu.memory_space<hbm>>
        %dma_start3A_567 = tpu.memref_slice %arg11[%dma_start3A_556] : memref<8x!tpu.dma_semaphore, #tpu.memory_space<semaphore_mem>> -> memref<1x!tpu.dma_semaphore, #tpu.memory_space<semaphore_mem>>
        %dma_start3A_568 = tpu.memref_squeeze %dma_start3A_567 : memref<1x!tpu.dma_semaphore, #tpu.memory_space<semaphore_mem>> -> memref<!tpu.dma_semaphore, #tpu.memory_space<semaphore_mem>>
        tpu.enqueue_indirect_dma source(%dma_start3A_566 : memref<10240x32xf32, #tpu.memory_space<hbm>>) target(%dma_start3A_560 : memref<128x32xf32, #tpu.memory_space<vmem>>) offsets(%dma_start3A_563 : memref<128xi32, #tpu.memory_space<vmem>>) semaphore(%dma_start3A_568 : memref<!tpu.dma_semaphore, #tpu.memory_space<semaphore_mem>>)
      } else {
      }
      %mul3A_447 = arith.constant 8 : i32
      %mul3A_448 = arith.muli %scan3A_133, %mul3A_447 : i32
      %add3A_449 = arith.constant 6 : i32
      %add3A_450 = arith.addi %mul3A_448, %add3A_449 : i32
      %dma_wait3A_451 = arith.constant 6 : i32
      %dma_wait3A_452 = arith.constant 6 : i32
      %dma_wait3A_453 = arith.constant 0 : i32
      %dma_wait3A_454 = arith.constant 0 : i32
      %dma_wait3A_455 = tpu.memref_slice %arg9[%dma_wait3A_451, %dma_wait3A_453, %dma_wait3A_454] : memref<8x128x32xf32, #tpu.memory_space<vmem>> -> memref<1x128x32xf32, #tpu.memory_space<vmem>>
      %dma_wait3A_456 = tpu.memref_squeeze %dma_wait3A_455 : memref<1x128x32xf32, #tpu.memory_space<vmem>> -> memref<128x32xf32, #tpu.memory_space<vmem>>
      %dma_wait3A_457 = arith.constant 0 : i32
      %dma_wait3A_458 = tpu.memref_slice %arg7[%add3A_450, %dma_wait3A_457] : memref<80x128xi32, #tpu.memory_space<vmem>> -> memref<1x128xi32, #tpu.memory_space<vmem>>
      %dma_wait3A_459 = tpu.memref_squeeze %dma_wait3A_458 : memref<1x128xi32, #tpu.memory_space<vmem>> -> memref<128xi32, #tpu.memory_space<vmem>>
      %dma_wait3A_460 = arith.constant 0 : i32
      %dma_wait3A_461 = arith.constant 0 : i32
      %dma_wait3A_462 = tpu.memref_slice %arg2[%dma_wait3A_460, %dma_wait3A_461] : memref<10240x32xf32, #tpu.memory_space<hbm>> -> memref<10240x32xf32, #tpu.memory_space<hbm>>
      %dma_wait3A_463 = tpu.memref_slice %arg11[%dma_wait3A_452] : memref<8x!tpu.dma_semaphore, #tpu.memory_space<semaphore_mem>> -> memref<1x!tpu.dma_semaphore, #tpu.memory_space<semaphore_mem>>
      %dma_wait3A_464 = tpu.memref_squeeze %dma_wait3A_463 : memref<1x!tpu.dma_semaphore, #tpu.memory_space<semaphore_mem>> -> memref<!tpu.dma_semaphore, #tpu.memory_space<semaphore_mem>>
      tpu.wait_indirect_dma semaphore(%dma_wait3A_464 : memref<!tpu.dma_semaphore, #tpu.memory_space<semaphore_mem>>) src(%dma_wait3A_462 : memref<10240x32xf32, #tpu.memory_space<hbm>>) dst(%dma_wait3A_456 : memref<128x32xf32, #tpu.memory_space<vmem>>)
      %dma_start3A_465 = arith.constant 6 : i32
      %dma_start3A_466 = arith.constant 6 : i32
      %dma_start3A_467 = arith.constant 0 : i32
      %dma_start3A_468 = arith.constant 0 : i32
      %dma_start3A_469 = tpu.memref_slice %arg9[%dma_start3A_465, %dma_start3A_467, %dma_start3A_468] : memref<8x128x32xf32, #tpu.memory_space<vmem>> -> memref<1x128x32xf32, #tpu.memory_space<vmem>>
      %dma_start3A_470 = tpu.memref_squeeze %dma_start3A_469 : memref<1x128x32xf32, #tpu.memory_space<vmem>> -> memref<128x32xf32, #tpu.memory_space<vmem>>
      %dma_start3A_471 = arith.constant 0 : i32
      %dma_start3A_472 = tpu.memref_slice %arg8[%add3A_450, %dma_start3A_471] : memref<80x128xi32, #tpu.memory_space<vmem>> -> memref<1x128xi32, #tpu.memory_space<vmem>>
      %dma_start3A_473 = tpu.memref_squeeze %dma_start3A_472 : memref<1x128xi32, #tpu.memory_space<vmem>> -> memref<128xi32, #tpu.memory_space<vmem>>
      %dma_start3A_474 = arith.constant 0 : i32
      %dma_start3A_475 = arith.constant 0 : i32
      %dma_start3A_476 = tpu.memref_slice %arg10[%dma_start3A_474, %dma_start3A_475] : memref<10240x32xf32, #tpu.memory_space<vmem_shared>> -> memref<10240x32xf32, #tpu.memory_space<vmem_shared>>
      %dma_start3A_477 = tpu.memref_slice %arg12[%dma_start3A_466] : memref<8x!tpu.dma_semaphore, #tpu.memory_space<semaphore_mem>> -> memref<1x!tpu.dma_semaphore, #tpu.memory_space<semaphore_mem>>
      %dma_start3A_478 = tpu.memref_squeeze %dma_start3A_477 : memref<1x!tpu.dma_semaphore, #tpu.memory_space<semaphore_mem>> -> memref<!tpu.dma_semaphore, #tpu.memory_space<semaphore_mem>>
      tpu.enqueue_indirect_dma source(%dma_start3A_470 : memref<128x32xf32, #tpu.memory_space<vmem>>) target(%dma_start3A_476 : memref<10240x32xf32, #tpu.memory_space<vmem_shared>>) offsets(%dma_start3A_473 : memref<128xi32, #tpu.memory_space<vmem>>) semaphore(%dma_start3A_478 : memref<!tpu.dma_semaphore, #tpu.memory_space<semaphore_mem>>) {add = true}
      %sub3A_479 = arith.constant 4 : i32
      %sub3A_480 = arith.subi %add3A_450, %sub3A_479 : i32
      %dma_wait3A_481 = arith.constant 2 : i32
      %dma_wait3A_482 = arith.constant 2 : i32
      %dma_wait3A_483 = arith.constant 0 : i32
      %dma_wait3A_484 = arith.constant 0 : i32
      %dma_wait3A_485 = tpu.memref_slice %arg9[%dma_wait3A_481, %dma_wait3A_483, %dma_wait3A_484] : memref<8x128x32xf32, #tpu.memory_space<vmem>> -> memref<1x128x32xf32, #tpu.memory_space<vmem>>
      %dma_wait3A_486 = tpu.memref_squeeze %dma_wait3A_485 : memref<1x128x32xf32, #tpu.memory_space<vmem>> -> memref<128x32xf32, #tpu.memory_space<vmem>>
      %dma_wait3A_487 = arith.constant 0 : i32
      %dma_wait3A_488 = tpu.memref_slice %arg8[%sub3A_480, %dma_wait3A_487] : memref<80x128xi32, #tpu.memory_space<vmem>> -> memref<1x128xi32, #tpu.memory_space<vmem>>
      %dma_wait3A_489 = tpu.memref_squeeze %dma_wait3A_488 : memref<1x128xi32, #tpu.memory_space<vmem>> -> memref<128xi32, #tpu.memory_space<vmem>>
      %dma_wait3A_490 = arith.constant 0 : i32
      %dma_wait3A_491 = arith.constant 0 : i32
      %dma_wait3A_492 = tpu.memref_slice %arg10[%dma_wait3A_490, %dma_wait3A_491] : memref<10240x32xf32, #tpu.memory_space<vmem_shared>> -> memref<10240x32xf32, #tpu.memory_space<vmem_shared>>
      %dma_wait3A_493 = tpu.memref_slice %arg12[%dma_wait3A_482] : memref<8x!tpu.dma_semaphore, #tpu.memory_space<semaphore_mem>> -> memref<1x!tpu.dma_semaphore, #tpu.memory_space<semaphore_mem>>
      %dma_wait3A_494 = tpu.memref_squeeze %dma_wait3A_493 : memref<1x!tpu.dma_semaphore, #tpu.memory_space<semaphore_mem>> -> memref<!tpu.dma_semaphore, #tpu.memory_space<semaphore_mem>>
      tpu.wait_indirect_dma semaphore(%dma_wait3A_494 : memref<!tpu.dma_semaphore, #tpu.memory_space<semaphore_mem>>) src(%dma_wait3A_486 : memref<128x32xf32, #tpu.memory_space<vmem>>) dst(%dma_wait3A_492 : memref<10240x32xf32, #tpu.memory_space<vmem_shared>>)
      %lt3A_495 = arith.constant 9 : i32
      %lt3A_496 = arith.cmpi slt, %scan3A_133, %lt3A_495 : i32
      %convert_element_type3A_497 = arith.extui %lt3A_496 : i1 to i32
      %cond3A_498 = arith.constant 0 : i32
      %cond3A_499 = arith.cmpi ne, %convert_element_type3A_497, %cond3A_498 : i32
      scf.if %cond3A_499 {
        %add3A_553 = arith.constant 4 : i32
        %add3A_554 = arith.addi %add3A_450, %add3A_553 : i32
        %dma_start3A_555 = arith.constant 2 : i32
        %dma_start3A_556 = arith.constant 2 : i32
        %dma_start3A_557 = arith.constant 0 : i32
        %dma_start3A_558 = arith.constant 0 : i32
        %dma_start3A_559 = tpu.memref_slice %arg9[%dma_start3A_555, %dma_start3A_557, %dma_start3A_558] : memref<8x128x32xf32, #tpu.memory_space<vmem>> -> memref<1x128x32xf32, #tpu.memory_space<vmem>>
        %dma_start3A_560 = tpu.memref_squeeze %dma_start3A_559 : memref<1x128x32xf32, #tpu.memory_space<vmem>> -> memref<128x32xf32, #tpu.memory_space<vmem>>
        %dma_start3A_561 = arith.constant 0 : i32
        %dma_start3A_562 = tpu.memref_slice %arg7[%add3A_554, %dma_start3A_561] : memref<80x128xi32, #tpu.memory_space<vmem>> -> memref<1x128xi32, #tpu.memory_space<vmem>>
        %dma_start3A_563 = tpu.memref_squeeze %dma_start3A_562 : memref<1x128xi32, #tpu.memory_space<vmem>> -> memref<128xi32, #tpu.memory_space<vmem>>
        %dma_start3A_564 = arith.constant 0 : i32
        %dma_start3A_565 = arith.constant 0 : i32
        %dma_start3A_566 = tpu.memref_slice %arg2[%dma_start3A_564, %dma_start3A_565] : memref<10240x32xf32, #tpu.memory_space<hbm>> -> memref<10240x32xf32, #tpu.memory_space<hbm>>
        %dma_start3A_567 = tpu.memref_slice %arg11[%dma_start3A_556] : memref<8x!tpu.dma_semaphore, #tpu.memory_space<semaphore_mem>> -> memref<1x!tpu.dma_semaphore, #tpu.memory_space<semaphore_mem>>
        %dma_start3A_568 = tpu.memref_squeeze %dma_start3A_567 : memref<1x!tpu.dma_semaphore, #tpu.memory_space<semaphore_mem>> -> memref<!tpu.dma_semaphore, #tpu.memory_space<semaphore_mem>>
        tpu.enqueue_indirect_dma source(%dma_start3A_566 : memref<10240x32xf32, #tpu.memory_space<hbm>>) target(%dma_start3A_560 : memref<128x32xf32, #tpu.memory_space<vmem>>) offsets(%dma_start3A_563 : memref<128xi32, #tpu.memory_space<vmem>>) semaphore(%dma_start3A_568 : memref<!tpu.dma_semaphore, #tpu.memory_space<semaphore_mem>>)
      } else {
      }
      %mul3A_500 = arith.constant 8 : i32
      %mul3A_501 = arith.muli %scan3A_133, %mul3A_500 : i32
      %add3A_502 = arith.constant 7 : i32
      %add3A_503 = arith.addi %mul3A_501, %add3A_502 : i32
      %dma_wait3A_504 = arith.constant 7 : i32
      %dma_wait3A_505 = arith.constant 7 : i32
      %dma_wait3A_506 = arith.constant 0 : i32
      %dma_wait3A_507 = arith.constant 0 : i32
      %dma_wait3A_508 = tpu.memref_slice %arg9[%dma_wait3A_504, %dma_wait3A_506, %dma_wait3A_507] : memref<8x128x32xf32, #tpu.memory_space<vmem>> -> memref<1x128x32xf32, #tpu.memory_space<vmem>>
      %dma_wait3A_509 = tpu.memref_squeeze %dma_wait3A_508 : memref<1x128x32xf32, #tpu.memory_space<vmem>> -> memref<128x32xf32, #tpu.memory_space<vmem>>
      %dma_wait3A_510 = arith.constant 0 : i32
      %dma_wait3A_511 = tpu.memref_slice %arg7[%add3A_503, %dma_wait3A_510] : memref<80x128xi32, #tpu.memory_space<vmem>> -> memref<1x128xi32, #tpu.memory_space<vmem>>
      %dma_wait3A_512 = tpu.memref_squeeze %dma_wait3A_511 : memref<1x128xi32, #tpu.memory_space<vmem>> -> memref<128xi32, #tpu.memory_space<vmem>>
      %dma_wait3A_513 = arith.constant 0 : i32
      %dma_wait3A_514 = arith.constant 0 : i32
      %dma_wait3A_515 = tpu.memref_slice %arg2[%dma_wait3A_513, %dma_wait3A_514] : memref<10240x32xf32, #tpu.memory_space<hbm>> -> memref<10240x32xf32, #tpu.memory_space<hbm>>
      %dma_wait3A_516 = tpu.memref_slice %arg11[%dma_wait3A_505] : memref<8x!tpu.dma_semaphore, #tpu.memory_space<semaphore_mem>> -> memref<1x!tpu.dma_semaphore, #tpu.memory_space<semaphore_mem>>
      %dma_wait3A_517 = tpu.memref_squeeze %dma_wait3A_516 : memref<1x!tpu.dma_semaphore, #tpu.memory_space<semaphore_mem>> -> memref<!tpu.dma_semaphore, #tpu.memory_space<semaphore_mem>>
      tpu.wait_indirect_dma semaphore(%dma_wait3A_517 : memref<!tpu.dma_semaphore, #tpu.memory_space<semaphore_mem>>) src(%dma_wait3A_515 : memref<10240x32xf32, #tpu.memory_space<hbm>>) dst(%dma_wait3A_509 : memref<128x32xf32, #tpu.memory_space<vmem>>)
      %dma_start3A_518 = arith.constant 7 : i32
      %dma_start3A_519 = arith.constant 7 : i32
      %dma_start3A_520 = arith.constant 0 : i32
      %dma_start3A_521 = arith.constant 0 : i32
      %dma_start3A_522 = tpu.memref_slice %arg9[%dma_start3A_518, %dma_start3A_520, %dma_start3A_521] : memref<8x128x32xf32, #tpu.memory_space<vmem>> -> memref<1x128x32xf32, #tpu.memory_space<vmem>>
      %dma_start3A_523 = tpu.memref_squeeze %dma_start3A_522 : memref<1x128x32xf32, #tpu.memory_space<vmem>> -> memref<128x32xf32, #tpu.memory_space<vmem>>
      %dma_start3A_524 = arith.constant 0 : i32
      %dma_start3A_525 = tpu.memref_slice %arg8[%add3A_503, %dma_start3A_524] : memref<80x128xi32, #tpu.memory_space<vmem>> -> memref<1x128xi32, #tpu.memory_space<vmem>>
      %dma_start3A_526 = tpu.memref_squeeze %dma_start3A_525 : memref<1x128xi32, #tpu.memory_space<vmem>> -> memref<128xi32, #tpu.memory_space<vmem>>
      %dma_start3A_527 = arith.constant 0 : i32
      %dma_start3A_528 = arith.constant 0 : i32
      %dma_start3A_529 = tpu.memref_slice %arg10[%dma_start3A_527, %dma_start3A_528] : memref<10240x32xf32, #tpu.memory_space<vmem_shared>> -> memref<10240x32xf32, #tpu.memory_space<vmem_shared>>
      %dma_start3A_530 = tpu.memref_slice %arg12[%dma_start3A_519] : memref<8x!tpu.dma_semaphore, #tpu.memory_space<semaphore_mem>> -> memref<1x!tpu.dma_semaphore, #tpu.memory_space<semaphore_mem>>
      %dma_start3A_531 = tpu.memref_squeeze %dma_start3A_530 : memref<1x!tpu.dma_semaphore, #tpu.memory_space<semaphore_mem>> -> memref<!tpu.dma_semaphore, #tpu.memory_space<semaphore_mem>>
      tpu.enqueue_indirect_dma source(%dma_start3A_523 : memref<128x32xf32, #tpu.memory_space<vmem>>) target(%dma_start3A_529 : memref<10240x32xf32, #tpu.memory_space<vmem_shared>>) offsets(%dma_start3A_526 : memref<128xi32, #tpu.memory_space<vmem>>) semaphore(%dma_start3A_531 : memref<!tpu.dma_semaphore, #tpu.memory_space<semaphore_mem>>) {add = true}
      %sub3A_532 = arith.constant 4 : i32
      %sub3A_533 = arith.subi %add3A_503, %sub3A_532 : i32
      %dma_wait3A_534 = arith.constant 3 : i32
      %dma_wait3A_535 = arith.constant 3 : i32
      %dma_wait3A_536 = arith.constant 0 : i32
      %dma_wait3A_537 = arith.constant 0 : i32
      %dma_wait3A_538 = tpu.memref_slice %arg9[%dma_wait3A_534, %dma_wait3A_536, %dma_wait3A_537] : memref<8x128x32xf32, #tpu.memory_space<vmem>> -> memref<1x128x32xf32, #tpu.memory_space<vmem>>
      %dma_wait3A_539 = tpu.memref_squeeze %dma_wait3A_538 : memref<1x128x32xf32, #tpu.memory_space<vmem>> -> memref<128x32xf32, #tpu.memory_space<vmem>>
      %dma_wait3A_540 = arith.constant 0 : i32
      %dma_wait3A_541 = tpu.memref_slice %arg8[%sub3A_533, %dma_wait3A_540] : memref<80x128xi32, #tpu.memory_space<vmem>> -> memref<1x128xi32, #tpu.memory_space<vmem>>
      %dma_wait3A_542 = tpu.memref_squeeze %dma_wait3A_541 : memref<1x128xi32, #tpu.memory_space<vmem>> -> memref<128xi32, #tpu.memory_space<vmem>>
      %dma_wait3A_543 = arith.constant 0 : i32
      %dma_wait3A_544 = arith.constant 0 : i32
      %dma_wait3A_545 = tpu.memref_slice %arg10[%dma_wait3A_543, %dma_wait3A_544] : memref<10240x32xf32, #tpu.memory_space<vmem_shared>> -> memref<10240x32xf32, #tpu.memory_space<vmem_shared>>
      %dma_wait3A_546 = tpu.memref_slice %arg12[%dma_wait3A_535] : memref<8x!tpu.dma_semaphore, #tpu.memory_space<semaphore_mem>> -> memref<1x!tpu.dma_semaphore, #tpu.memory_space<semaphore_mem>>
      %dma_wait3A_547 = tpu.memref_squeeze %dma_wait3A_546 : memref<1x!tpu.dma_semaphore, #tpu.memory_space<semaphore_mem>> -> memref<!tpu.dma_semaphore, #tpu.memory_space<semaphore_mem>>
      tpu.wait_indirect_dma semaphore(%dma_wait3A_547 : memref<!tpu.dma_semaphore, #tpu.memory_space<semaphore_mem>>) src(%dma_wait3A_539 : memref<128x32xf32, #tpu.memory_space<vmem>>) dst(%dma_wait3A_545 : memref<10240x32xf32, #tpu.memory_space<vmem_shared>>)
      %lt3A_548 = arith.constant 9 : i32
      %lt3A_549 = arith.cmpi slt, %scan3A_133, %lt3A_548 : i32
      %convert_element_type3A_550 = arith.extui %lt3A_549 : i1 to i32
      %cond3A_551 = arith.constant 0 : i32
      %cond3A_552 = arith.cmpi ne, %convert_element_type3A_550, %cond3A_551 : i32
      scf.if %cond3A_552 {
        %add3A_553 = arith.constant 4 : i32
        %add3A_554 = arith.addi %add3A_503, %add3A_553 : i32
        %dma_start3A_555 = arith.constant 3 : i32
        %dma_start3A_556 = arith.constant 3 : i32
        %dma_start3A_557 = arith.constant 0 : i32
        %dma_start3A_558 = arith.constant 0 : i32
        %dma_start3A_559 = tpu.memref_slice %arg9[%dma_start3A_555, %dma_start3A_557, %dma_start3A_558] : memref<8x128x32xf32, #tpu.memory_space<vmem>> -> memref<1x128x32xf32, #tpu.memory_space<vmem>>
        %dma_start3A_560 = tpu.memref_squeeze %dma_start3A_559 : memref<1x128x32xf32, #tpu.memory_space<vmem>> -> memref<128x32xf32, #tpu.memory_space<vmem>>
        %dma_start3A_561 = arith.constant 0 : i32
        %dma_start3A_562 = tpu.memref_slice %arg7[%add3A_554, %dma_start3A_561] : memref<80x128xi32, #tpu.memory_space<vmem>> -> memref<1x128xi32, #tpu.memory_space<vmem>>
        %dma_start3A_563 = tpu.memref_squeeze %dma_start3A_562 : memref<1x128xi32, #tpu.memory_space<vmem>> -> memref<128xi32, #tpu.memory_space<vmem>>
        %dma_start3A_564 = arith.constant 0 : i32
        %dma_start3A_565 = arith.constant 0 : i32
        %dma_start3A_566 = tpu.memref_slice %arg2[%dma_start3A_564, %dma_start3A_565] : memref<10240x32xf32, #tpu.memory_space<hbm>> -> memref<10240x32xf32, #tpu.memory_space<hbm>>
        %dma_start3A_567 = tpu.memref_slice %arg11[%dma_start3A_556] : memref<8x!tpu.dma_semaphore, #tpu.memory_space<semaphore_mem>> -> memref<1x!tpu.dma_semaphore, #tpu.memory_space<semaphore_mem>>
        %dma_start3A_568 = tpu.memref_squeeze %dma_start3A_567 : memref<1x!tpu.dma_semaphore, #tpu.memory_space<semaphore_mem>> -> memref<!tpu.dma_semaphore, #tpu.memory_space<semaphore_mem>>
        tpu.enqueue_indirect_dma source(%dma_start3A_566 : memref<10240x32xf32, #tpu.memory_space<hbm>>) target(%dma_start3A_560 : memref<128x32xf32, #tpu.memory_space<vmem>>) offsets(%dma_start3A_563 : memref<128xi32, #tpu.memory_space<vmem>>) semaphore(%dma_start3A_568 : memref<!tpu.dma_semaphore, #tpu.memory_space<semaphore_mem>>)
      } else {
      }
    }
    %scan3A_70 = arith.constant 10 : i32
    %dma_wait3A = arith.constant 4 : i32
    %dma_wait3A_71 = arith.constant 76 : i32
    %dma_wait3A_72 = arith.constant 4 : i32
    %dma_wait3A_73 = arith.constant 0 : i32
    %dma_wait3A_74 = arith.constant 0 : i32
    %dma_wait3A_75 = tpu.memref_slice %arg9[%dma_wait3A, %dma_wait3A_73, %dma_wait3A_74] : memref<8x128x32xf32, #tpu.memory_space<vmem>> -> memref<1x128x32xf32, #tpu.memory_space<vmem>>
    %dma_wait3A_76 = tpu.memref_squeeze %dma_wait3A_75 : memref<1x128x32xf32, #tpu.memory_space<vmem>> -> memref<128x32xf32, #tpu.memory_space<vmem>>
    %dma_wait3A_77 = arith.constant 0 : i32
    %dma_wait3A_78 = tpu.memref_slice %arg8[%dma_wait3A_71, %dma_wait3A_77] : memref<80x128xi32, #tpu.memory_space<vmem>> -> memref<1x128xi32, #tpu.memory_space<vmem>>
    %dma_wait3A_79 = tpu.memref_squeeze %dma_wait3A_78 : memref<1x128xi32, #tpu.memory_space<vmem>> -> memref<128xi32, #tpu.memory_space<vmem>>
    %dma_wait3A_80 = arith.constant 0 : i32
    %dma_wait3A_81 = arith.constant 0 : i32
    %dma_wait3A_82 = tpu.memref_slice %arg10[%dma_wait3A_80, %dma_wait3A_81] : memref<10240x32xf32, #tpu.memory_space<vmem_shared>> -> memref<10240x32xf32, #tpu.memory_space<vmem_shared>>
    %dma_wait3A_83 = tpu.memref_slice %arg12[%dma_wait3A_72] : memref<8x!tpu.dma_semaphore, #tpu.memory_space<semaphore_mem>> -> memref<1x!tpu.dma_semaphore, #tpu.memory_space<semaphore_mem>>
    %dma_wait3A_84 = tpu.memref_squeeze %dma_wait3A_83 : memref<1x!tpu.dma_semaphore, #tpu.memory_space<semaphore_mem>> -> memref<!tpu.dma_semaphore, #tpu.memory_space<semaphore_mem>>
    tpu.wait_indirect_dma semaphore(%dma_wait3A_84 : memref<!tpu.dma_semaphore, #tpu.memory_space<semaphore_mem>>) src(%dma_wait3A_76 : memref<128x32xf32, #tpu.memory_space<vmem>>) dst(%dma_wait3A_82 : memref<10240x32xf32, #tpu.memory_space<vmem_shared>>)
    %dma_wait3A_85 = arith.constant 5 : i32
    %dma_wait3A_86 = arith.constant 77 : i32
    %dma_wait3A_87 = arith.constant 5 : i32
    %dma_wait3A_88 = arith.constant 0 : i32
    %dma_wait3A_89 = arith.constant 0 : i32
    %dma_wait3A_90 = tpu.memref_slice %arg9[%dma_wait3A_85, %dma_wait3A_88, %dma_wait3A_89] : memref<8x128x32xf32, #tpu.memory_space<vmem>> -> memref<1x128x32xf32, #tpu.memory_space<vmem>>
    %dma_wait3A_91 = tpu.memref_squeeze %dma_wait3A_90 : memref<1x128x32xf32, #tpu.memory_space<vmem>> -> memref<128x32xf32, #tpu.memory_space<vmem>>
    %dma_wait3A_92 = arith.constant 0 : i32
    %dma_wait3A_93 = tpu.memref_slice %arg8[%dma_wait3A_86, %dma_wait3A_92] : memref<80x128xi32, #tpu.memory_space<vmem>> -> memref<1x128xi32, #tpu.memory_space<vmem>>
    %dma_wait3A_94 = tpu.memref_squeeze %dma_wait3A_93 : memref<1x128xi32, #tpu.memory_space<vmem>> -> memref<128xi32, #tpu.memory_space<vmem>>
    %dma_wait3A_95 = arith.constant 0 : i32
    %dma_wait3A_96 = arith.constant 0 : i32
    %dma_wait3A_97 = tpu.memref_slice %arg10[%dma_wait3A_95, %dma_wait3A_96] : memref<10240x32xf32, #tpu.memory_space<vmem_shared>> -> memref<10240x32xf32, #tpu.memory_space<vmem_shared>>
    %dma_wait3A_98 = tpu.memref_slice %arg12[%dma_wait3A_87] : memref<8x!tpu.dma_semaphore, #tpu.memory_space<semaphore_mem>> -> memref<1x!tpu.dma_semaphore, #tpu.memory_space<semaphore_mem>>
    %dma_wait3A_99 = tpu.memref_squeeze %dma_wait3A_98 : memref<1x!tpu.dma_semaphore, #tpu.memory_space<semaphore_mem>> -> memref<!tpu.dma_semaphore, #tpu.memory_space<semaphore_mem>>
    tpu.wait_indirect_dma semaphore(%dma_wait3A_99 : memref<!tpu.dma_semaphore, #tpu.memory_space<semaphore_mem>>) src(%dma_wait3A_91 : memref<128x32xf32, #tpu.memory_space<vmem>>) dst(%dma_wait3A_97 : memref<10240x32xf32, #tpu.memory_space<vmem_shared>>)
    %dma_wait3A_100 = arith.constant 6 : i32
    %dma_wait3A_101 = arith.constant 78 : i32
    %dma_wait3A_102 = arith.constant 6 : i32
    %dma_wait3A_103 = arith.constant 0 : i32
    %dma_wait3A_104 = arith.constant 0 : i32
    %dma_wait3A_105 = tpu.memref_slice %arg9[%dma_wait3A_100, %dma_wait3A_103, %dma_wait3A_104] : memref<8x128x32xf32, #tpu.memory_space<vmem>> -> memref<1x128x32xf32, #tpu.memory_space<vmem>>
    %dma_wait3A_106 = tpu.memref_squeeze %dma_wait3A_105 : memref<1x128x32xf32, #tpu.memory_space<vmem>> -> memref<128x32xf32, #tpu.memory_space<vmem>>
    %dma_wait3A_107 = arith.constant 0 : i32
    %dma_wait3A_108 = tpu.memref_slice %arg8[%dma_wait3A_101, %dma_wait3A_107] : memref<80x128xi32, #tpu.memory_space<vmem>> -> memref<1x128xi32, #tpu.memory_space<vmem>>
    %dma_wait3A_109 = tpu.memref_squeeze %dma_wait3A_108 : memref<1x128xi32, #tpu.memory_space<vmem>> -> memref<128xi32, #tpu.memory_space<vmem>>
    %dma_wait3A_110 = arith.constant 0 : i32
    %dma_wait3A_111 = arith.constant 0 : i32
    %dma_wait3A_112 = tpu.memref_slice %arg10[%dma_wait3A_110, %dma_wait3A_111] : memref<10240x32xf32, #tpu.memory_space<vmem_shared>> -> memref<10240x32xf32, #tpu.memory_space<vmem_shared>>
    %dma_wait3A_113 = tpu.memref_slice %arg12[%dma_wait3A_102] : memref<8x!tpu.dma_semaphore, #tpu.memory_space<semaphore_mem>> -> memref<1x!tpu.dma_semaphore, #tpu.memory_space<semaphore_mem>>
    %dma_wait3A_114 = tpu.memref_squeeze %dma_wait3A_113 : memref<1x!tpu.dma_semaphore, #tpu.memory_space<semaphore_mem>> -> memref<!tpu.dma_semaphore, #tpu.memory_space<semaphore_mem>>
    tpu.wait_indirect_dma semaphore(%dma_wait3A_114 : memref<!tpu.dma_semaphore, #tpu.memory_space<semaphore_mem>>) src(%dma_wait3A_106 : memref<128x32xf32, #tpu.memory_space<vmem>>) dst(%dma_wait3A_112 : memref<10240x32xf32, #tpu.memory_space<vmem_shared>>)
    %dma_wait3A_115 = arith.constant 7 : i32
    %dma_wait3A_116 = arith.constant 79 : i32
    %dma_wait3A_117 = arith.constant 7 : i32
    %dma_wait3A_118 = arith.constant 0 : i32
    %dma_wait3A_119 = arith.constant 0 : i32
    %dma_wait3A_120 = tpu.memref_slice %arg9[%dma_wait3A_115, %dma_wait3A_118, %dma_wait3A_119] : memref<8x128x32xf32, #tpu.memory_space<vmem>> -> memref<1x128x32xf32, #tpu.memory_space<vmem>>
    %dma_wait3A_121 = tpu.memref_squeeze %dma_wait3A_120 : memref<1x128x32xf32, #tpu.memory_space<vmem>> -> memref<128x32xf32, #tpu.memory_space<vmem>>
    %dma_wait3A_122 = arith.constant 0 : i32
    %dma_wait3A_123 = tpu.memref_slice %arg8[%dma_wait3A_116, %dma_wait3A_122] : memref<80x128xi32, #tpu.memory_space<vmem>> -> memref<1x128xi32, #tpu.memory_space<vmem>>
    %dma_wait3A_124 = tpu.memref_squeeze %dma_wait3A_123 : memref<1x128xi32, #tpu.memory_space<vmem>> -> memref<128xi32, #tpu.memory_space<vmem>>
    %dma_wait3A_125 = arith.constant 0 : i32
    %dma_wait3A_126 = arith.constant 0 : i32
    %dma_wait3A_127 = tpu.memref_slice %arg10[%dma_wait3A_125, %dma_wait3A_126] : memref<10240x32xf32, #tpu.memory_space<vmem_shared>> -> memref<10240x32xf32, #tpu.memory_space<vmem_shared>>
    %dma_wait3A_128 = tpu.memref_slice %arg12[%dma_wait3A_117] : memref<8x!tpu.dma_semaphore, #tpu.memory_space<semaphore_mem>> -> memref<1x!tpu.dma_semaphore, #tpu.memory_space<semaphore_mem>>
    %dma_wait3A_129 = tpu.memref_squeeze %dma_wait3A_128 : memref<1x!tpu.dma_semaphore, #tpu.memory_space<semaphore_mem>> -> memref<!tpu.dma_semaphore, #tpu.memory_space<semaphore_mem>>
    tpu.wait_indirect_dma semaphore(%dma_wait3A_129 : memref<!tpu.dma_semaphore, #tpu.memory_space<semaphore_mem>>) src(%dma_wait3A_121 : memref<128x32xf32, #tpu.memory_space<vmem>>) dst(%dma_wait3A_127 : memref<10240x32xf32, #tpu.memory_space<vmem_shared>>)
    %barrier3A_130 = arith.constant 0 : index
    tpu.barrier barrier_id(%barrier3A_130)
    %mul3A_131 = arith.constant 640 : i32
    %mul3A_132 = arith.muli %arg1, %mul3A_131 : i32
    "tpu.region"() ({
      %run_scoped3A = tpu.sem_alloc : memref<!tpu.dma_semaphore, #tpu.memory_space<semaphore_mem>>
      %dma_start3A_133 = arith.constant 0 : i32
      %dma_start3A_134 = tpu.memref_slice %arg6[%arg0, %mul3A_132, %dma_start3A_133] : memref<2x10240x32xf32, #tpu.memory_space<hbm>> -> memref<1x640x32xf32, #tpu.memory_space<hbm>>
      %dma_start3A_135 = tpu.memref_squeeze %dma_start3A_134 : memref<1x640x32xf32, #tpu.memory_space<hbm>> -> memref<640x32xf32, #tpu.memory_space<hbm>>
      %dma_start3A_136 = arith.constant 0 : i32
      %dma_start3A_137 = tpu.memref_slice %arg10[%mul3A_132, %dma_start3A_136] : memref<10240x32xf32, #tpu.memory_space<vmem_shared>> -> memref<640x32xf32, #tpu.memory_space<vmem_shared>>
      tpu.enqueue_dma source(%dma_start3A_137 : memref<640x32xf32, #tpu.memory_space<vmem_shared>>) target(%dma_start3A_135 : memref<640x32xf32, #tpu.memory_space<hbm>>) target_semaphore(%run_scoped3A : memref<!tpu.dma_semaphore, #tpu.memory_space<semaphore_mem>>)
      %dma_wait3A_138 = arith.constant 0 : i32
      %dma_wait3A_139 = tpu.memref_slice %arg6[%arg0, %mul3A_132, %dma_wait3A_138] : memref<2x10240x32xf32, #tpu.memory_space<hbm>> -> memref<1x640x32xf32, #tpu.memory_space<hbm>>
      %dma_wait3A_140 = tpu.memref_squeeze %dma_wait3A_139 : memref<1x640x32xf32, #tpu.memory_space<hbm>> -> memref<640x32xf32, #tpu.memory_space<hbm>>
      %dma_wait3A_141 = arith.constant 0 : i32
      %dma_wait3A_142 = tpu.memref_slice %arg10[%mul3A_132, %dma_wait3A_141] : memref<10240x32xf32, #tpu.memory_space<vmem_shared>> -> memref<640x32xf32, #tpu.memory_space<vmem_shared>>
      tpu.wait_dma2 semaphore(%run_scoped3A : memref<!tpu.dma_semaphore, #tpu.memory_space<semaphore_mem>>) src(%dma_wait3A_142 : memref<640x32xf32, #tpu.memory_space<vmem_shared>>) dst(%dma_wait3A_140 : memref<640x32xf32, #tpu.memory_space<hbm>>)
      tpu.yield
    }) : () -> ()
    return
  }
}

#map = affine_map<(d0, d1) -> (0, 0)>
#map1 = affine_map<(d0, d1) -> (0)>
module attributes {stable_mosaic.version = 14 : i64} {
  func.func @_sc_degree(%arg0: i32, %arg1: i32, %arg2: memref<2560x128xi32, #tpu.memory_space<hbm>>, %arg3: memref<128xf32, #tpu.memory_space<hbm>>, %arg4: memref<640xf32, #tpu.memory_space<hbm>>, %arg5: memref<2x10240xf32, #tpu.memory_space<hbm>>, %arg6: memref<128xf32, #tpu.memory_space<vmem>>, %arg7: memref<80x128xi32, #tpu.memory_space<vmem>>, %arg8: memref<10240xf32, #tpu.memory_space<vmem_shared>>) attributes {dimension_semantics = [#tpu.dimension_semantics<core_parallel>, #tpu.dimension_semantics<subcore_parallel>], iteration_bounds = array<i64: 2, 16>, scalar_prefetch = 0 : i64, scratch_operands = 3 : i64, tpu.core_type = #tpu.core_type<sc_vector_subcore>, window_params = [{transform_indices = #map}, {transform_indices = #map1}, {transform_indices = #map1}, {transform_indices = #map}]} {
    %mul3A = arith.constant 16 : i32
    %mul3A_0 = arith.muli %arg0, %mul3A : i32
    %add3A = arith.addi %mul3A_0, %arg1 : i32
    %mul3A_1 = arith.constant 640 : i32
    %mul3A_2 = arith.muli %arg1, %mul3A_1 : i32
    "tpu.region"() ({
      %run_scoped3A = tpu.sem_alloc : memref<!tpu.dma_semaphore, #tpu.memory_space<semaphore_mem>>
      %dma_start3A = tpu.memref_slice %arg8[%mul3A_2] : memref<10240xf32, #tpu.memory_space<vmem_shared>> -> memref<640xf32, #tpu.memory_space<vmem_shared>>
      tpu.enqueue_dma source(%arg4 : memref<640xf32, #tpu.memory_space<hbm>>) target(%dma_start3A : memref<640xf32, #tpu.memory_space<vmem_shared>>) target_semaphore(%run_scoped3A : memref<!tpu.dma_semaphore, #tpu.memory_space<semaphore_mem>>)
      %dma_wait3A = tpu.memref_slice %arg8[%mul3A_2] : memref<10240xf32, #tpu.memory_space<vmem_shared>> -> memref<640xf32, #tpu.memory_space<vmem_shared>>
      tpu.wait_dma2 semaphore(%run_scoped3A : memref<!tpu.dma_semaphore, #tpu.memory_space<semaphore_mem>>) src(%arg4 : memref<640xf32, #tpu.memory_space<hbm>>) dst(%dma_wait3A : memref<640xf32, #tpu.memory_space<vmem_shared>>)
      tpu.yield
    }) : () -> ()
    "tpu.region"() ({
      %run_scoped3A = tpu.sem_alloc : memref<!tpu.dma_semaphore, #tpu.memory_space<semaphore_mem>>
      tpu.enqueue_dma source(%arg3 : memref<128xf32, #tpu.memory_space<hbm>>) target(%arg6 : memref<128xf32, #tpu.memory_space<vmem>>) target_semaphore(%run_scoped3A : memref<!tpu.dma_semaphore, #tpu.memory_space<semaphore_mem>>)
      tpu.wait_dma2 semaphore(%run_scoped3A : memref<!tpu.dma_semaphore, #tpu.memory_space<semaphore_mem>>) src(%arg3 : memref<128xf32, #tpu.memory_space<hbm>>) dst(%arg6 : memref<128xf32, #tpu.memory_space<vmem>>)
      tpu.yield
    }) : () -> ()
    %mul3A_3 = arith.constant 80 : i32
    %mul3A_4 = arith.muli %add3A, %mul3A_3 : i32
    "tpu.region"() ({
      %run_scoped3A = tpu.sem_alloc : memref<!tpu.dma_semaphore, #tpu.memory_space<semaphore_mem>>
      %dma_start3A = arith.constant 0 : i32
      %dma_start3A_13 = tpu.memref_slice %arg2[%mul3A_4, %dma_start3A] : memref<2560x128xi32, #tpu.memory_space<hbm>> -> memref<80x128xi32, #tpu.memory_space<hbm>>
      %dma_start3A_14 = arith.constant 0 : i32
      %dma_start3A_15 = tpu.memref_slice %arg2[%mul3A_4, %dma_start3A_14] : memref<2560x128xi32, #tpu.memory_space<hbm>> -> memref<80x128xi32, #tpu.memory_space<hbm>>
      tpu.enqueue_dma source(%dma_start3A_15 : memref<80x128xi32, #tpu.memory_space<hbm>>) target(%arg7 : memref<80x128xi32, #tpu.memory_space<vmem>>) target_semaphore(%run_scoped3A : memref<!tpu.dma_semaphore, #tpu.memory_space<semaphore_mem>>)
      %dma_wait3A = arith.constant 0 : i32
      %dma_wait3A_16 = tpu.memref_slice %arg2[%mul3A_4, %dma_wait3A] : memref<2560x128xi32, #tpu.memory_space<hbm>> -> memref<80x128xi32, #tpu.memory_space<hbm>>
      %dma_wait3A_17 = arith.constant 0 : i32
      %dma_wait3A_18 = tpu.memref_slice %arg2[%mul3A_4, %dma_wait3A_17] : memref<2560x128xi32, #tpu.memory_space<hbm>> -> memref<80x128xi32, #tpu.memory_space<hbm>>
      tpu.wait_dma2 semaphore(%run_scoped3A : memref<!tpu.dma_semaphore, #tpu.memory_space<semaphore_mem>>) src(%dma_wait3A_18 : memref<80x128xi32, #tpu.memory_space<hbm>>) dst(%arg7 : memref<80x128xi32, #tpu.memory_space<vmem>>)
      tpu.yield
    }) : () -> ()
    %barrier3A = arith.constant 0 : index
    tpu.barrier barrier_id(%barrier3A)
    %scan3A = arith.constant 0 : i32
    %scan3A_5 = arith.constant 0 : i32
    %scan3A_6 = arith.constant 80 : i32
    %scan3A_7 = arith.addi %scan3A_5, %scan3A_6 : i32
    %scan3A_8 = arith.constant 1 : i32
    scf.for %scan3A_13 = %scan3A_5 to %scan3A_7 step %scan3A_8  : i32 {
      "tpu.region"() ({
        %run_scoped3A = tpu.sem_alloc : memref<!tpu.dma_semaphore, #tpu.memory_space<semaphore_mem>>
        %dma_start3A = arith.constant 0 : i32
        %dma_start3A_14 = tpu.memref_slice %arg7[%scan3A_13, %dma_start3A] : memref<80x128xi32, #tpu.memory_space<vmem>> -> memref<1x128xi32, #tpu.memory_space<vmem>>
        %dma_start3A_15 = tpu.memref_squeeze %dma_start3A_14 : memref<1x128xi32, #tpu.memory_space<vmem>> -> memref<128xi32, #tpu.memory_space<vmem>>
        %dma_start3A_16 = arith.constant 0 : i32
        %dma_start3A_17 = tpu.memref_slice %arg8[%dma_start3A_16] : memref<10240xf32, #tpu.memory_space<vmem_shared>> -> memref<10240xf32, #tpu.memory_space<vmem_shared>>
        tpu.enqueue_indirect_dma source(%arg6 : memref<128xf32, #tpu.memory_space<vmem>>) target(%dma_start3A_17 : memref<10240xf32, #tpu.memory_space<vmem_shared>>) offsets(%dma_start3A_15 : memref<128xi32, #tpu.memory_space<vmem>>) semaphore(%run_scoped3A : memref<!tpu.dma_semaphore, #tpu.memory_space<semaphore_mem>>) {add = true}
        %dma_wait3A = arith.constant 0 : i32
        %dma_wait3A_18 = tpu.memref_slice %arg7[%scan3A_13, %dma_wait3A] : memref<80x128xi32, #tpu.memory_space<vmem>> -> memref<1x128xi32, #tpu.memory_space<vmem>>
        %dma_wait3A_19 = tpu.memref_squeeze %dma_wait3A_18 : memref<1x128xi32, #tpu.memory_space<vmem>> -> memref<128xi32, #tpu.memory_space<vmem>>
        %dma_wait3A_20 = arith.constant 0 : i32
        %dma_wait3A_21 = tpu.memref_slice %arg8[%dma_wait3A_20] : memref<10240xf32, #tpu.memory_space<vmem_shared>> -> memref<10240xf32, #tpu.memory_space<vmem_shared>>
        tpu.wait_indirect_dma semaphore(%run_scoped3A : memref<!tpu.dma_semaphore, #tpu.memory_space<semaphore_mem>>) src(%arg6 : memref<128xf32, #tpu.memory_space<vmem>>) dst(%dma_wait3A_21 : memref<10240xf32, #tpu.memory_space<vmem_shared>>)
        tpu.yield
      }) : () -> ()
    }
    %scan3A_9 = arith.constant 80 : i32
    %barrier3A_10 = arith.constant 0 : index
    tpu.barrier barrier_id(%barrier3A_10)
    %mul3A_11 = arith.constant 640 : i32
    %mul3A_12 = arith.muli %arg1, %mul3A_11 : i32
    "tpu.region"() ({
      %run_scoped3A = tpu.sem_alloc : memref<!tpu.dma_semaphore, #tpu.memory_space<semaphore_mem>>
      %dma_start3A = tpu.memref_slice %arg5[%arg0, %mul3A_12] : memref<2x10240xf32, #tpu.memory_space<hbm>> -> memref<1x640xf32, #tpu.memory_space<hbm>>
      %dma_start3A_13 = tpu.memref_squeeze %dma_start3A : memref<1x640xf32, #tpu.memory_space<hbm>> -> memref<640xf32, #tpu.memory_space<hbm>>
      %dma_start3A_14 = tpu.memref_slice %arg8[%mul3A_12] : memref<10240xf32, #tpu.memory_space<vmem_shared>> -> memref<640xf32, #tpu.memory_space<vmem_shared>>
      tpu.enqueue_dma source(%dma_start3A_14 : memref<640xf32, #tpu.memory_space<vmem_shared>>) target(%dma_start3A_13 : memref<640xf32, #tpu.memory_space<hbm>>) target_semaphore(%run_scoped3A : memref<!tpu.dma_semaphore, #tpu.memory_space<semaphore_mem>>)
      %dma_wait3A = tpu.memref_slice %arg5[%arg0, %mul3A_12] : memref<2x10240xf32, #tpu.memory_space<hbm>> -> memref<1x640xf32, #tpu.memory_space<hbm>>
      %dma_wait3A_15 = tpu.memref_squeeze %dma_wait3A : memref<1x640xf32, #tpu.memory_space<hbm>> -> memref<640xf32, #tpu.memory_space<hbm>>
      %dma_wait3A_16 = tpu.memref_slice %arg8[%mul3A_12] : memref<10240xf32, #tpu.memory_space<vmem_shared>> -> memref<640xf32, #tpu.memory_space<vmem_shared>>
      tpu.wait_dma2 semaphore(%run_scoped3A : memref<!tpu.dma_semaphore, #tpu.memory_space<semaphore_mem>>) src(%dma_wait3A_16 : memref<640xf32, #tpu.memory_space<vmem_shared>>) dst(%dma_wait3A_15 : memref<640xf32, #tpu.memory_space<hbm>>)
      tpu.yield
    }) : () -> ()
    return
  }
}

#map = affine_map<(d0, d1) -> (0, 0)>
#map1 = affine_map<(d0, d1) -> (0, 0, 0)>
module attributes {stable_mosaic.version = 14 : i64} {
  func.func @_sc_scatter(%arg0: i32, %arg1: i32, %arg2: memref<10240x32xf32, #tpu.memory_space<hbm>>, %arg3: memref<2560x128xi32, #tpu.memory_space<hbm>>, %arg4: memref<2560x128xi32, #tpu.memory_space<hbm>>, %arg5: memref<640x32xf32, #tpu.memory_space<hbm>>, %arg6: memref<2x10240x32xf32, #tpu.memory_space<hbm>>, %arg7: memref<80x128xi32, #tpu.memory_space<vmem>>, %arg8: memref<80x128xi32, #tpu.memory_space<vmem>>, %arg9: memref<8x128x32xf32, #tpu.memory_space<vmem>>, %arg10: memref<10240x32xf32, #tpu.memory_space<vmem_shared>>, %arg11: memref<8x!tpu.dma_semaphore, #tpu.memory_space<semaphore_mem>>, %arg12: memref<8x!tpu.dma_semaphore, #tpu.memory_space<semaphore_mem>>) attributes {dimension_semantics = [#tpu.dimension_semantics<core_parallel>, #tpu.dimension_semantics<subcore_parallel>], iteration_bounds = array<i64: 2, 16>, scalar_prefetch = 0 : i64, scratch_operands = 6 : i64, tpu.core_type = #tpu.core_type<sc_vector_subcore>, window_params = [{transform_indices = #map}, {transform_indices = #map}, {transform_indices = #map}, {transform_indices = #map}, {transform_indices = #map1}]} {
    %mul3A = arith.constant 16 : i32
    %mul3A_0 = arith.muli %arg0, %mul3A : i32
    %add3A = arith.addi %mul3A_0, %arg1 : i32
    %mul3A_1 = arith.constant 640 : i32
    %mul3A_2 = arith.muli %arg1, %mul3A_1 : i32
    "tpu.region"() ({
      %run_scoped3A = tpu.sem_alloc : memref<!tpu.dma_semaphore, #tpu.memory_space<semaphore_mem>>
      %dma_start3A_133 = arith.constant 0 : i32
      %dma_start3A_134 = tpu.memref_slice %arg10[%mul3A_2, %dma_start3A_133] : memref<10240x32xf32, #tpu.memory_space<vmem_shared>> -> memref<640x32xf32, #tpu.memory_space<vmem_shared>>
      tpu.enqueue_dma source(%arg5 : memref<640x32xf32, #tpu.memory_space<hbm>>) target(%dma_start3A_134 : memref<640x32xf32, #tpu.memory_space<vmem_shared>>) target_semaphore(%run_scoped3A : memref<!tpu.dma_semaphore, #tpu.memory_space<semaphore_mem>>)
      %dma_wait3A_135 = arith.constant 0 : i32
      %dma_wait3A_136 = tpu.memref_slice %arg10[%mul3A_2, %dma_wait3A_135] : memref<10240x32xf32, #tpu.memory_space<vmem_shared>> -> memref<640x32xf32, #tpu.memory_space<vmem_shared>>
      tpu.wait_dma2 semaphore(%run_scoped3A : memref<!tpu.dma_semaphore, #tpu.memory_space<semaphore_mem>>) src(%arg5 : memref<640x32xf32, #tpu.memory_space<hbm>>) dst(%dma_wait3A_136 : memref<640x32xf32, #tpu.memory_space<vmem_shared>>)
      tpu.yield
    }) : () -> ()
    %mul3A_3 = arith.constant 80 : i32
    %mul3A_4 = arith.muli %add3A, %mul3A_3 : i32
    "tpu.region"() ({
      %run_scoped3A = tpu.sem_alloc : memref<!tpu.dma_semaphore, #tpu.memory_space<semaphore_mem>>
      %dma_start3A_133 = arith.constant 0 : i32
      %dma_start3A_134 = tpu.memref_slice %arg3[%mul3A_4, %dma_start3A_133] : memref<2560x128xi32, #tpu.memory_space<hbm>> -> memref<80x128xi32, #tpu.memory_space<hbm>>
      %dma_start3A_135 = arith.constant 0 : i32
      %dma_start3A_136 = tpu.memref_slice %arg3[%mul3A_4, %dma_start3A_135] : memref<2560x128xi32, #tpu.memory_space<hbm>> -> memref<80x128xi32, #tpu.memory_space<hbm>>
      tpu.enqueue_dma source(%dma_start3A_136 : memref<80x128xi32, #tpu.memory_space<hbm>>) target(%arg7 : memref<80x128xi32, #tpu.memory_space<vmem>>) target_semaphore(%run_scoped3A : memref<!tpu.dma_semaphore, #tpu.memory_space<semaphore_mem>>)
      %dma_wait3A_137 = arith.constant 0 : i32
      %dma_wait3A_138 = tpu.memref_slice %arg3[%mul3A_4, %dma_wait3A_137] : memref<2560x128xi32, #tpu.memory_space<hbm>> -> memref<80x128xi32, #tpu.memory_space<hbm>>
      %dma_wait3A_139 = arith.constant 0 : i32
      %dma_wait3A_140 = tpu.memref_slice %arg3[%mul3A_4, %dma_wait3A_139] : memref<2560x128xi32, #tpu.memory_space<hbm>> -> memref<80x128xi32, #tpu.memory_space<hbm>>
      tpu.wait_dma2 semaphore(%run_scoped3A : memref<!tpu.dma_semaphore, #tpu.memory_space<semaphore_mem>>) src(%dma_wait3A_140 : memref<80x128xi32, #tpu.memory_space<hbm>>) dst(%arg7 : memref<80x128xi32, #tpu.memory_space<vmem>>)
      tpu.yield
    }) : () -> ()
    %mul3A_5 = arith.constant 80 : i32
    %mul3A_6 = arith.muli %add3A, %mul3A_5 : i32
    "tpu.region"() ({
      %run_scoped3A = tpu.sem_alloc : memref<!tpu.dma_semaphore, #tpu.memory_space<semaphore_mem>>
      %dma_start3A_133 = arith.constant 0 : i32
      %dma_start3A_134 = tpu.memref_slice %arg4[%mul3A_6, %dma_start3A_133] : memref<2560x128xi32, #tpu.memory_space<hbm>> -> memref<80x128xi32, #tpu.memory_space<hbm>>
      %dma_start3A_135 = arith.constant 0 : i32
      %dma_start3A_136 = tpu.memref_slice %arg4[%mul3A_6, %dma_start3A_135] : memref<2560x128xi32, #tpu.memory_space<hbm>> -> memref<80x128xi32, #tpu.memory_space<hbm>>
      tpu.enqueue_dma source(%dma_start3A_136 : memref<80x128xi32, #tpu.memory_space<hbm>>) target(%arg8 : memref<80x128xi32, #tpu.memory_space<vmem>>) target_semaphore(%run_scoped3A : memref<!tpu.dma_semaphore, #tpu.memory_space<semaphore_mem>>)
      %dma_wait3A_137 = arith.constant 0 : i32
      %dma_wait3A_138 = tpu.memref_slice %arg4[%mul3A_6, %dma_wait3A_137] : memref<2560x128xi32, #tpu.memory_space<hbm>> -> memref<80x128xi32, #tpu.memory_space<hbm>>
      %dma_wait3A_139 = arith.constant 0 : i32
      %dma_wait3A_140 = tpu.memref_slice %arg4[%mul3A_6, %dma_wait3A_139] : memref<2560x128xi32, #tpu.memory_space<hbm>> -> memref<80x128xi32, #tpu.memory_space<hbm>>
      tpu.wait_dma2 semaphore(%run_scoped3A : memref<!tpu.dma_semaphore, #tpu.memory_space<semaphore_mem>>) src(%dma_wait3A_140 : memref<80x128xi32, #tpu.memory_space<hbm>>) dst(%arg8 : memref<80x128xi32, #tpu.memory_space<vmem>>)
      tpu.yield
    }) : () -> ()
    %barrier3A = arith.constant 0 : index
    tpu.barrier barrier_id(%barrier3A)
    %dma_start3A = arith.constant 0 : i32
    %dma_start3A_7 = arith.constant 0 : i32
    %dma_start3A_8 = arith.constant 0 : i32
    %dma_start3A_9 = arith.constant 0 : i32
    %dma_start3A_10 = arith.constant 0 : i32
    %dma_start3A_11 = tpu.memref_slice %arg9[%dma_start3A_7, %dma_start3A_9, %dma_start3A_10] : memref<8x128x32xf32, #tpu.memory_space<vmem>> -> memref<1x128x32xf32, #tpu.memory_space<vmem>>
    %dma_start3A_12 = tpu.memref_squeeze %dma_start3A_11 : memref<1x128x32xf32, #tpu.memory_space<vmem>> -> memref<128x32xf32, #tpu.memory_space<vmem>>
    %dma_start3A_13 = arith.constant 0 : i32
    %dma_start3A_14 = tpu.memref_slice %arg7[%dma_start3A, %dma_start3A_13] : memref<80x128xi32, #tpu.memory_space<vmem>> -> memref<1x128xi32, #tpu.memory_space<vmem>>
    %dma_start3A_15 = tpu.memref_squeeze %dma_start3A_14 : memref<1x128xi32, #tpu.memory_space<vmem>> -> memref<128xi32, #tpu.memory_space<vmem>>
    %dma_start3A_16 = arith.constant 0 : i32
    %dma_start3A_17 = arith.constant 0 : i32
    %dma_start3A_18 = tpu.memref_slice %arg2[%dma_start3A_16, %dma_start3A_17] : memref<10240x32xf32, #tpu.memory_space<hbm>> -> memref<10240x32xf32, #tpu.memory_space<hbm>>
    %dma_start3A_19 = tpu.memref_slice %arg11[%dma_start3A_8] : memref<8x!tpu.dma_semaphore, #tpu.memory_space<semaphore_mem>> -> memref<1x!tpu.dma_semaphore, #tpu.memory_space<semaphore_mem>>
    %dma_start3A_20 = tpu.memref_squeeze %dma_start3A_19 : memref<1x!tpu.dma_semaphore, #tpu.memory_space<semaphore_mem>> -> memref<!tpu.dma_semaphore, #tpu.memory_space<semaphore_mem>>
    tpu.enqueue_indirect_dma source(%dma_start3A_18 : memref<10240x32xf32, #tpu.memory_space<hbm>>) target(%dma_start3A_12 : memref<128x32xf32, #tpu.memory_space<vmem>>) offsets(%dma_start3A_15 : memref<128xi32, #tpu.memory_space<vmem>>) semaphore(%dma_start3A_20 : memref<!tpu.dma_semaphore, #tpu.memory_space<semaphore_mem>>)
    %dma_start3A_21 = arith.constant 1 : i32
    %dma_start3A_22 = arith.constant 1 : i32
    %dma_start3A_23 = arith.constant 1 : i32
    %dma_start3A_24 = arith.constant 0 : i32
    %dma_start3A_25 = arith.constant 0 : i32
    %dma_start3A_26 = tpu.memref_slice %arg9[%dma_start3A_22, %dma_start3A_24, %dma_start3A_25] : memref<8x128x32xf32, #tpu.memory_space<vmem>> -> memref<1x128x32xf32, #tpu.memory_space<vmem>>
    %dma_start3A_27 = tpu.memref_squeeze %dma_start3A_26 : memref<1x128x32xf32, #tpu.memory_space<vmem>> -> memref<128x32xf32, #tpu.memory_space<vmem>>
    %dma_start3A_28 = arith.constant 0 : i32
    %dma_start3A_29 = tpu.memref_slice %arg7[%dma_start3A_21, %dma_start3A_28] : memref<80x128xi32, #tpu.memory_space<vmem>> -> memref<1x128xi32, #tpu.memory_space<vmem>>
    %dma_start3A_30 = tpu.memref_squeeze %dma_start3A_29 : memref<1x128xi32, #tpu.memory_space<vmem>> -> memref<128xi32, #tpu.memory_space<vmem>>
    %dma_start3A_31 = arith.constant 0 : i32
    %dma_start3A_32 = arith.constant 0 : i32
    %dma_start3A_33 = tpu.memref_slice %arg2[%dma_start3A_31, %dma_start3A_32] : memref<10240x32xf32, #tpu.memory_space<hbm>> -> memref<10240x32xf32, #tpu.memory_space<hbm>>
    %dma_start3A_34 = tpu.memref_slice %arg11[%dma_start3A_23] : memref<8x!tpu.dma_semaphore, #tpu.memory_space<semaphore_mem>> -> memref<1x!tpu.dma_semaphore, #tpu.memory_space<semaphore_mem>>
    %dma_start3A_35 = tpu.memref_squeeze %dma_start3A_34 : memref<1x!tpu.dma_semaphore, #tpu.memory_space<semaphore_mem>> -> memref<!tpu.dma_semaphore, #tpu.memory_space<semaphore_mem>>
    tpu.enqueue_indirect_dma source(%dma_start3A_33 : memref<10240x32xf32, #tpu.memory_space<hbm>>) target(%dma_start3A_27 : memref<128x32xf32, #tpu.memory_space<vmem>>) offsets(%dma_start3A_30 : memref<128xi32, #tpu.memory_space<vmem>>) semaphore(%dma_start3A_35 : memref<!tpu.dma_semaphore, #tpu.memory_space<semaphore_mem>>)
    %dma_start3A_36 = arith.constant 2 : i32
    %dma_start3A_37 = arith.constant 2 : i32
    %dma_start3A_38 = arith.constant 2 : i32
    %dma_start3A_39 = arith.constant 0 : i32
    %dma_start3A_40 = arith.constant 0 : i32
    %dma_start3A_41 = tpu.memref_slice %arg9[%dma_start3A_37, %dma_start3A_39, %dma_start3A_40] : memref<8x128x32xf32, #tpu.memory_space<vmem>> -> memref<1x128x32xf32, #tpu.memory_space<vmem>>
    %dma_start3A_42 = tpu.memref_squeeze %dma_start3A_41 : memref<1x128x32xf32, #tpu.memory_space<vmem>> -> memref<128x32xf32, #tpu.memory_space<vmem>>
    %dma_start3A_43 = arith.constant 0 : i32
    %dma_start3A_44 = tpu.memref_slice %arg7[%dma_start3A_36, %dma_start3A_43] : memref<80x128xi32, #tpu.memory_space<vmem>> -> memref<1x128xi32, #tpu.memory_space<vmem>>
    %dma_start3A_45 = tpu.memref_squeeze %dma_start3A_44 : memref<1x128xi32, #tpu.memory_space<vmem>> -> memref<128xi32, #tpu.memory_space<vmem>>
    %dma_start3A_46 = arith.constant 0 : i32
    %dma_start3A_47 = arith.constant 0 : i32
    %dma_start3A_48 = tpu.memref_slice %arg2[%dma_start3A_46, %dma_start3A_47] : memref<10240x32xf32, #tpu.memory_space<hbm>> -> memref<10240x32xf32, #tpu.memory_space<hbm>>
    %dma_start3A_49 = tpu.memref_slice %arg11[%dma_start3A_38] : memref<8x!tpu.dma_semaphore, #tpu.memory_space<semaphore_mem>> -> memref<1x!tpu.dma_semaphore, #tpu.memory_space<semaphore_mem>>
    %dma_start3A_50 = tpu.memref_squeeze %dma_start3A_49 : memref<1x!tpu.dma_semaphore, #tpu.memory_space<semaphore_mem>> -> memref<!tpu.dma_semaphore, #tpu.memory_space<semaphore_mem>>
    tpu.enqueue_indirect_dma source(%dma_start3A_48 : memref<10240x32xf32, #tpu.memory_space<hbm>>) target(%dma_start3A_42 : memref<128x32xf32, #tpu.memory_space<vmem>>) offsets(%dma_start3A_45 : memref<128xi32, #tpu.memory_space<vmem>>) semaphore(%dma_start3A_50 : memref<!tpu.dma_semaphore, #tpu.memory_space<semaphore_mem>>)
    %dma_start3A_51 = arith.constant 3 : i32
    %dma_start3A_52 = arith.constant 3 : i32
    %dma_start3A_53 = arith.constant 3 : i32
    %dma_start3A_54 = arith.constant 0 : i32
    %dma_start3A_55 = arith.constant 0 : i32
    %dma_start3A_56 = tpu.memref_slice %arg9[%dma_start3A_52, %dma_start3A_54, %dma_start3A_55] : memref<8x128x32xf32, #tpu.memory_space<vmem>> -> memref<1x128x32xf32, #tpu.memory_space<vmem>>
    %dma_start3A_57 = tpu.memref_squeeze %dma_start3A_56 : memref<1x128x32xf32, #tpu.memory_space<vmem>> -> memref<128x32xf32, #tpu.memory_space<vmem>>
    %dma_start3A_58 = arith.constant 0 : i32
    %dma_start3A_59 = tpu.memref_slice %arg7[%dma_start3A_51, %dma_start3A_58] : memref<80x128xi32, #tpu.memory_space<vmem>> -> memref<1x128xi32, #tpu.memory_space<vmem>>
    %dma_start3A_60 = tpu.memref_squeeze %dma_start3A_59 : memref<1x128xi32, #tpu.memory_space<vmem>> -> memref<128xi32, #tpu.memory_space<vmem>>
    %dma_start3A_61 = arith.constant 0 : i32
    %dma_start3A_62 = arith.constant 0 : i32
    %dma_start3A_63 = tpu.memref_slice %arg2[%dma_start3A_61, %dma_start3A_62] : memref<10240x32xf32, #tpu.memory_space<hbm>> -> memref<10240x32xf32, #tpu.memory_space<hbm>>
    %dma_start3A_64 = tpu.memref_slice %arg11[%dma_start3A_53] : memref<8x!tpu.dma_semaphore, #tpu.memory_space<semaphore_mem>> -> memref<1x!tpu.dma_semaphore, #tpu.memory_space<semaphore_mem>>
    %dma_start3A_65 = tpu.memref_squeeze %dma_start3A_64 : memref<1x!tpu.dma_semaphore, #tpu.memory_space<semaphore_mem>> -> memref<!tpu.dma_semaphore, #tpu.memory_space<semaphore_mem>>
    tpu.enqueue_indirect_dma source(%dma_start3A_63 : memref<10240x32xf32, #tpu.memory_space<hbm>>) target(%dma_start3A_57 : memref<128x32xf32, #tpu.memory_space<vmem>>) offsets(%dma_start3A_60 : memref<128xi32, #tpu.memory_space<vmem>>) semaphore(%dma_start3A_65 : memref<!tpu.dma_semaphore, #tpu.memory_space<semaphore_mem>>)
    %scan3A = arith.constant 0 : i32
    %scan3A_66 = arith.constant 0 : i32
    %scan3A_67 = arith.constant 10 : i32
    %scan3A_68 = arith.addi %scan3A_66, %scan3A_67 : i32
    %scan3A_69 = arith.constant 1 : i32
    scf.for %scan3A_133 = %scan3A_66 to %scan3A_68 step %scan3A_69  : i32 {
      %mul3A_134 = arith.constant 8 : i32
      %mul3A_135 = arith.muli %scan3A_133, %mul3A_134 : i32
      %add3A_136 = arith.constant 0 : i32
      %add3A_137 = arith.addi %mul3A_135, %add3A_136 : i32
      %dma_wait3A_138 = arith.constant 0 : i32
      %dma_wait3A_139 = arith.constant 0 : i32
      %dma_wait3A_140 = arith.constant 0 : i32
      %dma_wait3A_141 = arith.constant 0 : i32
      %dma_wait3A_142 = tpu.memref_slice %arg9[%dma_wait3A_138, %dma_wait3A_140, %dma_wait3A_141] : memref<8x128x32xf32, #tpu.memory_space<vmem>> -> memref<1x128x32xf32, #tpu.memory_space<vmem>>
      %dma_wait3A_143 = tpu.memref_squeeze %dma_wait3A_142 : memref<1x128x32xf32, #tpu.memory_space<vmem>> -> memref<128x32xf32, #tpu.memory_space<vmem>>
      %dma_wait3A_144 = arith.constant 0 : i32
      %dma_wait3A_145 = tpu.memref_slice %arg7[%add3A_137, %dma_wait3A_144] : memref<80x128xi32, #tpu.memory_space<vmem>> -> memref<1x128xi32, #tpu.memory_space<vmem>>
      %dma_wait3A_146 = tpu.memref_squeeze %dma_wait3A_145 : memref<1x128xi32, #tpu.memory_space<vmem>> -> memref<128xi32, #tpu.memory_space<vmem>>
      %dma_wait3A_147 = arith.constant 0 : i32
      %dma_wait3A_148 = arith.constant 0 : i32
      %dma_wait3A_149 = tpu.memref_slice %arg2[%dma_wait3A_147, %dma_wait3A_148] : memref<10240x32xf32, #tpu.memory_space<hbm>> -> memref<10240x32xf32, #tpu.memory_space<hbm>>
      %dma_wait3A_150 = tpu.memref_slice %arg11[%dma_wait3A_139] : memref<8x!tpu.dma_semaphore, #tpu.memory_space<semaphore_mem>> -> memref<1x!tpu.dma_semaphore, #tpu.memory_space<semaphore_mem>>
      %dma_wait3A_151 = tpu.memref_squeeze %dma_wait3A_150 : memref<1x!tpu.dma_semaphore, #tpu.memory_space<semaphore_mem>> -> memref<!tpu.dma_semaphore, #tpu.memory_space<semaphore_mem>>
      tpu.wait_indirect_dma semaphore(%dma_wait3A_151 : memref<!tpu.dma_semaphore, #tpu.memory_space<semaphore_mem>>) src(%dma_wait3A_149 : memref<10240x32xf32, #tpu.memory_space<hbm>>) dst(%dma_wait3A_143 : memref<128x32xf32, #tpu.memory_space<vmem>>)
      %dma_start3A_152 = arith.constant 0 : i32
      %dma_start3A_153 = arith.constant 0 : i32
      %dma_start3A_154 = arith.constant 0 : i32
      %dma_start3A_155 = arith.constant 0 : i32
      %dma_start3A_156 = tpu.memref_slice %arg9[%dma_start3A_152, %dma_start3A_154, %dma_start3A_155] : memref<8x128x32xf32, #tpu.memory_space<vmem>> -> memref<1x128x32xf32, #tpu.memory_space<vmem>>
      %dma_start3A_157 = tpu.memref_squeeze %dma_start3A_156 : memref<1x128x32xf32, #tpu.memory_space<vmem>> -> memref<128x32xf32, #tpu.memory_space<vmem>>
      %dma_start3A_158 = arith.constant 0 : i32
      %dma_start3A_159 = tpu.memref_slice %arg8[%add3A_137, %dma_start3A_158] : memref<80x128xi32, #tpu.memory_space<vmem>> -> memref<1x128xi32, #tpu.memory_space<vmem>>
      %dma_start3A_160 = tpu.memref_squeeze %dma_start3A_159 : memref<1x128xi32, #tpu.memory_space<vmem>> -> memref<128xi32, #tpu.memory_space<vmem>>
      %dma_start3A_161 = arith.constant 0 : i32
      %dma_start3A_162 = arith.constant 0 : i32
      %dma_start3A_163 = tpu.memref_slice %arg10[%dma_start3A_161, %dma_start3A_162] : memref<10240x32xf32, #tpu.memory_space<vmem_shared>> -> memref<10240x32xf32, #tpu.memory_space<vmem_shared>>
      %dma_start3A_164 = tpu.memref_slice %arg12[%dma_start3A_153] : memref<8x!tpu.dma_semaphore, #tpu.memory_space<semaphore_mem>> -> memref<1x!tpu.dma_semaphore, #tpu.memory_space<semaphore_mem>>
      %dma_start3A_165 = tpu.memref_squeeze %dma_start3A_164 : memref<1x!tpu.dma_semaphore, #tpu.memory_space<semaphore_mem>> -> memref<!tpu.dma_semaphore, #tpu.memory_space<semaphore_mem>>
      tpu.enqueue_indirect_dma source(%dma_start3A_157 : memref<128x32xf32, #tpu.memory_space<vmem>>) target(%dma_start3A_163 : memref<10240x32xf32, #tpu.memory_space<vmem_shared>>) offsets(%dma_start3A_160 : memref<128xi32, #tpu.memory_space<vmem>>) semaphore(%dma_start3A_165 : memref<!tpu.dma_semaphore, #tpu.memory_space<semaphore_mem>>) {add = true}
      %gt3A = arith.constant 0 : i32
      %gt3A_166 = arith.cmpi sgt, %scan3A_133, %gt3A : i32
      %convert_element_type3A = arith.extui %gt3A_166 : i1 to i32
      %cond3A = arith.constant 0 : i32
      %cond3A_167 = arith.cmpi ne, %convert_element_type3A, %cond3A : i32
      scf.if %cond3A_167 {
        %sub3A_553 = arith.constant 4 : i32
        %sub3A_554 = arith.subi %add3A_137, %sub3A_553 : i32
        %dma_wait3A_555 = arith.constant 4 : i32
        %dma_wait3A_556 = arith.constant 4 : i32
        %dma_wait3A_557 = arith.constant 0 : i32
        %dma_wait3A_558 = arith.constant 0 : i32
        %dma_wait3A_559 = tpu.memref_slice %arg9[%dma_wait3A_555, %dma_wait3A_557, %dma_wait3A_558] : memref<8x128x32xf32, #tpu.memory_space<vmem>> -> memref<1x128x32xf32, #tpu.memory_space<vmem>>
        %dma_wait3A_560 = tpu.memref_squeeze %dma_wait3A_559 : memref<1x128x32xf32, #tpu.memory_space<vmem>> -> memref<128x32xf32, #tpu.memory_space<vmem>>
        %dma_wait3A_561 = arith.constant 0 : i32
        %dma_wait3A_562 = tpu.memref_slice %arg8[%sub3A_554, %dma_wait3A_561] : memref<80x128xi32, #tpu.memory_space<vmem>> -> memref<1x128xi32, #tpu.memory_space<vmem>>
        %dma_wait3A_563 = tpu.memref_squeeze %dma_wait3A_562 : memref<1x128xi32, #tpu.memory_space<vmem>> -> memref<128xi32, #tpu.memory_space<vmem>>
        %dma_wait3A_564 = arith.constant 0 : i32
        %dma_wait3A_565 = arith.constant 0 : i32
        %dma_wait3A_566 = tpu.memref_slice %arg10[%dma_wait3A_564, %dma_wait3A_565] : memref<10240x32xf32, #tpu.memory_space<vmem_shared>> -> memref<10240x32xf32, #tpu.memory_space<vmem_shared>>
        %dma_wait3A_567 = tpu.memref_slice %arg12[%dma_wait3A_556] : memref<8x!tpu.dma_semaphore, #tpu.memory_space<semaphore_mem>> -> memref<1x!tpu.dma_semaphore, #tpu.memory_space<semaphore_mem>>
        %dma_wait3A_568 = tpu.memref_squeeze %dma_wait3A_567 : memref<1x!tpu.dma_semaphore, #tpu.memory_space<semaphore_mem>> -> memref<!tpu.dma_semaphore, #tpu.memory_space<semaphore_mem>>
        tpu.wait_indirect_dma semaphore(%dma_wait3A_568 : memref<!tpu.dma_semaphore, #tpu.memory_space<semaphore_mem>>) src(%dma_wait3A_560 : memref<128x32xf32, #tpu.memory_space<vmem>>) dst(%dma_wait3A_566 : memref<10240x32xf32, #tpu.memory_space<vmem_shared>>)
      } else {
      }
      %add3A_168 = arith.constant 4 : i32
      %add3A_169 = arith.addi %add3A_137, %add3A_168 : i32
      %dma_start3A_170 = arith.constant 4 : i32
      %dma_start3A_171 = arith.constant 4 : i32
      %dma_start3A_172 = arith.constant 0 : i32
      %dma_start3A_173 = arith.constant 0 : i32
      %dma_start3A_174 = tpu.memref_slice %arg9[%dma_start3A_170, %dma_start3A_172, %dma_start3A_173] : memref<8x128x32xf32, #tpu.memory_space<vmem>> -> memref<1x128x32xf32, #tpu.memory_space<vmem>>
      %dma_start3A_175 = tpu.memref_squeeze %dma_start3A_174 : memref<1x128x32xf32, #tpu.memory_space<vmem>> -> memref<128x32xf32, #tpu.memory_space<vmem>>
      %dma_start3A_176 = arith.constant 0 : i32
      %dma_start3A_177 = tpu.memref_slice %arg7[%add3A_169, %dma_start3A_176] : memref<80x128xi32, #tpu.memory_space<vmem>> -> memref<1x128xi32, #tpu.memory_space<vmem>>
      %dma_start3A_178 = tpu.memref_squeeze %dma_start3A_177 : memref<1x128xi32, #tpu.memory_space<vmem>> -> memref<128xi32, #tpu.memory_space<vmem>>
      %dma_start3A_179 = arith.constant 0 : i32
      %dma_start3A_180 = arith.constant 0 : i32
      %dma_start3A_181 = tpu.memref_slice %arg2[%dma_start3A_179, %dma_start3A_180] : memref<10240x32xf32, #tpu.memory_space<hbm>> -> memref<10240x32xf32, #tpu.memory_space<hbm>>
      %dma_start3A_182 = tpu.memref_slice %arg11[%dma_start3A_171] : memref<8x!tpu.dma_semaphore, #tpu.memory_space<semaphore_mem>> -> memref<1x!tpu.dma_semaphore, #tpu.memory_space<semaphore_mem>>
      %dma_start3A_183 = tpu.memref_squeeze %dma_start3A_182 : memref<1x!tpu.dma_semaphore, #tpu.memory_space<semaphore_mem>> -> memref<!tpu.dma_semaphore, #tpu.memory_space<semaphore_mem>>
      tpu.enqueue_indirect_dma source(%dma_start3A_181 : memref<10240x32xf32, #tpu.memory_space<hbm>>) target(%dma_start3A_175 : memref<128x32xf32, #tpu.memory_space<vmem>>) offsets(%dma_start3A_178 : memref<128xi32, #tpu.memory_space<vmem>>) semaphore(%dma_start3A_183 : memref<!tpu.dma_semaphore, #tpu.memory_space<semaphore_mem>>)
      %mul3A_184 = arith.constant 8 : i32
      %mul3A_185 = arith.muli %scan3A_133, %mul3A_184 : i32
      %add3A_186 = arith.constant 1 : i32
      %add3A_187 = arith.addi %mul3A_185, %add3A_186 : i32
      %dma_wait3A_188 = arith.constant 1 : i32
      %dma_wait3A_189 = arith.constant 1 : i32
      %dma_wait3A_190 = arith.constant 0 : i32
      %dma_wait3A_191 = arith.constant 0 : i32
      %dma_wait3A_192 = tpu.memref_slice %arg9[%dma_wait3A_188, %dma_wait3A_190, %dma_wait3A_191] : memref<8x128x32xf32, #tpu.memory_space<vmem>> -> memref<1x128x32xf32, #tpu.memory_space<vmem>>
      %dma_wait3A_193 = tpu.memref_squeeze %dma_wait3A_192 : memref<1x128x32xf32, #tpu.memory_space<vmem>> -> memref<128x32xf32, #tpu.memory_space<vmem>>
      %dma_wait3A_194 = arith.constant 0 : i32
      %dma_wait3A_195 = tpu.memref_slice %arg7[%add3A_187, %dma_wait3A_194] : memref<80x128xi32, #tpu.memory_space<vmem>> -> memref<1x128xi32, #tpu.memory_space<vmem>>
      %dma_wait3A_196 = tpu.memref_squeeze %dma_wait3A_195 : memref<1x128xi32, #tpu.memory_space<vmem>> -> memref<128xi32, #tpu.memory_space<vmem>>
      %dma_wait3A_197 = arith.constant 0 : i32
      %dma_wait3A_198 = arith.constant 0 : i32
      %dma_wait3A_199 = tpu.memref_slice %arg2[%dma_wait3A_197, %dma_wait3A_198] : memref<10240x32xf32, #tpu.memory_space<hbm>> -> memref<10240x32xf32, #tpu.memory_space<hbm>>
      %dma_wait3A_200 = tpu.memref_slice %arg11[%dma_wait3A_189] : memref<8x!tpu.dma_semaphore, #tpu.memory_space<semaphore_mem>> -> memref<1x!tpu.dma_semaphore, #tpu.memory_space<semaphore_mem>>
      %dma_wait3A_201 = tpu.memref_squeeze %dma_wait3A_200 : memref<1x!tpu.dma_semaphore, #tpu.memory_space<semaphore_mem>> -> memref<!tpu.dma_semaphore, #tpu.memory_space<semaphore_mem>>
      tpu.wait_indirect_dma semaphore(%dma_wait3A_201 : memref<!tpu.dma_semaphore, #tpu.memory_space<semaphore_mem>>) src(%dma_wait3A_199 : memref<10240x32xf32, #tpu.memory_space<hbm>>) dst(%dma_wait3A_193 : memref<128x32xf32, #tpu.memory_space<vmem>>)
      %dma_start3A_202 = arith.constant 1 : i32
      %dma_start3A_203 = arith.constant 1 : i32
      %dma_start3A_204 = arith.constant 0 : i32
      %dma_start3A_205 = arith.constant 0 : i32
      %dma_start3A_206 = tpu.memref_slice %arg9[%dma_start3A_202, %dma_start3A_204, %dma_start3A_205] : memref<8x128x32xf32, #tpu.memory_space<vmem>> -> memref<1x128x32xf32, #tpu.memory_space<vmem>>
      %dma_start3A_207 = tpu.memref_squeeze %dma_start3A_206 : memref<1x128x32xf32, #tpu.memory_space<vmem>> -> memref<128x32xf32, #tpu.memory_space<vmem>>
      %dma_start3A_208 = arith.constant 0 : i32
      %dma_start3A_209 = tpu.memref_slice %arg8[%add3A_187, %dma_start3A_208] : memref<80x128xi32, #tpu.memory_space<vmem>> -> memref<1x128xi32, #tpu.memory_space<vmem>>
      %dma_start3A_210 = tpu.memref_squeeze %dma_start3A_209 : memref<1x128xi32, #tpu.memory_space<vmem>> -> memref<128xi32, #tpu.memory_space<vmem>>
      %dma_start3A_211 = arith.constant 0 : i32
      %dma_start3A_212 = arith.constant 0 : i32
      %dma_start3A_213 = tpu.memref_slice %arg10[%dma_start3A_211, %dma_start3A_212] : memref<10240x32xf32, #tpu.memory_space<vmem_shared>> -> memref<10240x32xf32, #tpu.memory_space<vmem_shared>>
      %dma_start3A_214 = tpu.memref_slice %arg12[%dma_start3A_203] : memref<8x!tpu.dma_semaphore, #tpu.memory_space<semaphore_mem>> -> memref<1x!tpu.dma_semaphore, #tpu.memory_space<semaphore_mem>>
      %dma_start3A_215 = tpu.memref_squeeze %dma_start3A_214 : memref<1x!tpu.dma_semaphore, #tpu.memory_space<semaphore_mem>> -> memref<!tpu.dma_semaphore, #tpu.memory_space<semaphore_mem>>
      tpu.enqueue_indirect_dma source(%dma_start3A_207 : memref<128x32xf32, #tpu.memory_space<vmem>>) target(%dma_start3A_213 : memref<10240x32xf32, #tpu.memory_space<vmem_shared>>) offsets(%dma_start3A_210 : memref<128xi32, #tpu.memory_space<vmem>>) semaphore(%dma_start3A_215 : memref<!tpu.dma_semaphore, #tpu.memory_space<semaphore_mem>>) {add = true}
      %gt3A_216 = arith.constant 0 : i32
      %gt3A_217 = arith.cmpi sgt, %scan3A_133, %gt3A_216 : i32
      %convert_element_type3A_218 = arith.extui %gt3A_217 : i1 to i32
      %cond3A_219 = arith.constant 0 : i32
      %cond3A_220 = arith.cmpi ne, %convert_element_type3A_218, %cond3A_219 : i32
      scf.if %cond3A_220 {
        %sub3A_553 = arith.constant 4 : i32
        %sub3A_554 = arith.subi %add3A_187, %sub3A_553 : i32
        %dma_wait3A_555 = arith.constant 5 : i32
        %dma_wait3A_556 = arith.constant 5 : i32
        %dma_wait3A_557 = arith.constant 0 : i32
        %dma_wait3A_558 = arith.constant 0 : i32
        %dma_wait3A_559 = tpu.memref_slice %arg9[%dma_wait3A_555, %dma_wait3A_557, %dma_wait3A_558] : memref<8x128x32xf32, #tpu.memory_space<vmem>> -> memref<1x128x32xf32, #tpu.memory_space<vmem>>
        %dma_wait3A_560 = tpu.memref_squeeze %dma_wait3A_559 : memref<1x128x32xf32, #tpu.memory_space<vmem>> -> memref<128x32xf32, #tpu.memory_space<vmem>>
        %dma_wait3A_561 = arith.constant 0 : i32
        %dma_wait3A_562 = tpu.memref_slice %arg8[%sub3A_554, %dma_wait3A_561] : memref<80x128xi32, #tpu.memory_space<vmem>> -> memref<1x128xi32, #tpu.memory_space<vmem>>
        %dma_wait3A_563 = tpu.memref_squeeze %dma_wait3A_562 : memref<1x128xi32, #tpu.memory_space<vmem>> -> memref<128xi32, #tpu.memory_space<vmem>>
        %dma_wait3A_564 = arith.constant 0 : i32
        %dma_wait3A_565 = arith.constant 0 : i32
        %dma_wait3A_566 = tpu.memref_slice %arg10[%dma_wait3A_564, %dma_wait3A_565] : memref<10240x32xf32, #tpu.memory_space<vmem_shared>> -> memref<10240x32xf32, #tpu.memory_space<vmem_shared>>
        %dma_wait3A_567 = tpu.memref_slice %arg12[%dma_wait3A_556] : memref<8x!tpu.dma_semaphore, #tpu.memory_space<semaphore_mem>> -> memref<1x!tpu.dma_semaphore, #tpu.memory_space<semaphore_mem>>
        %dma_wait3A_568 = tpu.memref_squeeze %dma_wait3A_567 : memref<1x!tpu.dma_semaphore, #tpu.memory_space<semaphore_mem>> -> memref<!tpu.dma_semaphore, #tpu.memory_space<semaphore_mem>>
        tpu.wait_indirect_dma semaphore(%dma_wait3A_568 : memref<!tpu.dma_semaphore, #tpu.memory_space<semaphore_mem>>) src(%dma_wait3A_560 : memref<128x32xf32, #tpu.memory_space<vmem>>) dst(%dma_wait3A_566 : memref<10240x32xf32, #tpu.memory_space<vmem_shared>>)
      } else {
      }
      %add3A_221 = arith.constant 4 : i32
      %add3A_222 = arith.addi %add3A_187, %add3A_221 : i32
      %dma_start3A_223 = arith.constant 5 : i32
      %dma_start3A_224 = arith.constant 5 : i32
      %dma_start3A_225 = arith.constant 0 : i32
      %dma_start3A_226 = arith.constant 0 : i32
      %dma_start3A_227 = tpu.memref_slice %arg9[%dma_start3A_223, %dma_start3A_225, %dma_start3A_226] : memref<8x128x32xf32, #tpu.memory_space<vmem>> -> memref<1x128x32xf32, #tpu.memory_space<vmem>>
      %dma_start3A_228 = tpu.memref_squeeze %dma_start3A_227 : memref<1x128x32xf32, #tpu.memory_space<vmem>> -> memref<128x32xf32, #tpu.memory_space<vmem>>
      %dma_start3A_229 = arith.constant 0 : i32
      %dma_start3A_230 = tpu.memref_slice %arg7[%add3A_222, %dma_start3A_229] : memref<80x128xi32, #tpu.memory_space<vmem>> -> memref<1x128xi32, #tpu.memory_space<vmem>>
      %dma_start3A_231 = tpu.memref_squeeze %dma_start3A_230 : memref<1x128xi32, #tpu.memory_space<vmem>> -> memref<128xi32, #tpu.memory_space<vmem>>
      %dma_start3A_232 = arith.constant 0 : i32
      %dma_start3A_233 = arith.constant 0 : i32
      %dma_start3A_234 = tpu.memref_slice %arg2[%dma_start3A_232, %dma_start3A_233] : memref<10240x32xf32, #tpu.memory_space<hbm>> -> memref<10240x32xf32, #tpu.memory_space<hbm>>
      %dma_start3A_235 = tpu.memref_slice %arg11[%dma_start3A_224] : memref<8x!tpu.dma_semaphore, #tpu.memory_space<semaphore_mem>> -> memref<1x!tpu.dma_semaphore, #tpu.memory_space<semaphore_mem>>
      %dma_start3A_236 = tpu.memref_squeeze %dma_start3A_235 : memref<1x!tpu.dma_semaphore, #tpu.memory_space<semaphore_mem>> -> memref<!tpu.dma_semaphore, #tpu.memory_space<semaphore_mem>>
      tpu.enqueue_indirect_dma source(%dma_start3A_234 : memref<10240x32xf32, #tpu.memory_space<hbm>>) target(%dma_start3A_228 : memref<128x32xf32, #tpu.memory_space<vmem>>) offsets(%dma_start3A_231 : memref<128xi32, #tpu.memory_space<vmem>>) semaphore(%dma_start3A_236 : memref<!tpu.dma_semaphore, #tpu.memory_space<semaphore_mem>>)
      %mul3A_237 = arith.constant 8 : i32
      %mul3A_238 = arith.muli %scan3A_133, %mul3A_237 : i32
      %add3A_239 = arith.constant 2 : i32
      %add3A_240 = arith.addi %mul3A_238, %add3A_239 : i32
      %dma_wait3A_241 = arith.constant 2 : i32
      %dma_wait3A_242 = arith.constant 2 : i32
      %dma_wait3A_243 = arith.constant 0 : i32
      %dma_wait3A_244 = arith.constant 0 : i32
      %dma_wait3A_245 = tpu.memref_slice %arg9[%dma_wait3A_241, %dma_wait3A_243, %dma_wait3A_244] : memref<8x128x32xf32, #tpu.memory_space<vmem>> -> memref<1x128x32xf32, #tpu.memory_space<vmem>>
      %dma_wait3A_246 = tpu.memref_squeeze %dma_wait3A_245 : memref<1x128x32xf32, #tpu.memory_space<vmem>> -> memref<128x32xf32, #tpu.memory_space<vmem>>
      %dma_wait3A_247 = arith.constant 0 : i32
      %dma_wait3A_248 = tpu.memref_slice %arg7[%add3A_240, %dma_wait3A_247] : memref<80x128xi32, #tpu.memory_space<vmem>> -> memref<1x128xi32, #tpu.memory_space<vmem>>
      %dma_wait3A_249 = tpu.memref_squeeze %dma_wait3A_248 : memref<1x128xi32, #tpu.memory_space<vmem>> -> memref<128xi32, #tpu.memory_space<vmem>>
      %dma_wait3A_250 = arith.constant 0 : i32
      %dma_wait3A_251 = arith.constant 0 : i32
      %dma_wait3A_252 = tpu.memref_slice %arg2[%dma_wait3A_250, %dma_wait3A_251] : memref<10240x32xf32, #tpu.memory_space<hbm>> -> memref<10240x32xf32, #tpu.memory_space<hbm>>
      %dma_wait3A_253 = tpu.memref_slice %arg11[%dma_wait3A_242] : memref<8x!tpu.dma_semaphore, #tpu.memory_space<semaphore_mem>> -> memref<1x!tpu.dma_semaphore, #tpu.memory_space<semaphore_mem>>
      %dma_wait3A_254 = tpu.memref_squeeze %dma_wait3A_253 : memref<1x!tpu.dma_semaphore, #tpu.memory_space<semaphore_mem>> -> memref<!tpu.dma_semaphore, #tpu.memory_space<semaphore_mem>>
      tpu.wait_indirect_dma semaphore(%dma_wait3A_254 : memref<!tpu.dma_semaphore, #tpu.memory_space<semaphore_mem>>) src(%dma_wait3A_252 : memref<10240x32xf32, #tpu.memory_space<hbm>>) dst(%dma_wait3A_246 : memref<128x32xf32, #tpu.memory_space<vmem>>)
      %dma_start3A_255 = arith.constant 2 : i32
      %dma_start3A_256 = arith.constant 2 : i32
      %dma_start3A_257 = arith.constant 0 : i32
      %dma_start3A_258 = arith.constant 0 : i32
      %dma_start3A_259 = tpu.memref_slice %arg9[%dma_start3A_255, %dma_start3A_257, %dma_start3A_258] : memref<8x128x32xf32, #tpu.memory_space<vmem>> -> memref<1x128x32xf32, #tpu.memory_space<vmem>>
      %dma_start3A_260 = tpu.memref_squeeze %dma_start3A_259 : memref<1x128x32xf32, #tpu.memory_space<vmem>> -> memref<128x32xf32, #tpu.memory_space<vmem>>
      %dma_start3A_261 = arith.constant 0 : i32
      %dma_start3A_262 = tpu.memref_slice %arg8[%add3A_240, %dma_start3A_261] : memref<80x128xi32, #tpu.memory_space<vmem>> -> memref<1x128xi32, #tpu.memory_space<vmem>>
      %dma_start3A_263 = tpu.memref_squeeze %dma_start3A_262 : memref<1x128xi32, #tpu.memory_space<vmem>> -> memref<128xi32, #tpu.memory_space<vmem>>
      %dma_start3A_264 = arith.constant 0 : i32
      %dma_start3A_265 = arith.constant 0 : i32
      %dma_start3A_266 = tpu.memref_slice %arg10[%dma_start3A_264, %dma_start3A_265] : memref<10240x32xf32, #tpu.memory_space<vmem_shared>> -> memref<10240x32xf32, #tpu.memory_space<vmem_shared>>
      %dma_start3A_267 = tpu.memref_slice %arg12[%dma_start3A_256] : memref<8x!tpu.dma_semaphore, #tpu.memory_space<semaphore_mem>> -> memref<1x!tpu.dma_semaphore, #tpu.memory_space<semaphore_mem>>
      %dma_start3A_268 = tpu.memref_squeeze %dma_start3A_267 : memref<1x!tpu.dma_semaphore, #tpu.memory_space<semaphore_mem>> -> memref<!tpu.dma_semaphore, #tpu.memory_space<semaphore_mem>>
      tpu.enqueue_indirect_dma source(%dma_start3A_260 : memref<128x32xf32, #tpu.memory_space<vmem>>) target(%dma_start3A_266 : memref<10240x32xf32, #tpu.memory_space<vmem_shared>>) offsets(%dma_start3A_263 : memref<128xi32, #tpu.memory_space<vmem>>) semaphore(%dma_start3A_268 : memref<!tpu.dma_semaphore, #tpu.memory_space<semaphore_mem>>) {add = true}
      %gt3A_269 = arith.constant 0 : i32
      %gt3A_270 = arith.cmpi sgt, %scan3A_133, %gt3A_269 : i32
      %convert_element_type3A_271 = arith.extui %gt3A_270 : i1 to i32
      %cond3A_272 = arith.constant 0 : i32
      %cond3A_273 = arith.cmpi ne, %convert_element_type3A_271, %cond3A_272 : i32
      scf.if %cond3A_273 {
        %sub3A_553 = arith.constant 4 : i32
        %sub3A_554 = arith.subi %add3A_240, %sub3A_553 : i32
        %dma_wait3A_555 = arith.constant 6 : i32
        %dma_wait3A_556 = arith.constant 6 : i32
        %dma_wait3A_557 = arith.constant 0 : i32
        %dma_wait3A_558 = arith.constant 0 : i32
        %dma_wait3A_559 = tpu.memref_slice %arg9[%dma_wait3A_555, %dma_wait3A_557, %dma_wait3A_558] : memref<8x128x32xf32, #tpu.memory_space<vmem>> -> memref<1x128x32xf32, #tpu.memory_space<vmem>>
        %dma_wait3A_560 = tpu.memref_squeeze %dma_wait3A_559 : memref<1x128x32xf32, #tpu.memory_space<vmem>> -> memref<128x32xf32, #tpu.memory_space<vmem>>
        %dma_wait3A_561 = arith.constant 0 : i32
        %dma_wait3A_562 = tpu.memref_slice %arg8[%sub3A_554, %dma_wait3A_561] : memref<80x128xi32, #tpu.memory_space<vmem>> -> memref<1x128xi32, #tpu.memory_space<vmem>>
        %dma_wait3A_563 = tpu.memref_squeeze %dma_wait3A_562 : memref<1x128xi32, #tpu.memory_space<vmem>> -> memref<128xi32, #tpu.memory_space<vmem>>
        %dma_wait3A_564 = arith.constant 0 : i32
        %dma_wait3A_565 = arith.constant 0 : i32
        %dma_wait3A_566 = tpu.memref_slice %arg10[%dma_wait3A_564, %dma_wait3A_565] : memref<10240x32xf32, #tpu.memory_space<vmem_shared>> -> memref<10240x32xf32, #tpu.memory_space<vmem_shared>>
        %dma_wait3A_567 = tpu.memref_slice %arg12[%dma_wait3A_556] : memref<8x!tpu.dma_semaphore, #tpu.memory_space<semaphore_mem>> -> memref<1x!tpu.dma_semaphore, #tpu.memory_space<semaphore_mem>>
        %dma_wait3A_568 = tpu.memref_squeeze %dma_wait3A_567 : memref<1x!tpu.dma_semaphore, #tpu.memory_space<semaphore_mem>> -> memref<!tpu.dma_semaphore, #tpu.memory_space<semaphore_mem>>
        tpu.wait_indirect_dma semaphore(%dma_wait3A_568 : memref<!tpu.dma_semaphore, #tpu.memory_space<semaphore_mem>>) src(%dma_wait3A_560 : memref<128x32xf32, #tpu.memory_space<vmem>>) dst(%dma_wait3A_566 : memref<10240x32xf32, #tpu.memory_space<vmem_shared>>)
      } else {
      }
      %add3A_274 = arith.constant 4 : i32
      %add3A_275 = arith.addi %add3A_240, %add3A_274 : i32
      %dma_start3A_276 = arith.constant 6 : i32
      %dma_start3A_277 = arith.constant 6 : i32
      %dma_start3A_278 = arith.constant 0 : i32
      %dma_start3A_279 = arith.constant 0 : i32
      %dma_start3A_280 = tpu.memref_slice %arg9[%dma_start3A_276, %dma_start3A_278, %dma_start3A_279] : memref<8x128x32xf32, #tpu.memory_space<vmem>> -> memref<1x128x32xf32, #tpu.memory_space<vmem>>
      %dma_start3A_281 = tpu.memref_squeeze %dma_start3A_280 : memref<1x128x32xf32, #tpu.memory_space<vmem>> -> memref<128x32xf32, #tpu.memory_space<vmem>>
      %dma_start3A_282 = arith.constant 0 : i32
      %dma_start3A_283 = tpu.memref_slice %arg7[%add3A_275, %dma_start3A_282] : memref<80x128xi32, #tpu.memory_space<vmem>> -> memref<1x128xi32, #tpu.memory_space<vmem>>
      %dma_start3A_284 = tpu.memref_squeeze %dma_start3A_283 : memref<1x128xi32, #tpu.memory_space<vmem>> -> memref<128xi32, #tpu.memory_space<vmem>>
      %dma_start3A_285 = arith.constant 0 : i32
      %dma_start3A_286 = arith.constant 0 : i32
      %dma_start3A_287 = tpu.memref_slice %arg2[%dma_start3A_285, %dma_start3A_286] : memref<10240x32xf32, #tpu.memory_space<hbm>> -> memref<10240x32xf32, #tpu.memory_space<hbm>>
      %dma_start3A_288 = tpu.memref_slice %arg11[%dma_start3A_277] : memref<8x!tpu.dma_semaphore, #tpu.memory_space<semaphore_mem>> -> memref<1x!tpu.dma_semaphore, #tpu.memory_space<semaphore_mem>>
      %dma_start3A_289 = tpu.memref_squeeze %dma_start3A_288 : memref<1x!tpu.dma_semaphore, #tpu.memory_space<semaphore_mem>> -> memref<!tpu.dma_semaphore, #tpu.memory_space<semaphore_mem>>
      tpu.enqueue_indirect_dma source(%dma_start3A_287 : memref<10240x32xf32, #tpu.memory_space<hbm>>) target(%dma_start3A_281 : memref<128x32xf32, #tpu.memory_space<vmem>>) offsets(%dma_start3A_284 : memref<128xi32, #tpu.memory_space<vmem>>) semaphore(%dma_start3A_289 : memref<!tpu.dma_semaphore, #tpu.memory_space<semaphore_mem>>)
      %mul3A_290 = arith.constant 8 : i32
      %mul3A_291 = arith.muli %scan3A_133, %mul3A_290 : i32
      %add3A_292 = arith.constant 3 : i32
      %add3A_293 = arith.addi %mul3A_291, %add3A_292 : i32
      %dma_wait3A_294 = arith.constant 3 : i32
      %dma_wait3A_295 = arith.constant 3 : i32
      %dma_wait3A_296 = arith.constant 0 : i32
      %dma_wait3A_297 = arith.constant 0 : i32
      %dma_wait3A_298 = tpu.memref_slice %arg9[%dma_wait3A_294, %dma_wait3A_296, %dma_wait3A_297] : memref<8x128x32xf32, #tpu.memory_space<vmem>> -> memref<1x128x32xf32, #tpu.memory_space<vmem>>
      %dma_wait3A_299 = tpu.memref_squeeze %dma_wait3A_298 : memref<1x128x32xf32, #tpu.memory_space<vmem>> -> memref<128x32xf32, #tpu.memory_space<vmem>>
      %dma_wait3A_300 = arith.constant 0 : i32
      %dma_wait3A_301 = tpu.memref_slice %arg7[%add3A_293, %dma_wait3A_300] : memref<80x128xi32, #tpu.memory_space<vmem>> -> memref<1x128xi32, #tpu.memory_space<vmem>>
      %dma_wait3A_302 = tpu.memref_squeeze %dma_wait3A_301 : memref<1x128xi32, #tpu.memory_space<vmem>> -> memref<128xi32, #tpu.memory_space<vmem>>
      %dma_wait3A_303 = arith.constant 0 : i32
      %dma_wait3A_304 = arith.constant 0 : i32
      %dma_wait3A_305 = tpu.memref_slice %arg2[%dma_wait3A_303, %dma_wait3A_304] : memref<10240x32xf32, #tpu.memory_space<hbm>> -> memref<10240x32xf32, #tpu.memory_space<hbm>>
      %dma_wait3A_306 = tpu.memref_slice %arg11[%dma_wait3A_295] : memref<8x!tpu.dma_semaphore, #tpu.memory_space<semaphore_mem>> -> memref<1x!tpu.dma_semaphore, #tpu.memory_space<semaphore_mem>>
      %dma_wait3A_307 = tpu.memref_squeeze %dma_wait3A_306 : memref<1x!tpu.dma_semaphore, #tpu.memory_space<semaphore_mem>> -> memref<!tpu.dma_semaphore, #tpu.memory_space<semaphore_mem>>
      tpu.wait_indirect_dma semaphore(%dma_wait3A_307 : memref<!tpu.dma_semaphore, #tpu.memory_space<semaphore_mem>>) src(%dma_wait3A_305 : memref<10240x32xf32, #tpu.memory_space<hbm>>) dst(%dma_wait3A_299 : memref<128x32xf32, #tpu.memory_space<vmem>>)
      %dma_start3A_308 = arith.constant 3 : i32
      %dma_start3A_309 = arith.constant 3 : i32
      %dma_start3A_310 = arith.constant 0 : i32
      %dma_start3A_311 = arith.constant 0 : i32
      %dma_start3A_312 = tpu.memref_slice %arg9[%dma_start3A_308, %dma_start3A_310, %dma_start3A_311] : memref<8x128x32xf32, #tpu.memory_space<vmem>> -> memref<1x128x32xf32, #tpu.memory_space<vmem>>
      %dma_start3A_313 = tpu.memref_squeeze %dma_start3A_312 : memref<1x128x32xf32, #tpu.memory_space<vmem>> -> memref<128x32xf32, #tpu.memory_space<vmem>>
      %dma_start3A_314 = arith.constant 0 : i32
      %dma_start3A_315 = tpu.memref_slice %arg8[%add3A_293, %dma_start3A_314] : memref<80x128xi32, #tpu.memory_space<vmem>> -> memref<1x128xi32, #tpu.memory_space<vmem>>
      %dma_start3A_316 = tpu.memref_squeeze %dma_start3A_315 : memref<1x128xi32, #tpu.memory_space<vmem>> -> memref<128xi32, #tpu.memory_space<vmem>>
      %dma_start3A_317 = arith.constant 0 : i32
      %dma_start3A_318 = arith.constant 0 : i32
      %dma_start3A_319 = tpu.memref_slice %arg10[%dma_start3A_317, %dma_start3A_318] : memref<10240x32xf32, #tpu.memory_space<vmem_shared>> -> memref<10240x32xf32, #tpu.memory_space<vmem_shared>>
      %dma_start3A_320 = tpu.memref_slice %arg12[%dma_start3A_309] : memref<8x!tpu.dma_semaphore, #tpu.memory_space<semaphore_mem>> -> memref<1x!tpu.dma_semaphore, #tpu.memory_space<semaphore_mem>>
      %dma_start3A_321 = tpu.memref_squeeze %dma_start3A_320 : memref<1x!tpu.dma_semaphore, #tpu.memory_space<semaphore_mem>> -> memref<!tpu.dma_semaphore, #tpu.memory_space<semaphore_mem>>
      tpu.enqueue_indirect_dma source(%dma_start3A_313 : memref<128x32xf32, #tpu.memory_space<vmem>>) target(%dma_start3A_319 : memref<10240x32xf32, #tpu.memory_space<vmem_shared>>) offsets(%dma_start3A_316 : memref<128xi32, #tpu.memory_space<vmem>>) semaphore(%dma_start3A_321 : memref<!tpu.dma_semaphore, #tpu.memory_space<semaphore_mem>>) {add = true}
      %gt3A_322 = arith.constant 0 : i32
      %gt3A_323 = arith.cmpi sgt, %scan3A_133, %gt3A_322 : i32
      %convert_element_type3A_324 = arith.extui %gt3A_323 : i1 to i32
      %cond3A_325 = arith.constant 0 : i32
      %cond3A_326 = arith.cmpi ne, %convert_element_type3A_324, %cond3A_325 : i32
      scf.if %cond3A_326 {
        %sub3A_553 = arith.constant 4 : i32
        %sub3A_554 = arith.subi %add3A_293, %sub3A_553 : i32
        %dma_wait3A_555 = arith.constant 7 : i32
        %dma_wait3A_556 = arith.constant 7 : i32
        %dma_wait3A_557 = arith.constant 0 : i32
        %dma_wait3A_558 = arith.constant 0 : i32
        %dma_wait3A_559 = tpu.memref_slice %arg9[%dma_wait3A_555, %dma_wait3A_557, %dma_wait3A_558] : memref<8x128x32xf32, #tpu.memory_space<vmem>> -> memref<1x128x32xf32, #tpu.memory_space<vmem>>
        %dma_wait3A_560 = tpu.memref_squeeze %dma_wait3A_559 : memref<1x128x32xf32, #tpu.memory_space<vmem>> -> memref<128x32xf32, #tpu.memory_space<vmem>>
        %dma_wait3A_561 = arith.constant 0 : i32
        %dma_wait3A_562 = tpu.memref_slice %arg8[%sub3A_554, %dma_wait3A_561] : memref<80x128xi32, #tpu.memory_space<vmem>> -> memref<1x128xi32, #tpu.memory_space<vmem>>
        %dma_wait3A_563 = tpu.memref_squeeze %dma_wait3A_562 : memref<1x128xi32, #tpu.memory_space<vmem>> -> memref<128xi32, #tpu.memory_space<vmem>>
        %dma_wait3A_564 = arith.constant 0 : i32
        %dma_wait3A_565 = arith.constant 0 : i32
        %dma_wait3A_566 = tpu.memref_slice %arg10[%dma_wait3A_564, %dma_wait3A_565] : memref<10240x32xf32, #tpu.memory_space<vmem_shared>> -> memref<10240x32xf32, #tpu.memory_space<vmem_shared>>
        %dma_wait3A_567 = tpu.memref_slice %arg12[%dma_wait3A_556] : memref<8x!tpu.dma_semaphore, #tpu.memory_space<semaphore_mem>> -> memref<1x!tpu.dma_semaphore, #tpu.memory_space<semaphore_mem>>
        %dma_wait3A_568 = tpu.memref_squeeze %dma_wait3A_567 : memref<1x!tpu.dma_semaphore, #tpu.memory_space<semaphore_mem>> -> memref<!tpu.dma_semaphore, #tpu.memory_space<semaphore_mem>>
        tpu.wait_indirect_dma semaphore(%dma_wait3A_568 : memref<!tpu.dma_semaphore, #tpu.memory_space<semaphore_mem>>) src(%dma_wait3A_560 : memref<128x32xf32, #tpu.memory_space<vmem>>) dst(%dma_wait3A_566 : memref<10240x32xf32, #tpu.memory_space<vmem_shared>>)
      } else {
      }
      %add3A_327 = arith.constant 4 : i32
      %add3A_328 = arith.addi %add3A_293, %add3A_327 : i32
      %dma_start3A_329 = arith.constant 7 : i32
      %dma_start3A_330 = arith.constant 7 : i32
      %dma_start3A_331 = arith.constant 0 : i32
      %dma_start3A_332 = arith.constant 0 : i32
      %dma_start3A_333 = tpu.memref_slice %arg9[%dma_start3A_329, %dma_start3A_331, %dma_start3A_332] : memref<8x128x32xf32, #tpu.memory_space<vmem>> -> memref<1x128x32xf32, #tpu.memory_space<vmem>>
      %dma_start3A_334 = tpu.memref_squeeze %dma_start3A_333 : memref<1x128x32xf32, #tpu.memory_space<vmem>> -> memref<128x32xf32, #tpu.memory_space<vmem>>
      %dma_start3A_335 = arith.constant 0 : i32
      %dma_start3A_336 = tpu.memref_slice %arg7[%add3A_328, %dma_start3A_335] : memref<80x128xi32, #tpu.memory_space<vmem>> -> memref<1x128xi32, #tpu.memory_space<vmem>>
      %dma_start3A_337 = tpu.memref_squeeze %dma_start3A_336 : memref<1x128xi32, #tpu.memory_space<vmem>> -> memref<128xi32, #tpu.memory_space<vmem>>
      %dma_start3A_338 = arith.constant 0 : i32
      %dma_start3A_339 = arith.constant 0 : i32
      %dma_start3A_340 = tpu.memref_slice %arg2[%dma_start3A_338, %dma_start3A_339] : memref<10240x32xf32, #tpu.memory_space<hbm>> -> memref<10240x32xf32, #tpu.memory_space<hbm>>
      %dma_start3A_341 = tpu.memref_slice %arg11[%dma_start3A_330] : memref<8x!tpu.dma_semaphore, #tpu.memory_space<semaphore_mem>> -> memref<1x!tpu.dma_semaphore, #tpu.memory_space<semaphore_mem>>
      %dma_start3A_342 = tpu.memref_squeeze %dma_start3A_341 : memref<1x!tpu.dma_semaphore, #tpu.memory_space<semaphore_mem>> -> memref<!tpu.dma_semaphore, #tpu.memory_space<semaphore_mem>>
      tpu.enqueue_indirect_dma source(%dma_start3A_340 : memref<10240x32xf32, #tpu.memory_space<hbm>>) target(%dma_start3A_334 : memref<128x32xf32, #tpu.memory_space<vmem>>) offsets(%dma_start3A_337 : memref<128xi32, #tpu.memory_space<vmem>>) semaphore(%dma_start3A_342 : memref<!tpu.dma_semaphore, #tpu.memory_space<semaphore_mem>>)
      %mul3A_343 = arith.constant 8 : i32
      %mul3A_344 = arith.muli %scan3A_133, %mul3A_343 : i32
      %add3A_345 = arith.constant 4 : i32
      %add3A_346 = arith.addi %mul3A_344, %add3A_345 : i32
      %dma_wait3A_347 = arith.constant 4 : i32
      %dma_wait3A_348 = arith.constant 4 : i32
      %dma_wait3A_349 = arith.constant 0 : i32
      %dma_wait3A_350 = arith.constant 0 : i32
      %dma_wait3A_351 = tpu.memref_slice %arg9[%dma_wait3A_347, %dma_wait3A_349, %dma_wait3A_350] : memref<8x128x32xf32, #tpu.memory_space<vmem>> -> memref<1x128x32xf32, #tpu.memory_space<vmem>>
      %dma_wait3A_352 = tpu.memref_squeeze %dma_wait3A_351 : memref<1x128x32xf32, #tpu.memory_space<vmem>> -> memref<128x32xf32, #tpu.memory_space<vmem>>
      %dma_wait3A_353 = arith.constant 0 : i32
      %dma_wait3A_354 = tpu.memref_slice %arg7[%add3A_346, %dma_wait3A_353] : memref<80x128xi32, #tpu.memory_space<vmem>> -> memref<1x128xi32, #tpu.memory_space<vmem>>
      %dma_wait3A_355 = tpu.memref_squeeze %dma_wait3A_354 : memref<1x128xi32, #tpu.memory_space<vmem>> -> memref<128xi32, #tpu.memory_space<vmem>>
      %dma_wait3A_356 = arith.constant 0 : i32
      %dma_wait3A_357 = arith.constant 0 : i32
      %dma_wait3A_358 = tpu.memref_slice %arg2[%dma_wait3A_356, %dma_wait3A_357] : memref<10240x32xf32, #tpu.memory_space<hbm>> -> memref<10240x32xf32, #tpu.memory_space<hbm>>
      %dma_wait3A_359 = tpu.memref_slice %arg11[%dma_wait3A_348] : memref<8x!tpu.dma_semaphore, #tpu.memory_space<semaphore_mem>> -> memref<1x!tpu.dma_semaphore, #tpu.memory_space<semaphore_mem>>
      %dma_wait3A_360 = tpu.memref_squeeze %dma_wait3A_359 : memref<1x!tpu.dma_semaphore, #tpu.memory_space<semaphore_mem>> -> memref<!tpu.dma_semaphore, #tpu.memory_space<semaphore_mem>>
      tpu.wait_indirect_dma semaphore(%dma_wait3A_360 : memref<!tpu.dma_semaphore, #tpu.memory_space<semaphore_mem>>) src(%dma_wait3A_358 : memref<10240x32xf32, #tpu.memory_space<hbm>>) dst(%dma_wait3A_352 : memref<128x32xf32, #tpu.memory_space<vmem>>)
      %dma_start3A_361 = arith.constant 4 : i32
      %dma_start3A_362 = arith.constant 4 : i32
      %dma_start3A_363 = arith.constant 0 : i32
      %dma_start3A_364 = arith.constant 0 : i32
      %dma_start3A_365 = tpu.memref_slice %arg9[%dma_start3A_361, %dma_start3A_363, %dma_start3A_364] : memref<8x128x32xf32, #tpu.memory_space<vmem>> -> memref<1x128x32xf32, #tpu.memory_space<vmem>>
      %dma_start3A_366 = tpu.memref_squeeze %dma_start3A_365 : memref<1x128x32xf32, #tpu.memory_space<vmem>> -> memref<128x32xf32, #tpu.memory_space<vmem>>
      %dma_start3A_367 = arith.constant 0 : i32
      %dma_start3A_368 = tpu.memref_slice %arg8[%add3A_346, %dma_start3A_367] : memref<80x128xi32, #tpu.memory_space<vmem>> -> memref<1x128xi32, #tpu.memory_space<vmem>>
      %dma_start3A_369 = tpu.memref_squeeze %dma_start3A_368 : memref<1x128xi32, #tpu.memory_space<vmem>> -> memref<128xi32, #tpu.memory_space<vmem>>
      %dma_start3A_370 = arith.constant 0 : i32
      %dma_start3A_371 = arith.constant 0 : i32
      %dma_start3A_372 = tpu.memref_slice %arg10[%dma_start3A_370, %dma_start3A_371] : memref<10240x32xf32, #tpu.memory_space<vmem_shared>> -> memref<10240x32xf32, #tpu.memory_space<vmem_shared>>
      %dma_start3A_373 = tpu.memref_slice %arg12[%dma_start3A_362] : memref<8x!tpu.dma_semaphore, #tpu.memory_space<semaphore_mem>> -> memref<1x!tpu.dma_semaphore, #tpu.memory_space<semaphore_mem>>
      %dma_start3A_374 = tpu.memref_squeeze %dma_start3A_373 : memref<1x!tpu.dma_semaphore, #tpu.memory_space<semaphore_mem>> -> memref<!tpu.dma_semaphore, #tpu.memory_space<semaphore_mem>>
      tpu.enqueue_indirect_dma source(%dma_start3A_366 : memref<128x32xf32, #tpu.memory_space<vmem>>) target(%dma_start3A_372 : memref<10240x32xf32, #tpu.memory_space<vmem_shared>>) offsets(%dma_start3A_369 : memref<128xi32, #tpu.memory_space<vmem>>) semaphore(%dma_start3A_374 : memref<!tpu.dma_semaphore, #tpu.memory_space<semaphore_mem>>) {add = true}
      %sub3A = arith.constant 4 : i32
      %sub3A_375 = arith.subi %add3A_346, %sub3A : i32
      %dma_wait3A_376 = arith.constant 0 : i32
      %dma_wait3A_377 = arith.constant 0 : i32
      %dma_wait3A_378 = arith.constant 0 : i32
      %dma_wait3A_379 = arith.constant 0 : i32
      %dma_wait3A_380 = tpu.memref_slice %arg9[%dma_wait3A_376, %dma_wait3A_378, %dma_wait3A_379] : memref<8x128x32xf32, #tpu.memory_space<vmem>> -> memref<1x128x32xf32, #tpu.memory_space<vmem>>
      %dma_wait3A_381 = tpu.memref_squeeze %dma_wait3A_380 : memref<1x128x32xf32, #tpu.memory_space<vmem>> -> memref<128x32xf32, #tpu.memory_space<vmem>>
      %dma_wait3A_382 = arith.constant 0 : i32
      %dma_wait3A_383 = tpu.memref_slice %arg8[%sub3A_375, %dma_wait3A_382] : memref<80x128xi32, #tpu.memory_space<vmem>> -> memref<1x128xi32, #tpu.memory_space<vmem>>
      %dma_wait3A_384 = tpu.memref_squeeze %dma_wait3A_383 : memref<1x128xi32, #tpu.memory_space<vmem>> -> memref<128xi32, #tpu.memory_space<vmem>>
      %dma_wait3A_385 = arith.constant 0 : i32
      %dma_wait3A_386 = arith.constant 0 : i32
      %dma_wait3A_387 = tpu.memref_slice %arg10[%dma_wait3A_385, %dma_wait3A_386] : memref<10240x32xf32, #tpu.memory_space<vmem_shared>> -> memref<10240x32xf32, #tpu.memory_space<vmem_shared>>
      %dma_wait3A_388 = tpu.memref_slice %arg12[%dma_wait3A_377] : memref<8x!tpu.dma_semaphore, #tpu.memory_space<semaphore_mem>> -> memref<1x!tpu.dma_semaphore, #tpu.memory_space<semaphore_mem>>
      %dma_wait3A_389 = tpu.memref_squeeze %dma_wait3A_388 : memref<1x!tpu.dma_semaphore, #tpu.memory_space<semaphore_mem>> -> memref<!tpu.dma_semaphore, #tpu.memory_space<semaphore_mem>>
      tpu.wait_indirect_dma semaphore(%dma_wait3A_389 : memref<!tpu.dma_semaphore, #tpu.memory_space<semaphore_mem>>) src(%dma_wait3A_381 : memref<128x32xf32, #tpu.memory_space<vmem>>) dst(%dma_wait3A_387 : memref<10240x32xf32, #tpu.memory_space<vmem_shared>>)
      %lt3A = arith.constant 9 : i32
      %lt3A_390 = arith.cmpi slt, %scan3A_133, %lt3A : i32
      %convert_element_type3A_391 = arith.extui %lt3A_390 : i1 to i32
      %cond3A_392 = arith.constant 0 : i32
      %cond3A_393 = arith.cmpi ne, %convert_element_type3A_391, %cond3A_392 : i32
      scf.if %cond3A_393 {
        %add3A_553 = arith.constant 4 : i32
        %add3A_554 = arith.addi %add3A_346, %add3A_553 : i32
        %dma_start3A_555 = arith.constant 0 : i32
        %dma_start3A_556 = arith.constant 0 : i32
        %dma_start3A_557 = arith.constant 0 : i32
        %dma_start3A_558 = arith.constant 0 : i32
        %dma_start3A_559 = tpu.memref_slice %arg9[%dma_start3A_555, %dma_start3A_557, %dma_start3A_558] : memref<8x128x32xf32, #tpu.memory_space<vmem>> -> memref<1x128x32xf32, #tpu.memory_space<vmem>>
        %dma_start3A_560 = tpu.memref_squeeze %dma_start3A_559 : memref<1x128x32xf32, #tpu.memory_space<vmem>> -> memref<128x32xf32, #tpu.memory_space<vmem>>
        %dma_start3A_561 = arith.constant 0 : i32
        %dma_start3A_562 = tpu.memref_slice %arg7[%add3A_554, %dma_start3A_561] : memref<80x128xi32, #tpu.memory_space<vmem>> -> memref<1x128xi32, #tpu.memory_space<vmem>>
        %dma_start3A_563 = tpu.memref_squeeze %dma_start3A_562 : memref<1x128xi32, #tpu.memory_space<vmem>> -> memref<128xi32, #tpu.memory_space<vmem>>
        %dma_start3A_564 = arith.constant 0 : i32
        %dma_start3A_565 = arith.constant 0 : i32
        %dma_start3A_566 = tpu.memref_slice %arg2[%dma_start3A_564, %dma_start3A_565] : memref<10240x32xf32, #tpu.memory_space<hbm>> -> memref<10240x32xf32, #tpu.memory_space<hbm>>
        %dma_start3A_567 = tpu.memref_slice %arg11[%dma_start3A_556] : memref<8x!tpu.dma_semaphore, #tpu.memory_space<semaphore_mem>> -> memref<1x!tpu.dma_semaphore, #tpu.memory_space<semaphore_mem>>
        %dma_start3A_568 = tpu.memref_squeeze %dma_start3A_567 : memref<1x!tpu.dma_semaphore, #tpu.memory_space<semaphore_mem>> -> memref<!tpu.dma_semaphore, #tpu.memory_space<semaphore_mem>>
        tpu.enqueue_indirect_dma source(%dma_start3A_566 : memref<10240x32xf32, #tpu.memory_space<hbm>>) target(%dma_start3A_560 : memref<128x32xf32, #tpu.memory_space<vmem>>) offsets(%dma_start3A_563 : memref<128xi32, #tpu.memory_space<vmem>>) semaphore(%dma_start3A_568 : memref<!tpu.dma_semaphore, #tpu.memory_space<semaphore_mem>>)
      } else {
      }
      %mul3A_394 = arith.constant 8 : i32
      %mul3A_395 = arith.muli %scan3A_133, %mul3A_394 : i32
      %add3A_396 = arith.constant 5 : i32
      %add3A_397 = arith.addi %mul3A_395, %add3A_396 : i32
      %dma_wait3A_398 = arith.constant 5 : i32
      %dma_wait3A_399 = arith.constant 5 : i32
      %dma_wait3A_400 = arith.constant 0 : i32
      %dma_wait3A_401 = arith.constant 0 : i32
      %dma_wait3A_402 = tpu.memref_slice %arg9[%dma_wait3A_398, %dma_wait3A_400, %dma_wait3A_401] : memref<8x128x32xf32, #tpu.memory_space<vmem>> -> memref<1x128x32xf32, #tpu.memory_space<vmem>>
      %dma_wait3A_403 = tpu.memref_squeeze %dma_wait3A_402 : memref<1x128x32xf32, #tpu.memory_space<vmem>> -> memref<128x32xf32, #tpu.memory_space<vmem>>
      %dma_wait3A_404 = arith.constant 0 : i32
      %dma_wait3A_405 = tpu.memref_slice %arg7[%add3A_397, %dma_wait3A_404] : memref<80x128xi32, #tpu.memory_space<vmem>> -> memref<1x128xi32, #tpu.memory_space<vmem>>
      %dma_wait3A_406 = tpu.memref_squeeze %dma_wait3A_405 : memref<1x128xi32, #tpu.memory_space<vmem>> -> memref<128xi32, #tpu.memory_space<vmem>>
      %dma_wait3A_407 = arith.constant 0 : i32
      %dma_wait3A_408 = arith.constant 0 : i32
      %dma_wait3A_409 = tpu.memref_slice %arg2[%dma_wait3A_407, %dma_wait3A_408] : memref<10240x32xf32, #tpu.memory_space<hbm>> -> memref<10240x32xf32, #tpu.memory_space<hbm>>
      %dma_wait3A_410 = tpu.memref_slice %arg11[%dma_wait3A_399] : memref<8x!tpu.dma_semaphore, #tpu.memory_space<semaphore_mem>> -> memref<1x!tpu.dma_semaphore, #tpu.memory_space<semaphore_mem>>
      %dma_wait3A_411 = tpu.memref_squeeze %dma_wait3A_410 : memref<1x!tpu.dma_semaphore, #tpu.memory_space<semaphore_mem>> -> memref<!tpu.dma_semaphore, #tpu.memory_space<semaphore_mem>>
      tpu.wait_indirect_dma semaphore(%dma_wait3A_411 : memref<!tpu.dma_semaphore, #tpu.memory_space<semaphore_mem>>) src(%dma_wait3A_409 : memref<10240x32xf32, #tpu.memory_space<hbm>>) dst(%dma_wait3A_403 : memref<128x32xf32, #tpu.memory_space<vmem>>)
      %dma_start3A_412 = arith.constant 5 : i32
      %dma_start3A_413 = arith.constant 5 : i32
      %dma_start3A_414 = arith.constant 0 : i32
      %dma_start3A_415 = arith.constant 0 : i32
      %dma_start3A_416 = tpu.memref_slice %arg9[%dma_start3A_412, %dma_start3A_414, %dma_start3A_415] : memref<8x128x32xf32, #tpu.memory_space<vmem>> -> memref<1x128x32xf32, #tpu.memory_space<vmem>>
      %dma_start3A_417 = tpu.memref_squeeze %dma_start3A_416 : memref<1x128x32xf32, #tpu.memory_space<vmem>> -> memref<128x32xf32, #tpu.memory_space<vmem>>
      %dma_start3A_418 = arith.constant 0 : i32
      %dma_start3A_419 = tpu.memref_slice %arg8[%add3A_397, %dma_start3A_418] : memref<80x128xi32, #tpu.memory_space<vmem>> -> memref<1x128xi32, #tpu.memory_space<vmem>>
      %dma_start3A_420 = tpu.memref_squeeze %dma_start3A_419 : memref<1x128xi32, #tpu.memory_space<vmem>> -> memref<128xi32, #tpu.memory_space<vmem>>
      %dma_start3A_421 = arith.constant 0 : i32
      %dma_start3A_422 = arith.constant 0 : i32
      %dma_start3A_423 = tpu.memref_slice %arg10[%dma_start3A_421, %dma_start3A_422] : memref<10240x32xf32, #tpu.memory_space<vmem_shared>> -> memref<10240x32xf32, #tpu.memory_space<vmem_shared>>
      %dma_start3A_424 = tpu.memref_slice %arg12[%dma_start3A_413] : memref<8x!tpu.dma_semaphore, #tpu.memory_space<semaphore_mem>> -> memref<1x!tpu.dma_semaphore, #tpu.memory_space<semaphore_mem>>
      %dma_start3A_425 = tpu.memref_squeeze %dma_start3A_424 : memref<1x!tpu.dma_semaphore, #tpu.memory_space<semaphore_mem>> -> memref<!tpu.dma_semaphore, #tpu.memory_space<semaphore_mem>>
      tpu.enqueue_indirect_dma source(%dma_start3A_417 : memref<128x32xf32, #tpu.memory_space<vmem>>) target(%dma_start3A_423 : memref<10240x32xf32, #tpu.memory_space<vmem_shared>>) offsets(%dma_start3A_420 : memref<128xi32, #tpu.memory_space<vmem>>) semaphore(%dma_start3A_425 : memref<!tpu.dma_semaphore, #tpu.memory_space<semaphore_mem>>) {add = true}
      %sub3A_426 = arith.constant 4 : i32
      %sub3A_427 = arith.subi %add3A_397, %sub3A_426 : i32
      %dma_wait3A_428 = arith.constant 1 : i32
      %dma_wait3A_429 = arith.constant 1 : i32
      %dma_wait3A_430 = arith.constant 0 : i32
      %dma_wait3A_431 = arith.constant 0 : i32
      %dma_wait3A_432 = tpu.memref_slice %arg9[%dma_wait3A_428, %dma_wait3A_430, %dma_wait3A_431] : memref<8x128x32xf32, #tpu.memory_space<vmem>> -> memref<1x128x32xf32, #tpu.memory_space<vmem>>
      %dma_wait3A_433 = tpu.memref_squeeze %dma_wait3A_432 : memref<1x128x32xf32, #tpu.memory_space<vmem>> -> memref<128x32xf32, #tpu.memory_space<vmem>>
      %dma_wait3A_434 = arith.constant 0 : i32
      %dma_wait3A_435 = tpu.memref_slice %arg8[%sub3A_427, %dma_wait3A_434] : memref<80x128xi32, #tpu.memory_space<vmem>> -> memref<1x128xi32, #tpu.memory_space<vmem>>
      %dma_wait3A_436 = tpu.memref_squeeze %dma_wait3A_435 : memref<1x128xi32, #tpu.memory_space<vmem>> -> memref<128xi32, #tpu.memory_space<vmem>>
      %dma_wait3A_437 = arith.constant 0 : i32
      %dma_wait3A_438 = arith.constant 0 : i32
      %dma_wait3A_439 = tpu.memref_slice %arg10[%dma_wait3A_437, %dma_wait3A_438] : memref<10240x32xf32, #tpu.memory_space<vmem_shared>> -> memref<10240x32xf32, #tpu.memory_space<vmem_shared>>
      %dma_wait3A_440 = tpu.memref_slice %arg12[%dma_wait3A_429] : memref<8x!tpu.dma_semaphore, #tpu.memory_space<semaphore_mem>> -> memref<1x!tpu.dma_semaphore, #tpu.memory_space<semaphore_mem>>
      %dma_wait3A_441 = tpu.memref_squeeze %dma_wait3A_440 : memref<1x!tpu.dma_semaphore, #tpu.memory_space<semaphore_mem>> -> memref<!tpu.dma_semaphore, #tpu.memory_space<semaphore_mem>>
      tpu.wait_indirect_dma semaphore(%dma_wait3A_441 : memref<!tpu.dma_semaphore, #tpu.memory_space<semaphore_mem>>) src(%dma_wait3A_433 : memref<128x32xf32, #tpu.memory_space<vmem>>) dst(%dma_wait3A_439 : memref<10240x32xf32, #tpu.memory_space<vmem_shared>>)
      %lt3A_442 = arith.constant 9 : i32
      %lt3A_443 = arith.cmpi slt, %scan3A_133, %lt3A_442 : i32
      %convert_element_type3A_444 = arith.extui %lt3A_443 : i1 to i32
      %cond3A_445 = arith.constant 0 : i32
      %cond3A_446 = arith.cmpi ne, %convert_element_type3A_444, %cond3A_445 : i32
      scf.if %cond3A_446 {
        %add3A_553 = arith.constant 4 : i32
        %add3A_554 = arith.addi %add3A_397, %add3A_553 : i32
        %dma_start3A_555 = arith.constant 1 : i32
        %dma_start3A_556 = arith.constant 1 : i32
        %dma_start3A_557 = arith.constant 0 : i32
        %dma_start3A_558 = arith.constant 0 : i32
        %dma_start3A_559 = tpu.memref_slice %arg9[%dma_start3A_555, %dma_start3A_557, %dma_start3A_558] : memref<8x128x32xf32, #tpu.memory_space<vmem>> -> memref<1x128x32xf32, #tpu.memory_space<vmem>>
        %dma_start3A_560 = tpu.memref_squeeze %dma_start3A_559 : memref<1x128x32xf32, #tpu.memory_space<vmem>> -> memref<128x32xf32, #tpu.memory_space<vmem>>
        %dma_start3A_561 = arith.constant 0 : i32
        %dma_start3A_562 = tpu.memref_slice %arg7[%add3A_554, %dma_start3A_561] : memref<80x128xi32, #tpu.memory_space<vmem>> -> memref<1x128xi32, #tpu.memory_space<vmem>>
        %dma_start3A_563 = tpu.memref_squeeze %dma_start3A_562 : memref<1x128xi32, #tpu.memory_space<vmem>> -> memref<128xi32, #tpu.memory_space<vmem>>
        %dma_start3A_564 = arith.constant 0 : i32
        %dma_start3A_565 = arith.constant 0 : i32
        %dma_start3A_566 = tpu.memref_slice %arg2[%dma_start3A_564, %dma_start3A_565] : memref<10240x32xf32, #tpu.memory_space<hbm>> -> memref<10240x32xf32, #tpu.memory_space<hbm>>
        %dma_start3A_567 = tpu.memref_slice %arg11[%dma_start3A_556] : memref<8x!tpu.dma_semaphore, #tpu.memory_space<semaphore_mem>> -> memref<1x!tpu.dma_semaphore, #tpu.memory_space<semaphore_mem>>
        %dma_start3A_568 = tpu.memref_squeeze %dma_start3A_567 : memref<1x!tpu.dma_semaphore, #tpu.memory_space<semaphore_mem>> -> memref<!tpu.dma_semaphore, #tpu.memory_space<semaphore_mem>>
        tpu.enqueue_indirect_dma source(%dma_start3A_566 : memref<10240x32xf32, #tpu.memory_space<hbm>>) target(%dma_start3A_560 : memref<128x32xf32, #tpu.memory_space<vmem>>) offsets(%dma_start3A_563 : memref<128xi32, #tpu.memory_space<vmem>>) semaphore(%dma_start3A_568 : memref<!tpu.dma_semaphore, #tpu.memory_space<semaphore_mem>>)
      } else {
      }
      %mul3A_447 = arith.constant 8 : i32
      %mul3A_448 = arith.muli %scan3A_133, %mul3A_447 : i32
      %add3A_449 = arith.constant 6 : i32
      %add3A_450 = arith.addi %mul3A_448, %add3A_449 : i32
      %dma_wait3A_451 = arith.constant 6 : i32
      %dma_wait3A_452 = arith.constant 6 : i32
      %dma_wait3A_453 = arith.constant 0 : i32
      %dma_wait3A_454 = arith.constant 0 : i32
      %dma_wait3A_455 = tpu.memref_slice %arg9[%dma_wait3A_451, %dma_wait3A_453, %dma_wait3A_454] : memref<8x128x32xf32, #tpu.memory_space<vmem>> -> memref<1x128x32xf32, #tpu.memory_space<vmem>>
      %dma_wait3A_456 = tpu.memref_squeeze %dma_wait3A_455 : memref<1x128x32xf32, #tpu.memory_space<vmem>> -> memref<128x32xf32, #tpu.memory_space<vmem>>
      %dma_wait3A_457 = arith.constant 0 : i32
      %dma_wait3A_458 = tpu.memref_slice %arg7[%add3A_450, %dma_wait3A_457] : memref<80x128xi32, #tpu.memory_space<vmem>> -> memref<1x128xi32, #tpu.memory_space<vmem>>
      %dma_wait3A_459 = tpu.memref_squeeze %dma_wait3A_458 : memref<1x128xi32, #tpu.memory_space<vmem>> -> memref<128xi32, #tpu.memory_space<vmem>>
      %dma_wait3A_460 = arith.constant 0 : i32
      %dma_wait3A_461 = arith.constant 0 : i32
      %dma_wait3A_462 = tpu.memref_slice %arg2[%dma_wait3A_460, %dma_wait3A_461] : memref<10240x32xf32, #tpu.memory_space<hbm>> -> memref<10240x32xf32, #tpu.memory_space<hbm>>
      %dma_wait3A_463 = tpu.memref_slice %arg11[%dma_wait3A_452] : memref<8x!tpu.dma_semaphore, #tpu.memory_space<semaphore_mem>> -> memref<1x!tpu.dma_semaphore, #tpu.memory_space<semaphore_mem>>
      %dma_wait3A_464 = tpu.memref_squeeze %dma_wait3A_463 : memref<1x!tpu.dma_semaphore, #tpu.memory_space<semaphore_mem>> -> memref<!tpu.dma_semaphore, #tpu.memory_space<semaphore_mem>>
      tpu.wait_indirect_dma semaphore(%dma_wait3A_464 : memref<!tpu.dma_semaphore, #tpu.memory_space<semaphore_mem>>) src(%dma_wait3A_462 : memref<10240x32xf32, #tpu.memory_space<hbm>>) dst(%dma_wait3A_456 : memref<128x32xf32, #tpu.memory_space<vmem>>)
      %dma_start3A_465 = arith.constant 6 : i32
      %dma_start3A_466 = arith.constant 6 : i32
      %dma_start3A_467 = arith.constant 0 : i32
      %dma_start3A_468 = arith.constant 0 : i32
      %dma_start3A_469 = tpu.memref_slice %arg9[%dma_start3A_465, %dma_start3A_467, %dma_start3A_468] : memref<8x128x32xf32, #tpu.memory_space<vmem>> -> memref<1x128x32xf32, #tpu.memory_space<vmem>>
      %dma_start3A_470 = tpu.memref_squeeze %dma_start3A_469 : memref<1x128x32xf32, #tpu.memory_space<vmem>> -> memref<128x32xf32, #tpu.memory_space<vmem>>
      %dma_start3A_471 = arith.constant 0 : i32
      %dma_start3A_472 = tpu.memref_slice %arg8[%add3A_450, %dma_start3A_471] : memref<80x128xi32, #tpu.memory_space<vmem>> -> memref<1x128xi32, #tpu.memory_space<vmem>>
      %dma_start3A_473 = tpu.memref_squeeze %dma_start3A_472 : memref<1x128xi32, #tpu.memory_space<vmem>> -> memref<128xi32, #tpu.memory_space<vmem>>
      %dma_start3A_474 = arith.constant 0 : i32
      %dma_start3A_475 = arith.constant 0 : i32
      %dma_start3A_476 = tpu.memref_slice %arg10[%dma_start3A_474, %dma_start3A_475] : memref<10240x32xf32, #tpu.memory_space<vmem_shared>> -> memref<10240x32xf32, #tpu.memory_space<vmem_shared>>
      %dma_start3A_477 = tpu.memref_slice %arg12[%dma_start3A_466] : memref<8x!tpu.dma_semaphore, #tpu.memory_space<semaphore_mem>> -> memref<1x!tpu.dma_semaphore, #tpu.memory_space<semaphore_mem>>
      %dma_start3A_478 = tpu.memref_squeeze %dma_start3A_477 : memref<1x!tpu.dma_semaphore, #tpu.memory_space<semaphore_mem>> -> memref<!tpu.dma_semaphore, #tpu.memory_space<semaphore_mem>>
      tpu.enqueue_indirect_dma source(%dma_start3A_470 : memref<128x32xf32, #tpu.memory_space<vmem>>) target(%dma_start3A_476 : memref<10240x32xf32, #tpu.memory_space<vmem_shared>>) offsets(%dma_start3A_473 : memref<128xi32, #tpu.memory_space<vmem>>) semaphore(%dma_start3A_478 : memref<!tpu.dma_semaphore, #tpu.memory_space<semaphore_mem>>) {add = true}
      %sub3A_479 = arith.constant 4 : i32
      %sub3A_480 = arith.subi %add3A_450, %sub3A_479 : i32
      %dma_wait3A_481 = arith.constant 2 : i32
      %dma_wait3A_482 = arith.constant 2 : i32
      %dma_wait3A_483 = arith.constant 0 : i32
      %dma_wait3A_484 = arith.constant 0 : i32
      %dma_wait3A_485 = tpu.memref_slice %arg9[%dma_wait3A_481, %dma_wait3A_483, %dma_wait3A_484] : memref<8x128x32xf32, #tpu.memory_space<vmem>> -> memref<1x128x32xf32, #tpu.memory_space<vmem>>
      %dma_wait3A_486 = tpu.memref_squeeze %dma_wait3A_485 : memref<1x128x32xf32, #tpu.memory_space<vmem>> -> memref<128x32xf32, #tpu.memory_space<vmem>>
      %dma_wait3A_487 = arith.constant 0 : i32
      %dma_wait3A_488 = tpu.memref_slice %arg8[%sub3A_480, %dma_wait3A_487] : memref<80x128xi32, #tpu.memory_space<vmem>> -> memref<1x128xi32, #tpu.memory_space<vmem>>
      %dma_wait3A_489 = tpu.memref_squeeze %dma_wait3A_488 : memref<1x128xi32, #tpu.memory_space<vmem>> -> memref<128xi32, #tpu.memory_space<vmem>>
      %dma_wait3A_490 = arith.constant 0 : i32
      %dma_wait3A_491 = arith.constant 0 : i32
      %dma_wait3A_492 = tpu.memref_slice %arg10[%dma_wait3A_490, %dma_wait3A_491] : memref<10240x32xf32, #tpu.memory_space<vmem_shared>> -> memref<10240x32xf32, #tpu.memory_space<vmem_shared>>
      %dma_wait3A_493 = tpu.memref_slice %arg12[%dma_wait3A_482] : memref<8x!tpu.dma_semaphore, #tpu.memory_space<semaphore_mem>> -> memref<1x!tpu.dma_semaphore, #tpu.memory_space<semaphore_mem>>
      %dma_wait3A_494 = tpu.memref_squeeze %dma_wait3A_493 : memref<1x!tpu.dma_semaphore, #tpu.memory_space<semaphore_mem>> -> memref<!tpu.dma_semaphore, #tpu.memory_space<semaphore_mem>>
      tpu.wait_indirect_dma semaphore(%dma_wait3A_494 : memref<!tpu.dma_semaphore, #tpu.memory_space<semaphore_mem>>) src(%dma_wait3A_486 : memref<128x32xf32, #tpu.memory_space<vmem>>) dst(%dma_wait3A_492 : memref<10240x32xf32, #tpu.memory_space<vmem_shared>>)
      %lt3A_495 = arith.constant 9 : i32
      %lt3A_496 = arith.cmpi slt, %scan3A_133, %lt3A_495 : i32
      %convert_element_type3A_497 = arith.extui %lt3A_496 : i1 to i32
      %cond3A_498 = arith.constant 0 : i32
      %cond3A_499 = arith.cmpi ne, %convert_element_type3A_497, %cond3A_498 : i32
      scf.if %cond3A_499 {
        %add3A_553 = arith.constant 4 : i32
        %add3A_554 = arith.addi %add3A_450, %add3A_553 : i32
        %dma_start3A_555 = arith.constant 2 : i32
        %dma_start3A_556 = arith.constant 2 : i32
        %dma_start3A_557 = arith.constant 0 : i32
        %dma_start3A_558 = arith.constant 0 : i32
        %dma_start3A_559 = tpu.memref_slice %arg9[%dma_start3A_555, %dma_start3A_557, %dma_start3A_558] : memref<8x128x32xf32, #tpu.memory_space<vmem>> -> memref<1x128x32xf32, #tpu.memory_space<vmem>>
        %dma_start3A_560 = tpu.memref_squeeze %dma_start3A_559 : memref<1x128x32xf32, #tpu.memory_space<vmem>> -> memref<128x32xf32, #tpu.memory_space<vmem>>
        %dma_start3A_561 = arith.constant 0 : i32
        %dma_start3A_562 = tpu.memref_slice %arg7[%add3A_554, %dma_start3A_561] : memref<80x128xi32, #tpu.memory_space<vmem>> -> memref<1x128xi32, #tpu.memory_space<vmem>>
        %dma_start3A_563 = tpu.memref_squeeze %dma_start3A_562 : memref<1x128xi32, #tpu.memory_space<vmem>> -> memref<128xi32, #tpu.memory_space<vmem>>
        %dma_start3A_564 = arith.constant 0 : i32
        %dma_start3A_565 = arith.constant 0 : i32
        %dma_start3A_566 = tpu.memref_slice %arg2[%dma_start3A_564, %dma_start3A_565] : memref<10240x32xf32, #tpu.memory_space<hbm>> -> memref<10240x32xf32, #tpu.memory_space<hbm>>
        %dma_start3A_567 = tpu.memref_slice %arg11[%dma_start3A_556] : memref<8x!tpu.dma_semaphore, #tpu.memory_space<semaphore_mem>> -> memref<1x!tpu.dma_semaphore, #tpu.memory_space<semaphore_mem>>
        %dma_start3A_568 = tpu.memref_squeeze %dma_start3A_567 : memref<1x!tpu.dma_semaphore, #tpu.memory_space<semaphore_mem>> -> memref<!tpu.dma_semaphore, #tpu.memory_space<semaphore_mem>>
        tpu.enqueue_indirect_dma source(%dma_start3A_566 : memref<10240x32xf32, #tpu.memory_space<hbm>>) target(%dma_start3A_560 : memref<128x32xf32, #tpu.memory_space<vmem>>) offsets(%dma_start3A_563 : memref<128xi32, #tpu.memory_space<vmem>>) semaphore(%dma_start3A_568 : memref<!tpu.dma_semaphore, #tpu.memory_space<semaphore_mem>>)
      } else {
      }
      %mul3A_500 = arith.constant 8 : i32
      %mul3A_501 = arith.muli %scan3A_133, %mul3A_500 : i32
      %add3A_502 = arith.constant 7 : i32
      %add3A_503 = arith.addi %mul3A_501, %add3A_502 : i32
      %dma_wait3A_504 = arith.constant 7 : i32
      %dma_wait3A_505 = arith.constant 7 : i32
      %dma_wait3A_506 = arith.constant 0 : i32
      %dma_wait3A_507 = arith.constant 0 : i32
      %dma_wait3A_508 = tpu.memref_slice %arg9[%dma_wait3A_504, %dma_wait3A_506, %dma_wait3A_507] : memref<8x128x32xf32, #tpu.memory_space<vmem>> -> memref<1x128x32xf32, #tpu.memory_space<vmem>>
      %dma_wait3A_509 = tpu.memref_squeeze %dma_wait3A_508 : memref<1x128x32xf32, #tpu.memory_space<vmem>> -> memref<128x32xf32, #tpu.memory_space<vmem>>
      %dma_wait3A_510 = arith.constant 0 : i32
      %dma_wait3A_511 = tpu.memref_slice %arg7[%add3A_503, %dma_wait3A_510] : memref<80x128xi32, #tpu.memory_space<vmem>> -> memref<1x128xi32, #tpu.memory_space<vmem>>
      %dma_wait3A_512 = tpu.memref_squeeze %dma_wait3A_511 : memref<1x128xi32, #tpu.memory_space<vmem>> -> memref<128xi32, #tpu.memory_space<vmem>>
      %dma_wait3A_513 = arith.constant 0 : i32
      %dma_wait3A_514 = arith.constant 0 : i32
      %dma_wait3A_515 = tpu.memref_slice %arg2[%dma_wait3A_513, %dma_wait3A_514] : memref<10240x32xf32, #tpu.memory_space<hbm>> -> memref<10240x32xf32, #tpu.memory_space<hbm>>
      %dma_wait3A_516 = tpu.memref_slice %arg11[%dma_wait3A_505] : memref<8x!tpu.dma_semaphore, #tpu.memory_space<semaphore_mem>> -> memref<1x!tpu.dma_semaphore, #tpu.memory_space<semaphore_mem>>
      %dma_wait3A_517 = tpu.memref_squeeze %dma_wait3A_516 : memref<1x!tpu.dma_semaphore, #tpu.memory_space<semaphore_mem>> -> memref<!tpu.dma_semaphore, #tpu.memory_space<semaphore_mem>>
      tpu.wait_indirect_dma semaphore(%dma_wait3A_517 : memref<!tpu.dma_semaphore, #tpu.memory_space<semaphore_mem>>) src(%dma_wait3A_515 : memref<10240x32xf32, #tpu.memory_space<hbm>>) dst(%dma_wait3A_509 : memref<128x32xf32, #tpu.memory_space<vmem>>)
      %dma_start3A_518 = arith.constant 7 : i32
      %dma_start3A_519 = arith.constant 7 : i32
      %dma_start3A_520 = arith.constant 0 : i32
      %dma_start3A_521 = arith.constant 0 : i32
      %dma_start3A_522 = tpu.memref_slice %arg9[%dma_start3A_518, %dma_start3A_520, %dma_start3A_521] : memref<8x128x32xf32, #tpu.memory_space<vmem>> -> memref<1x128x32xf32, #tpu.memory_space<vmem>>
      %dma_start3A_523 = tpu.memref_squeeze %dma_start3A_522 : memref<1x128x32xf32, #tpu.memory_space<vmem>> -> memref<128x32xf32, #tpu.memory_space<vmem>>
      %dma_start3A_524 = arith.constant 0 : i32
      %dma_start3A_525 = tpu.memref_slice %arg8[%add3A_503, %dma_start3A_524] : memref<80x128xi32, #tpu.memory_space<vmem>> -> memref<1x128xi32, #tpu.memory_space<vmem>>
      %dma_start3A_526 = tpu.memref_squeeze %dma_start3A_525 : memref<1x128xi32, #tpu.memory_space<vmem>> -> memref<128xi32, #tpu.memory_space<vmem>>
      %dma_start3A_527 = arith.constant 0 : i32
      %dma_start3A_528 = arith.constant 0 : i32
      %dma_start3A_529 = tpu.memref_slice %arg10[%dma_start3A_527, %dma_start3A_528] : memref<10240x32xf32, #tpu.memory_space<vmem_shared>> -> memref<10240x32xf32, #tpu.memory_space<vmem_shared>>
      %dma_start3A_530 = tpu.memref_slice %arg12[%dma_start3A_519] : memref<8x!tpu.dma_semaphore, #tpu.memory_space<semaphore_mem>> -> memref<1x!tpu.dma_semaphore, #tpu.memory_space<semaphore_mem>>
      %dma_start3A_531 = tpu.memref_squeeze %dma_start3A_530 : memref<1x!tpu.dma_semaphore, #tpu.memory_space<semaphore_mem>> -> memref<!tpu.dma_semaphore, #tpu.memory_space<semaphore_mem>>
      tpu.enqueue_indirect_dma source(%dma_start3A_523 : memref<128x32xf32, #tpu.memory_space<vmem>>) target(%dma_start3A_529 : memref<10240x32xf32, #tpu.memory_space<vmem_shared>>) offsets(%dma_start3A_526 : memref<128xi32, #tpu.memory_space<vmem>>) semaphore(%dma_start3A_531 : memref<!tpu.dma_semaphore, #tpu.memory_space<semaphore_mem>>) {add = true}
      %sub3A_532 = arith.constant 4 : i32
      %sub3A_533 = arith.subi %add3A_503, %sub3A_532 : i32
      %dma_wait3A_534 = arith.constant 3 : i32
      %dma_wait3A_535 = arith.constant 3 : i32
      %dma_wait3A_536 = arith.constant 0 : i32
      %dma_wait3A_537 = arith.constant 0 : i32
      %dma_wait3A_538 = tpu.memref_slice %arg9[%dma_wait3A_534, %dma_wait3A_536, %dma_wait3A_537] : memref<8x128x32xf32, #tpu.memory_space<vmem>> -> memref<1x128x32xf32, #tpu.memory_space<vmem>>
      %dma_wait3A_539 = tpu.memref_squeeze %dma_wait3A_538 : memref<1x128x32xf32, #tpu.memory_space<vmem>> -> memref<128x32xf32, #tpu.memory_space<vmem>>
      %dma_wait3A_540 = arith.constant 0 : i32
      %dma_wait3A_541 = tpu.memref_slice %arg8[%sub3A_533, %dma_wait3A_540] : memref<80x128xi32, #tpu.memory_space<vmem>> -> memref<1x128xi32, #tpu.memory_space<vmem>>
      %dma_wait3A_542 = tpu.memref_squeeze %dma_wait3A_541 : memref<1x128xi32, #tpu.memory_space<vmem>> -> memref<128xi32, #tpu.memory_space<vmem>>
      %dma_wait3A_543 = arith.constant 0 : i32
      %dma_wait3A_544 = arith.constant 0 : i32
      %dma_wait3A_545 = tpu.memref_slice %arg10[%dma_wait3A_543, %dma_wait3A_544] : memref<10240x32xf32, #tpu.memory_space<vmem_shared>> -> memref<10240x32xf32, #tpu.memory_space<vmem_shared>>
      %dma_wait3A_546 = tpu.memref_slice %arg12[%dma_wait3A_535] : memref<8x!tpu.dma_semaphore, #tpu.memory_space<semaphore_mem>> -> memref<1x!tpu.dma_semaphore, #tpu.memory_space<semaphore_mem>>
      %dma_wait3A_547 = tpu.memref_squeeze %dma_wait3A_546 : memref<1x!tpu.dma_semaphore, #tpu.memory_space<semaphore_mem>> -> memref<!tpu.dma_semaphore, #tpu.memory_space<semaphore_mem>>
      tpu.wait_indirect_dma semaphore(%dma_wait3A_547 : memref<!tpu.dma_semaphore, #tpu.memory_space<semaphore_mem>>) src(%dma_wait3A_539 : memref<128x32xf32, #tpu.memory_space<vmem>>) dst(%dma_wait3A_545 : memref<10240x32xf32, #tpu.memory_space<vmem_shared>>)
      %lt3A_548 = arith.constant 9 : i32
      %lt3A_549 = arith.cmpi slt, %scan3A_133, %lt3A_548 : i32
      %convert_element_type3A_550 = arith.extui %lt3A_549 : i1 to i32
      %cond3A_551 = arith.constant 0 : i32
      %cond3A_552 = arith.cmpi ne, %convert_element_type3A_550, %cond3A_551 : i32
      scf.if %cond3A_552 {
        %add3A_553 = arith.constant 4 : i32
        %add3A_554 = arith.addi %add3A_503, %add3A_553 : i32
        %dma_start3A_555 = arith.constant 3 : i32
        %dma_start3A_556 = arith.constant 3 : i32
        %dma_start3A_557 = arith.constant 0 : i32
        %dma_start3A_558 = arith.constant 0 : i32
        %dma_start3A_559 = tpu.memref_slice %arg9[%dma_start3A_555, %dma_start3A_557, %dma_start3A_558] : memref<8x128x32xf32, #tpu.memory_space<vmem>> -> memref<1x128x32xf32, #tpu.memory_space<vmem>>
        %dma_start3A_560 = tpu.memref_squeeze %dma_start3A_559 : memref<1x128x32xf32, #tpu.memory_space<vmem>> -> memref<128x32xf32, #tpu.memory_space<vmem>>
        %dma_start3A_561 = arith.constant 0 : i32
        %dma_start3A_562 = tpu.memref_slice %arg7[%add3A_554, %dma_start3A_561] : memref<80x128xi32, #tpu.memory_space<vmem>> -> memref<1x128xi32, #tpu.memory_space<vmem>>
        %dma_start3A_563 = tpu.memref_squeeze %dma_start3A_562 : memref<1x128xi32, #tpu.memory_space<vmem>> -> memref<128xi32, #tpu.memory_space<vmem>>
        %dma_start3A_564 = arith.constant 0 : i32
        %dma_start3A_565 = arith.constant 0 : i32
        %dma_start3A_566 = tpu.memref_slice %arg2[%dma_start3A_564, %dma_start3A_565] : memref<10240x32xf32, #tpu.memory_space<hbm>> -> memref<10240x32xf32, #tpu.memory_space<hbm>>
        %dma_start3A_567 = tpu.memref_slice %arg11[%dma_start3A_556] : memref<8x!tpu.dma_semaphore, #tpu.memory_space<semaphore_mem>> -> memref<1x!tpu.dma_semaphore, #tpu.memory_space<semaphore_mem>>
        %dma_start3A_568 = tpu.memref_squeeze %dma_start3A_567 : memref<1x!tpu.dma_semaphore, #tpu.memory_space<semaphore_mem>> -> memref<!tpu.dma_semaphore, #tpu.memory_space<semaphore_mem>>
        tpu.enqueue_indirect_dma source(%dma_start3A_566 : memref<10240x32xf32, #tpu.memory_space<hbm>>) target(%dma_start3A_560 : memref<128x32xf32, #tpu.memory_space<vmem>>) offsets(%dma_start3A_563 : memref<128xi32, #tpu.memory_space<vmem>>) semaphore(%dma_start3A_568 : memref<!tpu.dma_semaphore, #tpu.memory_space<semaphore_mem>>)
      } else {
      }
    }
    %scan3A_70 = arith.constant 10 : i32
    %dma_wait3A = arith.constant 4 : i32
    %dma_wait3A_71 = arith.constant 76 : i32
    %dma_wait3A_72 = arith.constant 4 : i32
    %dma_wait3A_73 = arith.constant 0 : i32
    %dma_wait3A_74 = arith.constant 0 : i32
    %dma_wait3A_75 = tpu.memref_slice %arg9[%dma_wait3A, %dma_wait3A_73, %dma_wait3A_74] : memref<8x128x32xf32, #tpu.memory_space<vmem>> -> memref<1x128x32xf32, #tpu.memory_space<vmem>>
    %dma_wait3A_76 = tpu.memref_squeeze %dma_wait3A_75 : memref<1x128x32xf32, #tpu.memory_space<vmem>> -> memref<128x32xf32, #tpu.memory_space<vmem>>
    %dma_wait3A_77 = arith.constant 0 : i32
    %dma_wait3A_78 = tpu.memref_slice %arg8[%dma_wait3A_71, %dma_wait3A_77] : memref<80x128xi32, #tpu.memory_space<vmem>> -> memref<1x128xi32, #tpu.memory_space<vmem>>
    %dma_wait3A_79 = tpu.memref_squeeze %dma_wait3A_78 : memref<1x128xi32, #tpu.memory_space<vmem>> -> memref<128xi32, #tpu.memory_space<vmem>>
    %dma_wait3A_80 = arith.constant 0 : i32
    %dma_wait3A_81 = arith.constant 0 : i32
    %dma_wait3A_82 = tpu.memref_slice %arg10[%dma_wait3A_80, %dma_wait3A_81] : memref<10240x32xf32, #tpu.memory_space<vmem_shared>> -> memref<10240x32xf32, #tpu.memory_space<vmem_shared>>
    %dma_wait3A_83 = tpu.memref_slice %arg12[%dma_wait3A_72] : memref<8x!tpu.dma_semaphore, #tpu.memory_space<semaphore_mem>> -> memref<1x!tpu.dma_semaphore, #tpu.memory_space<semaphore_mem>>
    %dma_wait3A_84 = tpu.memref_squeeze %dma_wait3A_83 : memref<1x!tpu.dma_semaphore, #tpu.memory_space<semaphore_mem>> -> memref<!tpu.dma_semaphore, #tpu.memory_space<semaphore_mem>>
    tpu.wait_indirect_dma semaphore(%dma_wait3A_84 : memref<!tpu.dma_semaphore, #tpu.memory_space<semaphore_mem>>) src(%dma_wait3A_76 : memref<128x32xf32, #tpu.memory_space<vmem>>) dst(%dma_wait3A_82 : memref<10240x32xf32, #tpu.memory_space<vmem_shared>>)
    %dma_wait3A_85 = arith.constant 5 : i32
    %dma_wait3A_86 = arith.constant 77 : i32
    %dma_wait3A_87 = arith.constant 5 : i32
    %dma_wait3A_88 = arith.constant 0 : i32
    %dma_wait3A_89 = arith.constant 0 : i32
    %dma_wait3A_90 = tpu.memref_slice %arg9[%dma_wait3A_85, %dma_wait3A_88, %dma_wait3A_89] : memref<8x128x32xf32, #tpu.memory_space<vmem>> -> memref<1x128x32xf32, #tpu.memory_space<vmem>>
    %dma_wait3A_91 = tpu.memref_squeeze %dma_wait3A_90 : memref<1x128x32xf32, #tpu.memory_space<vmem>> -> memref<128x32xf32, #tpu.memory_space<vmem>>
    %dma_wait3A_92 = arith.constant 0 : i32
    %dma_wait3A_93 = tpu.memref_slice %arg8[%dma_wait3A_86, %dma_wait3A_92] : memref<80x128xi32, #tpu.memory_space<vmem>> -> memref<1x128xi32, #tpu.memory_space<vmem>>
    %dma_wait3A_94 = tpu.memref_squeeze %dma_wait3A_93 : memref<1x128xi32, #tpu.memory_space<vmem>> -> memref<128xi32, #tpu.memory_space<vmem>>
    %dma_wait3A_95 = arith.constant 0 : i32
    %dma_wait3A_96 = arith.constant 0 : i32
    %dma_wait3A_97 = tpu.memref_slice %arg10[%dma_wait3A_95, %dma_wait3A_96] : memref<10240x32xf32, #tpu.memory_space<vmem_shared>> -> memref<10240x32xf32, #tpu.memory_space<vmem_shared>>
    %dma_wait3A_98 = tpu.memref_slice %arg12[%dma_wait3A_87] : memref<8x!tpu.dma_semaphore, #tpu.memory_space<semaphore_mem>> -> memref<1x!tpu.dma_semaphore, #tpu.memory_space<semaphore_mem>>
    %dma_wait3A_99 = tpu.memref_squeeze %dma_wait3A_98 : memref<1x!tpu.dma_semaphore, #tpu.memory_space<semaphore_mem>> -> memref<!tpu.dma_semaphore, #tpu.memory_space<semaphore_mem>>
    tpu.wait_indirect_dma semaphore(%dma_wait3A_99 : memref<!tpu.dma_semaphore, #tpu.memory_space<semaphore_mem>>) src(%dma_wait3A_91 : memref<128x32xf32, #tpu.memory_space<vmem>>) dst(%dma_wait3A_97 : memref<10240x32xf32, #tpu.memory_space<vmem_shared>>)
    %dma_wait3A_100 = arith.constant 6 : i32
    %dma_wait3A_101 = arith.constant 78 : i32
    %dma_wait3A_102 = arith.constant 6 : i32
    %dma_wait3A_103 = arith.constant 0 : i32
    %dma_wait3A_104 = arith.constant 0 : i32
    %dma_wait3A_105 = tpu.memref_slice %arg9[%dma_wait3A_100, %dma_wait3A_103, %dma_wait3A_104] : memref<8x128x32xf32, #tpu.memory_space<vmem>> -> memref<1x128x32xf32, #tpu.memory_space<vmem>>
    %dma_wait3A_106 = tpu.memref_squeeze %dma_wait3A_105 : memref<1x128x32xf32, #tpu.memory_space<vmem>> -> memref<128x32xf32, #tpu.memory_space<vmem>>
    %dma_wait3A_107 = arith.constant 0 : i32
    %dma_wait3A_108 = tpu.memref_slice %arg8[%dma_wait3A_101, %dma_wait3A_107] : memref<80x128xi32, #tpu.memory_space<vmem>> -> memref<1x128xi32, #tpu.memory_space<vmem>>
    %dma_wait3A_109 = tpu.memref_squeeze %dma_wait3A_108 : memref<1x128xi32, #tpu.memory_space<vmem>> -> memref<128xi32, #tpu.memory_space<vmem>>
    %dma_wait3A_110 = arith.constant 0 : i32
    %dma_wait3A_111 = arith.constant 0 : i32
    %dma_wait3A_112 = tpu.memref_slice %arg10[%dma_wait3A_110, %dma_wait3A_111] : memref<10240x32xf32, #tpu.memory_space<vmem_shared>> -> memref<10240x32xf32, #tpu.memory_space<vmem_shared>>
    %dma_wait3A_113 = tpu.memref_slice %arg12[%dma_wait3A_102] : memref<8x!tpu.dma_semaphore, #tpu.memory_space<semaphore_mem>> -> memref<1x!tpu.dma_semaphore, #tpu.memory_space<semaphore_mem>>
    %dma_wait3A_114 = tpu.memref_squeeze %dma_wait3A_113 : memref<1x!tpu.dma_semaphore, #tpu.memory_space<semaphore_mem>> -> memref<!tpu.dma_semaphore, #tpu.memory_space<semaphore_mem>>
    tpu.wait_indirect_dma semaphore(%dma_wait3A_114 : memref<!tpu.dma_semaphore, #tpu.memory_space<semaphore_mem>>) src(%dma_wait3A_106 : memref<128x32xf32, #tpu.memory_space<vmem>>) dst(%dma_wait3A_112 : memref<10240x32xf32, #tpu.memory_space<vmem_shared>>)
    %dma_wait3A_115 = arith.constant 7 : i32
    %dma_wait3A_116 = arith.constant 79 : i32
    %dma_wait3A_117 = arith.constant 7 : i32
    %dma_wait3A_118 = arith.constant 0 : i32
    %dma_wait3A_119 = arith.constant 0 : i32
    %dma_wait3A_120 = tpu.memref_slice %arg9[%dma_wait3A_115, %dma_wait3A_118, %dma_wait3A_119] : memref<8x128x32xf32, #tpu.memory_space<vmem>> -> memref<1x128x32xf32, #tpu.memory_space<vmem>>
    %dma_wait3A_121 = tpu.memref_squeeze %dma_wait3A_120 : memref<1x128x32xf32, #tpu.memory_space<vmem>> -> memref<128x32xf32, #tpu.memory_space<vmem>>
    %dma_wait3A_122 = arith.constant 0 : i32
    %dma_wait3A_123 = tpu.memref_slice %arg8[%dma_wait3A_116, %dma_wait3A_122] : memref<80x128xi32, #tpu.memory_space<vmem>> -> memref<1x128xi32, #tpu.memory_space<vmem>>
    %dma_wait3A_124 = tpu.memref_squeeze %dma_wait3A_123 : memref<1x128xi32, #tpu.memory_space<vmem>> -> memref<128xi32, #tpu.memory_space<vmem>>
    %dma_wait3A_125 = arith.constant 0 : i32
    %dma_wait3A_126 = arith.constant 0 : i32
    %dma_wait3A_127 = tpu.memref_slice %arg10[%dma_wait3A_125, %dma_wait3A_126] : memref<10240x32xf32, #tpu.memory_space<vmem_shared>> -> memref<10240x32xf32, #tpu.memory_space<vmem_shared>>
    %dma_wait3A_128 = tpu.memref_slice %arg12[%dma_wait3A_117] : memref<8x!tpu.dma_semaphore, #tpu.memory_space<semaphore_mem>> -> memref<1x!tpu.dma_semaphore, #tpu.memory_space<semaphore_mem>>
    %dma_wait3A_129 = tpu.memref_squeeze %dma_wait3A_128 : memref<1x!tpu.dma_semaphore, #tpu.memory_space<semaphore_mem>> -> memref<!tpu.dma_semaphore, #tpu.memory_space<semaphore_mem>>
    tpu.wait_indirect_dma semaphore(%dma_wait3A_129 : memref<!tpu.dma_semaphore, #tpu.memory_space<semaphore_mem>>) src(%dma_wait3A_121 : memref<128x32xf32, #tpu.memory_space<vmem>>) dst(%dma_wait3A_127 : memref<10240x32xf32, #tpu.memory_space<vmem_shared>>)
    %barrier3A_130 = arith.constant 0 : index
    tpu.barrier barrier_id(%barrier3A_130)
    %mul3A_131 = arith.constant 640 : i32
    %mul3A_132 = arith.muli %arg1, %mul3A_131 : i32
    "tpu.region"() ({
      %run_scoped3A = tpu.sem_alloc : memref<!tpu.dma_semaphore, #tpu.memory_space<semaphore_mem>>
      %dma_start3A_133 = arith.constant 0 : i32
      %dma_start3A_134 = tpu.memref_slice %arg6[%arg0, %mul3A_132, %dma_start3A_133] : memref<2x10240x32xf32, #tpu.memory_space<hbm>> -> memref<1x640x32xf32, #tpu.memory_space<hbm>>
      %dma_start3A_135 = tpu.memref_squeeze %dma_start3A_134 : memref<1x640x32xf32, #tpu.memory_space<hbm>> -> memref<640x32xf32, #tpu.memory_space<hbm>>
      %dma_start3A_136 = arith.constant 0 : i32
      %dma_start3A_137 = tpu.memref_slice %arg10[%mul3A_132, %dma_start3A_136] : memref<10240x32xf32, #tpu.memory_space<vmem_shared>> -> memref<640x32xf32, #tpu.memory_space<vmem_shared>>
      tpu.enqueue_dma source(%dma_start3A_137 : memref<640x32xf32, #tpu.memory_space<vmem_shared>>) target(%dma_start3A_135 : memref<640x32xf32, #tpu.memory_space<hbm>>) target_semaphore(%run_scoped3A : memref<!tpu.dma_semaphore, #tpu.memory_space<semaphore_mem>>)
      %dma_wait3A_138 = arith.constant 0 : i32
      %dma_wait3A_139 = tpu.memref_slice %arg6[%arg0, %mul3A_132, %dma_wait3A_138] : memref<2x10240x32xf32, #tpu.memory_space<hbm>> -> memref<1x640x32xf32, #tpu.memory_space<hbm>>
      %dma_wait3A_140 = tpu.memref_squeeze %dma_wait3A_139 : memref<1x640x32xf32, #tpu.memory_space<hbm>> -> memref<640x32xf32, #tpu.memory_space<hbm>>
      %dma_wait3A_141 = arith.constant 0 : i32
      %dma_wait3A_142 = tpu.memref_slice %arg10[%mul3A_132, %dma_wait3A_141] : memref<10240x32xf32, #tpu.memory_space<vmem_shared>> -> memref<640x32xf32, #tpu.memory_space<vmem_shared>>
      tpu.wait_dma2 semaphore(%run_scoped3A : memref<!tpu.dma_semaphore, #tpu.memory_space<semaphore_mem>>) src(%dma_wait3A_142 : memref<640x32xf32, #tpu.memory_space<vmem_shared>>) dst(%dma_wait3A_140 : memref<640x32xf32, #tpu.memory_space<hbm>>)
      tpu.yield
    }) : () -> ()
    return
  }
}

module attributes {stable_mosaic.version = 14 : i64} {
  func.func @_tc1_body(%arg0: memref<10000x128xf32, #tpu.memory_space<vmem>>, %arg1: memref<128x32xf32, #tpu.memory_space<vmem>>, %arg2: memref<10240x2xf32, #tpu.memory_space<vmem>>, %arg3: memref<10240x32xf32, #tpu.memory_space<vmem>>, %arg4: memref<10240x1xf32, #tpu.memory_space<vmem>>) attributes {dimension_semantics = [], scalar_prefetch = 0 : i64, scratch_operands = 0 : i64, tpu.core_type = #tpu.core_type<tc>} {
    %get3A = arith.constant 0 : index
    %get3A_0 = arith.constant 0 : index
    %get3A_1 = vector.load %arg2[%get3A, %get3A_0] : memref<10240x2xf32, #tpu.memory_space<vmem>>, vector<10240x1xf32>
    %get3A_2 = arith.constant 0 : index
    %get3A_3 = arith.constant 1 : index
    %get3A_4 = vector.load %arg2[%get3A_2, %get3A_3] : memref<10240x2xf32, #tpu.memory_space<vmem>>, vector<10240x1xf32>
    %add3A = arith.addf %get3A_1, %get3A_4 : vector<10240x1xf32>
    %add3A_5 = arith.constant 1.000000e+00 : f32
    %add3A_6 = vector.broadcast %add3A_5 : f32 to vector<10240x1xf32>
    %add3A_7 = arith.addf %add3A, %add3A_6 : vector<10240x1xf32>
    %rsqrt3A = math.rsqrt %add3A_7 : vector<10240x1xf32>
    %swap3A = arith.constant 0 : index
    %swap3A_8 = arith.constant 0 : index
    %swap3A_9 = vector.load %arg4[%swap3A, %swap3A_8] : memref<10240x1xf32, #tpu.memory_space<vmem>>, vector<10240x1xf32>
    tpu.vector_store %arg4[%swap3A, %swap3A_8], %rsqrt3A {strides = array<i32>} : memref<10240x1xf32, #tpu.memory_space<vmem>>, vector<10240x1xf32>,
    %get3A_10 = arith.constant 0 : index
    %get3A_11 = arith.constant 0 : index
    %get3A_12 = vector.load %arg0[%get3A_10, %get3A_11] : memref<10000x128xf32, #tpu.memory_space<vmem>>, vector<10000x128xf32>
    %get3A_13 = arith.constant 0 : index
    %get3A_14 = arith.constant 0 : index
    %get3A_15 = vector.load %arg1[%get3A_13, %get3A_14] : memref<128x32xf32, #tpu.memory_space<vmem>>, vector<128x32xf32>
    %dot_general3A = arith.constant dense<0.000000e+00> : vector<10000x32xf32>
    %dot_general3A_16 = tpu.matmul %get3A_12, %get3A_15, %dot_general3A {dimension_numbers = #tpu.dot_dimension_numbers<[1], [0], [0], [1], [0, 0, 1, 1], [], []>, transpose_lhs_hint = false} : vector<10000x128xf32>, vector<128x32xf32>, vector<10000x32xf32> -> vector<10000x32xf32>
    %slice3A = vector.extract_strided_slice %rsqrt3A {offsets = [0, 0], sizes = [10000, 1], strides = [1, 1]} : vector<10240x1xf32> to vector<10000x1xf32>
    %mul3A = vector.broadcast %slice3A : vector<10000x1xf32> to vector<10000x32xf32>
    %mul3A_17 = arith.mulf %mul3A, %dot_general3A_16 : vector<10000x32xf32>
    %swap3A_18 = arith.constant 0 : index
    %swap3A_19 = arith.constant 0 : index
    %swap3A_20 = vector.load %arg3[%swap3A_18, %swap3A_19] : memref<10240x32xf32, #tpu.memory_space<vmem>>, vector<10000x32xf32>
    tpu.vector_store %arg3[%swap3A_18, %swap3A_19], %mul3A_17 {strides = array<i32>} : memref<10240x32xf32, #tpu.memory_space<vmem>>, vector<10000x32xf32>,
    %broadcast_in_dim3A = arith.constant 0.000000e+00 : f32
    %broadcast_in_dim3A_21 = vector.broadcast %broadcast_in_dim3A : f32 to vector<240x32xf32>
    %swap3A_22 = arith.constant 10000 : index
    %swap3A_23 = arith.constant 0 : index
    %swap3A_24 = vector.load %arg3[%swap3A_22, %swap3A_23] : memref<10240x32xf32, #tpu.memory_space<vmem>>, vector<240x32xf32>
    tpu.vector_store %arg3[%swap3A_22, %swap3A_23], %broadcast_in_dim3A_21 {strides = array<i32>} : memref<10240x32xf32, #tpu.memory_space<vmem>>, vector<240x32xf32>,
    return
  }
}

module attributes {stable_mosaic.version = 14 : i64} {
  func.func @_tc2_body(%arg0: memref<2x10240x32xf32, #tpu.memory_space<vmem>>, %arg1: memref<10240x32xf32, #tpu.memory_space<vmem>>, %arg2: memref<10240x1xf32, #tpu.memory_space<vmem>>, %arg3: memref<1x32xf32, #tpu.memory_space<vmem>>, %arg4: memref<10240x32xf32, #tpu.memory_space<vmem>>) attributes {dimension_semantics = [], scalar_prefetch = 0 : i64, scratch_operands = 0 : i64, tpu.core_type = #tpu.core_type<tc>} {
    %get3A = arith.constant 0 : index
    %get3A_0 = arith.constant 0 : index
    %get3A_1 = vector.load %arg2[%get3A, %get3A_0] : memref<10240x1xf32, #tpu.memory_space<vmem>>, vector<10240x1xf32>
    %get3A_2 = arith.constant 0 : index
    %get3A_3 = arith.constant 0 : index
    %get3A_4 = arith.constant 0 : index
    %get3A_5 = vector.load %arg0[%get3A_2, %get3A_3, %get3A_4] : memref<2x10240x32xf32, #tpu.memory_space<vmem>>, vector<1x10240x32xf32>
    %get3A_6 = vector.shape_cast %get3A_5 : vector<1x10240x32xf32> to vector<10240x32xf32>
    %get3A_7 = arith.constant 1 : index
    %get3A_8 = arith.constant 0 : index
    %get3A_9 = arith.constant 0 : index
    %get3A_10 = vector.load %arg0[%get3A_7, %get3A_8, %get3A_9] : memref<2x10240x32xf32, #tpu.memory_space<vmem>>, vector<1x10240x32xf32>
    %get3A_11 = vector.shape_cast %get3A_10 : vector<1x10240x32xf32> to vector<10240x32xf32>
    %add3A = arith.addf %get3A_6, %get3A_11 : vector<10240x32xf32>
    %get3A_12 = arith.constant 0 : index
    %get3A_13 = arith.constant 0 : index
    %get3A_14 = vector.load %arg1[%get3A_12, %get3A_13] : memref<10240x32xf32, #tpu.memory_space<vmem>>, vector<10240x32xf32>
    %add3A_15 = arith.addf %add3A, %get3A_14 : vector<10240x32xf32>
    %mul3A = vector.broadcast %get3A_1 : vector<10240x1xf32> to vector<10240x32xf32>
    %mul3A_16 = arith.mulf %mul3A, %add3A_15 : vector<10240x32xf32>
    %get3A_17 = arith.constant 0 : index
    %get3A_18 = arith.constant 0 : index
    %get3A_19 = vector.load %arg3[%get3A_17, %get3A_18] : memref<1x32xf32, #tpu.memory_space<vmem>>, vector<1x32xf32>
    %add3A_20 = vector.broadcast %get3A_19 : vector<1x32xf32> to vector<10240x32xf32>
    %add3A_21 = arith.addf %mul3A_16, %add3A_20 : vector<10240x32xf32>
    %mul3A_22 = vector.broadcast %get3A_1 : vector<10240x1xf32> to vector<10240x32xf32>
    %mul3A_23 = arith.mulf %mul3A_22, %add3A_21 : vector<10240x32xf32>
    %swap3A = arith.constant 0 : index
    %swap3A_24 = arith.constant 0 : index
    %swap3A_25 = vector.load %arg4[%swap3A, %swap3A_24] : memref<10240x32xf32, #tpu.memory_space<vmem>>, vector<10240x32xf32>
    tpu.vector_store %arg4[%swap3A, %swap3A_24], %mul3A_23 {strides = array<i32>} : memref<10240x32xf32, #tpu.memory_space<vmem>>, vector<10240x32xf32>,
    return
  }
}

module attributes {stable_mosaic.version = 14 : i64} {
  func.func @_tc3_body(%arg0: memref<2x10240x32xf32, #tpu.memory_space<vmem>>, %arg1: memref<10240x32xf32, #tpu.memory_space<vmem>>, %arg2: memref<10240x1xf32, #tpu.memory_space<vmem>>, %arg3: memref<32x128xf32, #tpu.memory_space<vmem>>, %arg4: memref<1x128xf32, #tpu.memory_space<vmem>>, %arg5: memref<10000x128xf32, #tpu.memory_space<vmem>>) attributes {dimension_semantics = [], scalar_prefetch = 0 : i64, scratch_operands = 0 : i64, tpu.core_type = #tpu.core_type<tc>} {
    %get3A = arith.constant 0 : index
    %get3A_0 = arith.constant 0 : index
    %get3A_1 = arith.constant 0 : index
    %get3A_2 = vector.load %arg0[%get3A, %get3A_0, %get3A_1] : memref<2x10240x32xf32, #tpu.memory_space<vmem>>, vector<1x10240x32xf32>
    %get3A_3 = vector.shape_cast %get3A_2 : vector<1x10240x32xf32> to vector<10240x32xf32>
    %get3A_4 = arith.constant 1 : index
    %get3A_5 = arith.constant 0 : index
    %get3A_6 = arith.constant 0 : index
    %get3A_7 = vector.load %arg0[%get3A_4, %get3A_5, %get3A_6] : memref<2x10240x32xf32, #tpu.memory_space<vmem>>, vector<1x10240x32xf32>
    %get3A_8 = vector.shape_cast %get3A_7 : vector<1x10240x32xf32> to vector<10240x32xf32>
    %add3A = arith.addf %get3A_3, %get3A_8 : vector<10240x32xf32>
    %get3A_9 = arith.constant 0 : index
    %get3A_10 = arith.constant 0 : index
    %get3A_11 = vector.load %arg1[%get3A_9, %get3A_10] : memref<10240x32xf32, #tpu.memory_space<vmem>>, vector<10240x32xf32>
    %add3A_12 = arith.addf %add3A, %get3A_11 : vector<10240x32xf32>
    %get3A_13 = arith.constant 0 : index
    %get3A_14 = arith.constant 0 : index
    %get3A_15 = vector.load %arg2[%get3A_13, %get3A_14] : memref<10240x1xf32, #tpu.memory_space<vmem>>, vector<10240x1xf32>
    %mul3A = vector.broadcast %get3A_15 : vector<10240x1xf32> to vector<10240x32xf32>
    %mul3A_16 = arith.mulf %mul3A, %add3A_12 : vector<10240x32xf32>
    %slice3A = vector.extract_strided_slice %mul3A_16 {offsets = [0, 0], sizes = [10000, 32], strides = [1, 1]} : vector<10240x32xf32> to vector<10000x32xf32>
    %get3A_17 = arith.constant 0 : index
    %get3A_18 = arith.constant 0 : index
    %get3A_19 = vector.load %arg3[%get3A_17, %get3A_18] : memref<32x128xf32, #tpu.memory_space<vmem>>, vector<32x128xf32>
    %dot_general3A = arith.constant dense<0.000000e+00> : vector<10000x128xf32>
    %dot_general3A_20 = tpu.matmul %slice3A, %get3A_19, %dot_general3A {dimension_numbers = #tpu.dot_dimension_numbers<[1], [0], [0], [1], [0, 0, 1, 1], [], []>, transpose_lhs_hint = false} : vector<10000x32xf32>, vector<32x128xf32>, vector<10000x128xf32> -> vector<10000x128xf32>
    %get3A_21 = arith.constant 0 : index
    %get3A_22 = arith.constant 0 : index
    %get3A_23 = vector.load %arg4[%get3A_21, %get3A_22] : memref<1x128xf32, #tpu.memory_space<vmem>>, vector<1x128xf32>
    %add3A_24 = vector.broadcast %get3A_23 : vector<1x128xf32> to vector<10000x128xf32>
    %add3A_25 = arith.addf %dot_general3A_20, %add3A_24 : vector<10000x128xf32>
    %max3A = arith.constant 0.000000e+00 : f32
    %max3A_26 = vector.broadcast %max3A : f32 to vector<10000x128xf32>
    %max3A_27 = arith.maximumf %add3A_25, %max3A_26 : vector<10000x128xf32>
    %swap3A = arith.constant 0 : index
    %swap3A_28 = arith.constant 0 : index
    %swap3A_29 = vector.load %arg5[%swap3A, %swap3A_28] : memref<10000x128xf32, #tpu.memory_space<vmem>>, vector<10000x128xf32>
    tpu.vector_store %arg5[%swap3A, %swap3A_28], %max3A_27 {strides = array<i32>} : memref<10000x128xf32, #tpu.memory_space<vmem>>, vector<10000x128xf32>,
    return
  }
}

</mosaic_0001>

<sc_bundles>
// kernel: kernel.11.cloned.1.call-start
scs
__scs_entry_jumppad:
0x0: {  	(pc) =	sbr.rel $0x88, $3  }
0x1: {  	(tag) =	ssettag $0x0;
	lr =	simm.s32 $0x1  }
0x2: {  	[smem:$0x3F9B] =	sst lr;
	_ =	strace $0xD0000000  }
0x3: {  	_ = 	snop  }
0x4: {  	_ = 	snop  }
0x5: {  	_ = 	snop  }
0x6: {  	_ = 	snop  }
0x7: {  	_ = 	snop  }
__scs_overlays_trampoline_lowered:
0x8: {  	[smem:$0x3FAA] =	sst s0  }
0x9: {  	[smem:$0x3FAB] =	sst s1  }
0xa: {  	[smem:$0x3FAC] =	sst s2  }
0xb: {  	[smem:$0x3FAD] =	sst s3  }
0xc: {  	[smem:$0x3FAE] =	sst s4  }
0xd: {  	[smem:$0x3FAF] =	sst s5  }
0xe: {  	[smem:$0x3FB0] =	sst s6  }
0xf: {  	[smem:$0x3FB1] =	sst s7  }
0x10: {  	[smem:$0x3FB2] =	sst s8  }
0x11: {  	[smem:$0x3FB3] =	sst s9;
	s0 =	simm.s32 @!p0 $0x0  }
0x12: {  	s1 =	sld [smem:$0x3F99];
	s0 =	simm.s32 @p0 $0x1  }
0x13: {  	[smem:$0x3FB4] =	sst s0;
	s0 =	simm.s32 @!p1 $0x0  }
0x14: {  	s2 =	sld [smem:$0x3F98];
	s0 =	simm.s32 @p1 $0x1  }
0x15: {  	[smem:$0x3FB5] =	sst s0;
	s0 =	simm.s32 @!p2 $0x0  }
0x16: {  	s3 =	sld [smem:$0x3FDB];
	s0 =	simm.s32 @p2 $0x1  }
0x17: {  	s4 =	simm.s32 $0x1BF5;
	[smem:$0x3FB7] =	sst s0  }
0x18: {  	s0 =	sld [smem:$0x3F9A];
	_ =	swait.ge [sflag:s4], $0x0  }
0x19: {  	s7 =	sld [smem:$0x3F9B]  }
0x1a: {  	s8 =	sadd.s32 $0xFFFFE003, lr  }
0x1b: {  	s9 =	sadd.s32 $0xFFFFFEF7, lr;
	s5 =	simm.s32 $0xFFFFFFFF;
	p2 =	slt.u32 s8, $0xFFFFF086  }
0x1c: {  	p1 =	slt.u32 s9, $0xF7A;
	s5 =	simm.s32 @!p2 $0x0  }
0x1d: {  	s5 =	simm.s32 @p1 $0x1;
	p0 =	seq.s32 s7, s2  }
0x1e: {  	s7 =	smul.u32 @!p0 $0xF7A, s2;
	p2 =	seq.s32 @!p0 s5, $0x0  }
0x1f: {  	s9 =	smul.u32 $0xF7A, s1;
	s8 =	simm.s32 @!p0 $0x1BF5;
	p2 =	por !p2, p0  }
0x20: {  	[sflag:s8] =	ssyncset.s32 @!p0 $0xFFFFF086;
	s6 =	sadd.s32 @!p0 s3, s7;
	s7 =	simm.s32 @!p0 $0x108  }
0x21: {  	s3 =	sadd.s32 s3, s9;
	s6 =	sadd.s32 @!p0 $0x88, s6;
	s7 =	simm.s32 @p2 $0x1082  }
0x22: {  	[simem:s7], [sflag:s8] =	dma.local @!p0 [hbm:s6], $0xF7A  }
0x23: {  	s9 =	sor.u32 $0xD0000000, s2;
	s6 =	simm.s32 $0x108;
	_ =	swait.ge @!p0 [sflag:s8], $0x0  }
0x24: {  	s3 =	sadd.s32 $0x88, s3;
	s6 =	simm.s32 @!p1 $0x1082;
	[sflag:s4] =	ssyncset.s32 $0xFFFFF086  }
0x25: {  	[simem:s6], [sflag:s4] =	dma.local [hbm:s3], $0xF7A  }
0x26: {  	[smem:$0x3F9B] =	sst s1;
	(tag) =	ssettag s2;
	_ =	strace s9  }
0x27: {  	s1 =	sld [smem:$0x3FAB]  }
0x28: {  	s2 =	sld [smem:$0x3FAC]  }
0x29: {  	s4 =	sld [smem:$0x3FAE]  }
0x2a: {  	p0 =	seq.s32 s5, $0x0;
	s5 =	sld [smem:$0x3FAF]  }
0x2b: {  	s6 =	sld [smem:$0x3FB0]  }
0x2c: {  	s7 =	sld [smem:$0x3FB1]  }
0x2d: {  	s3 =	simm.s32 $0x108;
	s8 =	sld [smem:$0x3FB2]  }
0x2e: {  	s3 =	simm.s32 @!p0 $0x1082;
	s9 =	sld [smem:$0x3FB3]  }
0x2f: {  	lr =	sadd.s32 s0, s3;
	s0 =	sld [smem:$0x3FAA]  }
0x30: {  	s3 =	sld [smem:$0x3FAD]  }
0x31: {  	[smem:$0x3FB6] =	sst s10  }
0x32: {  	s10 =	sld [smem:$0x3FB4];
	_ =	sdelay $0x3  }
0x33: {  	p0 =	seq.s32 s10, $0x1;
	s10 =	sld [smem:$0x3FB6];
	_ =	sdelay $0x3  }
0x34: {  	[smem:$0x3FB6] =	sst s10  }
0x35: {  	s10 =	sld [smem:$0x3FB5];
	_ =	sdelay $0x3  }
0x36: {  	p1 =	seq.s32 s10, $0x1;
	s10 =	sld [smem:$0x3FB6];
	_ =	sdelay $0x3  }
0x37: {  	[smem:$0x3FB6] =	sst s10  }
0x38: {  	s10 =	sld [smem:$0x3FB7]  }
0x39: {  	_ = 	snop;
	(pc) =	sbr.ind lr, $3  }
0x3a: {  	_ = 	snop  }
0x3b: {  	_ = 	snop  }
0x3c: {  	p2 =	seq.s32 s10, $0x1;
	s10 =	sld [smem:$0x3FB6]  }
0x3d: {  	_ =	shalt  }
0x3e: {  	_ =	shalt  }
0x3f: {  	_ =	shalt  }
0x40: {  	_ =	shalt  }
0x41: {  	_ =	shalt  }
0x42: {  	_ =	shalt  }
0x43: {  	_ =	shalt  }
0x44: {  	_ =	shalt  }
0x45: {  	_ =	shalt  }
0x46: {  	_ =	shalt  }
0x47: {  	_ =	shalt  }
0x48: {  	_ =	shalt  }
0x49: {  	_ =	shalt  }
0x4a: {  	_ =	shalt  }
0x4b: {  	_ =	shalt  }
0x4c: {  	_ =	shalt  }
0x4d: {  	_ =	shalt  }
0x4e: {  	_ =	shalt  }
0x4f: {  	_ =	shalt  }
0x50: {  	_ =	shalt  }
0x51: {  	_ =	shalt  }
0x52: {  	_ =	shalt  }
0x53: {  	_ =	shalt  }
0x54: {  	_ =	shalt  }
0x55: {  	_ =	shalt  }
0x56: {  	_ =	shalt  }
0x57: {  	_ =	shalt  }
0x58: {  	_ =	shalt  }
0x59: {  	_ =	shalt  }
0x5a: {  	_ =	shalt  }
0x5b: {  	_ =	shalt  }
0x5c: {  	_ =	shalt  }
0x5d: {  	_ =	shalt  }
0x5e: {  	_ =	shalt  }
0x5f: {  	_ =	shalt  }
0x60: {  	_ =	shalt  }
0x61: {  	_ =	shalt  }
0x62: {  	_ =	shalt  }
0x63: {  	_ =	shalt  }
0x64: {  	_ =	shalt  }
0x65: {  	_ =	shalt  }
0x66: {  	_ =	shalt  }
0x67: {  	_ =	shalt  }
0x68: {  	_ =	shalt  }
0x69: {  	_ =	shalt  }
0x6a: {  	_ =	shalt  }
0x6b: {  	_ =	shalt  }
0x6c: {  	_ =	shalt  }
0x6d: {  	_ =	shalt  }
0x6e: {  	_ =	shalt  }
0x6f: {  	_ =	shalt  }
0x70: {  	_ =	shalt  }
0x71: {  	_ =	shalt  }
0x72: {  	_ =	shalt  }
0x73: {  	_ =	shalt  }
0x74: {  	_ =	shalt  }
0x75: {  	_ =	shalt  }
0x76: {  	_ =	shalt  }
0x77: {  	_ =	shalt  }
0x78: {  	_ =	shalt  }
0x79: {  	_ =	shalt  }
0x7a: {  	_ =	shalt  }
0x7b: {  	_ =	shalt  }
0x7c: {  	_ =	shalt  }
0x7d: {  	_ =	shalt  }
0x7e: {  	_ =	shalt  }
0x7f: {  	_ =	shalt  }
0x80: {  	_ =	shalt  }
0x81: {  	_ =	shalt  }
0x82: {  	_ =	shalt  }
0x83: {  	_ =	shalt  }
0x84: {  	_ =	shalt  }
0x85: {  	_ =	shalt  }
0x86: {  	_ =	shalt  }
0x87: {  	_ =	shalt  }
.Lfunc_end0:
.L_simem_size_0:
called_computation.1_lowered:
.L_overlay_start_0:
0x88: {  	s2 =	sld [smem:$0x3FD9]  }
0x89: {  	s3 =	sld [smem:$0x3FFE];
	_ =	sdelay $0x1  }
0x8a: {  	s1 =	srdreg.scid  }
0x8b: {  	s0 =	sand.u32 $0x1, s1  }
0x8c: {  	s17 =	sshll.u32 s0, $0xA;
	s2 =	sadd.s32 s3, s2  }
0x8d: {  	s2 =	sadd.s32 s2, s17  }
0x8e: {  	[smem:$0x3FC2] =	sst s2  }
0x8f: {  	_ = 	snop  }
0x90: {  	s2 =	sld [smem:$0x3FD0];
	(tm) =	ssettm $0x1  }
0x91: {  	s18 =	sld [smem:$0x3FFB];
	_ =	sdelay $0x3  }
0x92: {  	_ =	strace s18  }
0x93: {  	s3 =	sld [smem:$0x3FFC];
	_ =	sdelay $0x3  }
0x94: {  	_ =	strace s3  }
0x95: {  	s3 =	sld [smem:$0x3FFD];
	_ =	sdelay $0x3  }
0x96: {  	_ =	strace s3  }
0x97: {  	_ =	strace $0x8FFFFFFF  }
0x98: {  	s19 =	sld [smem:$0x3FDB];
	_ =	sdelay $0x1  }
0x99: {  	s4 =	simm.s32 $_scs_section_size  }
0x9a: {  	s5 =	simm.s32 $_size__tile_overlayer_lowered;
	s6 =	simm.s32 $_tile_overlayer_lowered  }
0x9b: {  	s22 =	simm.s32 $0x1BFF;
	s21 =	sshll.u32 s6, $0x1;
	s3 =	sadd.s32 s4, s19  }
0x9c: {  	s7 =	simm.s32 $0x0;
	s20 =	sshll.u32 s5, $0x1;
	s5 =	sadd.s32 s21, s3  }
0x9d: {  	[timem:s7], [sflag:s22] =	dma.local [hbm:s5], s20  }
0x9e: {  	_ =	swait.ge [sflag:s22], s20  }
0x9f: {  	s4 =	ssub.s32 $0x0, s20;
	[sflag:s22] =	ssyncset.done $0x0  }
0xa0: {  	[sflag:s22] =	ssyncadd.s32 s4;
	_ =	sdelay $0x1  }
0xa1: {  	s23 =	simm.s32 $0x1B8B  }
0xa2: {  	_ =	swait.ge [sflag:s23], $0x1  }
0xa3: {  	[sflag:s23] =	ssyncset.done $0x0  }
0xa4: {  	s25 =	simm.s32 $0x1B8E;
	s24 =	sld [smem:$0x3FFE];
	[sflag:s23] =	ssyncadd.s32 $0xFFFFFFFF  }
0xa5: {  	s26 =	simm.s32 $execute0_lowered;
	[smem:$0x3FD2] =	sst s25  }
0xa6: {  	s5 =	sshll.u32 s26, $0x1;
	_ =	strace $0x80000049;
	[dreg:$0x1] =	wrdreg $0xFFFFFFFF  }
0xa7: {  	s28 =	simm.s32 $_size_execute0_lowered;
	s3 =	sadd.s32 s3, s5;
	[dreg:$0x0] =	wrdreg $0x0  }
0xa8: {  	s5 =	sshll.u32 s28, $0x1;
	[dreg:$0x2] =	wrdreg s3  }
0xa9: {  	[dreg:$0x3] =	wrdreg s5  }
0xaa: {  	[dreg:$0x4] =	wrdreg $0xC0  }
0xab: {  	_ =	task [dreg:s7], $0x5FFFF  }
0xac: {  	[dreg:$0x1] =	wrdreg $0xFFFFFFFF  }
0xad: {  	[dreg:$0x0] =	wrdreg $0x60  }
0xae: {  	[dreg:$0x2] =	wrdreg s24  }
0xaf: {  	[dreg:$0x3] =	wrdreg s2  }
0xb0: {  	[dreg:$0x4] =	wrdreg $0xD0000  }
0xb1: {  	[dreg:$0x5] =	wrdreg $0x9  }
0xb2: {  	_ =	task.clear_ibuf [dreg:s7], $0x6FFFF;
	_ =	strace $0x90000049  }
0xb3: {  	s29 =	simm.s32 $0x9;
	_ =	strace $0x8000004B  }
0xb4: {  	_ =	swait.ge [sflag:s29], $0x1  }
0xb5: {  	[sflag:s29] =	ssyncadd.s32 $0xFFFFFFFF  }
0xb6: {  	_ =	strace $0x9000004B  }
0xb7: {  	_ =	sfence  }
0xb8: {  	s30 =	sld [smem:$0x0];
	_ =	sdelay $0x2  }
0xb9: {  	s31 =	sshll.u32 s1, $0xD;
	s1 =	sshrl.u32 s1, $0x2  }
0xba: {  	s3 =	sand.u32 $0x4000, s31;
	s1 =	sadd.s32 s1, s30  }
0xbb: {  	s0 =	sor.u32 s3, s0;
	s1 =	sshll.u32 s1, $0x11  }
0xbc: {  	s0 =	sor.u32 s1, s0  }
0xbd: {  	s0 =	sadd.s32 $0x8F2B, s0  }
0xbe: {  	[sflag:s0] =	ssyncadd.remote.s32 $0x1  }
0xbf: {  	_ =	sfence.sel $0xFFFF  }
0xc0: {  	[dreg:$0x0] =	wrdreg $0xFFFFFFFF;
	(pc) =	sbr.abs _section_cstart, $3  }
0xc1: {  	[dreg:$0x1] =	wrdreg $0xFFFFFFFF  }
0xc2: {  	_ =	task.clear_ibuf [dreg:s7], $0x2FFFF;
	_ =	strace $0x9FFFFFFF  }
0xc3: {  	(tm) =	ssettm $0x7FFFFFFF  }
tec
execute0_lowered:
.L_overlay_start_1:
0x0: {  	(tag) =	ssettag $0x1  }
0x1: {  	s0 =	rddreg [dreg:$0x0]  }
0x2: {  	s1 =	srdreg.scid;
	s3 =	rddreg [dreg:$0x1]  }
0x3: {  	s2 =	rddreg [dreg:$0x2];
	s8 =	stileid.u32;
	s5 =	simm.s32 $0x0  }
0x4: {  	s12 =	simm.s32 $0x11;
	s14 =	simm.s32 $0x80;
	s15 =	simm.s32 $0x5000  }
0x5: {  	s16 =	simm.s32 $0x6000;
	s18 =	simm.s32 $0x7000;
	s20 =	simm.s32 $0x8000  }
0x6: {  	s21 =	simm.s32 $0x1;
	s28 =	simm.s32 $0x4;
	s29 =	simm.s32 $0xC000  }
0x7: {  	s30 =	simm.s32 $0x5;
	s31 =	simm.s32 $0x9;
	s13 =	simm.s32 $0x8  }
0x8: {  	s17 =	simm.s32 $0xC;
	s9 =	simm.s32 $0x0;
	s1 =	sand.u32 $0x1, s1  }
0x9: {  	[smem:$0x7FF] =	sst s5;
	s6 =	smul.u32 $0x5000, s8;
	s24 =	sshll.u32 s8, $0x6  }
0xa: {  	s4 =	sshll.u32 s1, $0x4;
	_ =	strace $0x8000004A;
	s7 =	ssub.s32 $0x2, s1  }
0xb: {  	s1 =	smul.u32 $0x50000, s1;
	s4 =	sor.u32 s8, s4;
	s23 =	sshrl.u32 s7, $0x1  }
0xc: {  	s25 =	sadd.s32 s6, s2;
	s22 =	smul.u32 $0x500, s4;
	s4 =	sadd.s32 $0x3E200, s0  }
0xd: {  	s1 =	sadd.s32 s6, s1;
	s6 =	sor.u32 $0x1C11, s24;
	s11 =	sshrl.u32 s25, $0x3  }
0xe: {  	s24 =	simm.s32 $0xA000;
	s25 =	simm.s32 $0x3;
	s1 =	sshrl.u32 s1, $0x3  }
0xf: {  	s5 =	sadd.s32 s22, s0;
	s0 =	sadd.s32 $0x48200, s0;
	s1 =	sadd.s32 s3, s1  }
.Ltmp0:
0x10: {  	s22 =	simm.s32 $0x9000;
	[dreg:$0x4] =	wrdreg s0;
	(pc) =	sbr.rel .LBB2_1-.Ltmp0, $4  }
0x11: {  	s0 =	ssub.s32 s7, s23;
	s26 =	sadd.s32 $0x2200, s5;
	[dreg:$0x7] =	wrdreg s1  }
0x12: {  	s5 =	sadd.s32 $0xC200, s5;
	s23 =	simm.s32 $0x2;
	[dreg:$0x5] =	wrdreg s26  }
0x13: {  	s1 =	simm.s32 $0xB;
	[dreg:$0x6] =	wrdreg s5;
	s0 =	smax.u32 s0, $0x1  }
0x14: {  	s26 =	simm.s32 $0xB000;
	[dreg:$0x8] =	wrdreg s0;
	s0 =	simm.s32 $0x7  }
.LBB2_4:
0x15: {  	_ =	swait.ge [sflag:s13], $0x1000  }
0x16: {  	[sflag:s13] =	ssyncset.done $0x0  }
0x17: {  	[sflag:s13] =	ssyncadd.s32 $0xFFFFF000  }
0x18: {  	[spmem:s2] =	stream.indirect.scatter.add.f32 [tilespmem:s29], [sflag:$0x10], $0x20, s19, s14, $0xb8;
	[tilespmem:$0x12000] =	vst v63  }
0x19: {  	_ =	swait.ge [sflag:s17], $0x1000  }
0x1a: {  	[sflag:s17] =	ssyncset.done $0x0  }
0x1b: {  	s3 =	simm.s32 $0xD;
	[sflag:s17] =	ssyncadd.s32 $0xFFFFF000  }
0x1c: {  	_ =	swait.ge [sflag:s3], $0x1000  }
0x1d: {  	[sflag:s3] =	ssyncset.done $0x0  }
0x1e: {  	s5 =	simm.s32 $0xE;
	[sflag:s3] =	ssyncadd.s32 $0xFFFFF000  }
0x1f: {  	_ =	swait.ge [sflag:s5], $0x1000  }
0x20: {  	[sflag:s5] =	ssyncset.done $0x0  }
0x21: {  	s7 =	simm.s32 $0xF;
	[sflag:s5] =	ssyncadd.s32 $0xFFFFF000  }
0x22: {  	_ =	swait.ge [sflag:s7], $0x1000  }
0x23: {  	[sflag:s7] =	ssyncset.done $0x0  }
0x24: {  	s8 =	simm.s32 $0x10;
	[sflag:s7] =	ssyncadd.s32 $0xFFFFF000  }
0x25: {  	_ =	swait.ge [sflag:s8], $0x1000  }
0x26: {  	[sflag:s8] =	ssyncset.done $0x0  }
0x27: {  	[sflag:s8] =	ssyncadd.s32 $0xFFFFF000  }
0x28: {  	[bflag:$0x0] =	sbarrier.arrive $0xFFFF  }
0x29: {  	s10 =	rddreg [dreg:$0x7]  }
0x2a: {  	[hbm:s10], [sflag:s6] =	dma.local [spmem:s11], $0xA00  }
0x2b: {  	_ =	swait.ge [sflag:s12], $0xA00  }
0x2c: {  	s9 =	sadd.s32 $0x1, s9;
	s19 =	rddreg [dreg:$0x8]  }
0x2d: {  	p0 =	sne.s32 s9, s19  }
.Ltmp1:
0x2e: {  	_ = 	snop;
	(pc) =	sbr.rel @!p0 .LBB2_5-.Ltmp1, $3  }
0x2f: {  	_ =	sdelay $0x1  }
0x30: {  	[sflag:s12] =	ssyncset.done $0x0  }
0x31: {  	[sflag:s12] =	ssyncadd.s32 $0xFFFFF600  }
.LBB2_1:
0x32: {  	s3 =	rddreg [dreg:$0x4]  }
0x33: {  	[spmem:s11], [sflag:s6] =	dma.local [hbm:s3], $0xA00  }
0x34: {  	_ =	swait.ge [sflag:s12], $0xA00  }
0x35: {  	[sflag:s12] =	ssyncset.done $0x0  }
0x36: {  	s19 =	simm.s32 $0x0;
	s5 =	rddreg [dreg:$0x5];
	[sflag:s12] =	ssyncadd.s32 $0xFFFFF600  }
0x37: {  	[tilespmem:s19], [sflag:$0x11] =	stream.linear.gather [hbm4b:s5+s19], $0x2800, $0x38;
	[tilespmem:$0x12000] =	vst v63  }
0x38: {  	_ =	swait.ge [sflag:s12], $0x2800  }
0x39: {  	[sflag:s12] =	ssyncset.done $0x0  }
0x3a: {  	s7 =	simm.s32 $0x2800;
	s8 =	rddreg [dreg:$0x6];
	[sflag:s12] =	ssyncadd.s32 $0xFFFFD800  }
0x3b: {  	[tilespmem:s7], [sflag:$0x11] =	stream.linear.gather [hbm4b:s8+s19], $0x2800, $0x38;
	[tilespmem:$0x12000] =	vst v63  }
0x3c: {  	_ =	swait.ge [sflag:s12], $0x2800  }
0x3d: {  	[sflag:s12] =	ssyncset.done $0x0  }
0x3e: {  	[sflag:s12] =	ssyncadd.s32 $0xFFFFD800  }
0x3f: {  	[bflag:$0x0] =	sbarrier.arrive $0xFFFF  }
0x40: {  	[tilespmem:s15], [sflag:$0x1] =	stream.indirect.gather [hbm4b:s4+s14], $0x20, s19, s14, $0xb8;
	[tilespmem:$0x12000] =	vst v63  }
0x41: {  	_ = 	snop  }
0x42: {  	[tilespmem:s16], [sflag:$0x2] =	stream.indirect.gather [hbm4b:s4+s14], $0x20, s14, s14, $0xb8;
	[tilespmem:$0x12000] =	vst v63  }
0x43: {  	s10 =	simm.s32 $0x100  }
0x44: {  	[tilespmem:s18], [sflag:$0x3] =	stream.indirect.gather [hbm4b:s4+s14], $0x20, s10, s14, $0xb8;
	[tilespmem:$0x12000] =	vst v63  }
0x45: {  	s19 =	simm.s32 $0x180;
	s10 =	simm.s32 $0x0  }
0x46: {  	[tilespmem:s20], [sflag:$0x4] =	stream.indirect.gather [hbm4b:s4+s14], $0x20, s19, s14, $0xb8;
	[tilespmem:$0x12000] =	vst v63  }
.LBB2_2:
0x47: {  	_ =	swait.ge [sflag:s21], $0x1000  }
0x48: {  	s3 =	sshra.s32 s10, $0x2;
	[sflag:s21] =	ssyncset.done $0x0  }
0x49: {  	p0 =	seq.s32 s10, $0x0;
	s19 =	sadd.s32 $0x2800, s3;
	[sflag:s21] =	ssyncadd.s32 $0xFFFFF000  }
0x4a: {  	[spmem:s2] =	stream.indirect.scatter.add.f32 [tilespmem:s15], [sflag:$0x9], $0x20, s19, s14, $0xb8;
	[tilespmem:$0x12000] =	vst v63  }
0x4b: {  	s19 =	simm.s32 @!p0 $0xD  }
0x4c: {  	_ =	swait.ge @!p0 [sflag:s19], $0x1000  }
0x4d: {  	[sflag:s19] =	ssyncset.done @!p0 $0x0  }
0x4e: {  	s7 =	sadd.s32 $0x200, s3;
	[sflag:s19] =	ssyncadd.s32 @!p0 $0xFFFFF000  }
0x4f: {  	[tilespmem:s22], [sflag:$0x5] =	stream.indirect.gather [hbm4b:s4+s14], $0x20, s7, s14, $0xb8;
	[tilespmem:$0x12000] =	vst v63  }
0x50: {  	_ =	swait.ge [sflag:s23], $0x1000  }
0x51: {  	[sflag:s23] =	ssyncset.done $0x0  }
0x52: {  	s8 =	sadd.s32 $0x2880, s3;
	s19 =	simm.s32 @!p0 $0xE;
	[sflag:s23] =	ssyncadd.s32 $0xFFFFF000  }
0x53: {  	[spmem:s2] =	stream.indirect.scatter.add.f32 [tilespmem:s16], [sflag:$0xA], $0x20, s8, s14, $0xb8;
	[tilespmem:$0x12000] =	vst v63  }
0x54: {  	_ =	swait.ge @!p0 [sflag:s19], $0x1000  }
0x55: {  	[sflag:s19] =	ssyncset.done @!p0 $0x0  }
0x56: {  	s5 =	sadd.s32 $0x280, s3;
	[sflag:s19] =	ssyncadd.s32 @!p0 $0xFFFFF000  }
0x57: {  	[tilespmem:s24], [sflag:$0x6] =	stream.indirect.gather [hbm4b:s4+s14], $0x20, s5, s14, $0xb8;
	[tilespmem:$0x12000] =	vst v63  }
0x58: {  	_ =	swait.ge [sflag:s25], $0x1000  }
0x59: {  	[sflag:s25] =	ssyncset.done $0x0  }
0x5a: {  	s7 =	sadd.s32 $0x2900, s3;
	s19 =	simm.s32 @!p0 $0xF;
	[sflag:s25] =	ssyncadd.s32 $0xFFFFF000  }
0x5b: {  	[spmem:s2] =	stream.indirect.scatter.add.f32 [tilespmem:s18], [sflag:$0xB], $0x20, s7, s14, $0xb8;
	[tilespmem:$0x12000] =	vst v63  }
0x5c: {  	_ =	swait.ge @!p0 [sflag:s19], $0x1000  }
0x5d: {  	[sflag:s19] =	ssyncset.done @!p0 $0x0  }
0x5e: {  	s8 =	sadd.s32 $0x300, s3;
	[sflag:s19] =	ssyncadd.s32 @!p0 $0xFFFFF000  }
0x5f: {  	[tilespmem:s26], [sflag:$0x7] =	stream.indirect.gather [hbm4b:s4+s14], $0x20, s8, s14, $0xb8;
	[tilespmem:$0x12000] =	vst v63  }
0x60: {  	_ =	swait.ge [sflag:s28], $0x1000  }
0x61: {  	[sflag:s28] =	ssyncset.done $0x0  }
0x62: {  	s5 =	sadd.s32 $0x2980, s3;
	s19 =	simm.s32 @!p0 $0x10;
	[sflag:s28] =	ssyncadd.s32 $0xFFFFF000  }
0x63: {  	[spmem:s2] =	stream.indirect.scatter.add.f32 [tilespmem:s20], [sflag:$0xC], $0x20, s5, s14, $0xb8;
	[tilespmem:$0x12000] =	vst v63  }
0x64: {  	_ =	swait.ge @!p0 [sflag:s19], $0x1000  }
0x65: {  	[sflag:s19] =	ssyncset.done @!p0 $0x0  }
0x66: {  	s7 =	sadd.s32 $0x380, s3;
	[sflag:s19] =	ssyncadd.s32 @!p0 $0xFFFFF000  }
0x67: {  	[tilespmem:s29], [sflag:$0x8] =	stream.indirect.gather [hbm4b:s4+s14], $0x20, s7, s14, $0xb8;
	[tilespmem:$0x12000] =	vst v63  }
0x68: {  	_ =	swait.ge [sflag:s30], $0x1000  }
0x69: {  	[sflag:s30] =	ssyncset.done $0x0  }
0x6a: {  	s8 =	sadd.s32 $0x2A00, s3;
	[sflag:s30] =	ssyncadd.s32 $0xFFFFF000  }
0x6b: {  	[spmem:s2] =	stream.indirect.scatter.add.f32 [tilespmem:s22], [sflag:$0xD], $0x20, s8, s14, $0xb8;
	[tilespmem:$0x12000] =	vst v63  }
0x6c: {  	_ =	swait.ge [sflag:s31], $0x1000  }
0x6d: {  	p0 =	seq.s32 s10, $0x9000;
	[sflag:s31] =	ssyncset.done $0x0  }
0x6e: {  	s19 =	simm.s32 @p0 $0x6;
	[sflag:s31] =	ssyncadd.s32 $0xFFFFF000  }
0x6f: {  	_ =	swait.ge @p0 [sflag:s19], $0x1000  }
0x70: {  	[sflag:s19] =	ssyncset.done @p0 $0x0  }
0x71: {  	[sflag:s19] =	ssyncadd.s32 @p0 $0xFFFFF000;
	s19 =	sshra.s32 @p0 s10, $0x2  }
0x72: {  	s5 =	simm.s32 @p0 $0x80;
	s7 =	simm.s32 @p0 $0xA000;
	s19 =	sadd.s32 @p0 $0x2A80, s19  }
0x73: {  	[spmem:s2] =	stream.indirect.scatter.add.f32 @p0 [tilespmem:s7], [sflag:$0xE], $0x20, s19, s5, $0xb8;
	[tilespmem:$0x12000] =	vst v63  }
0x74: {  	s5 =	simm.s32 @p0 $0xA  }
0x75: {  	_ =	swait.ge @p0 [sflag:s5], $0x1000  }
0x76: {  	[sflag:s5] =	ssyncset.done @p0 $0x0  }
0x77: {  	[sflag:s5] =	ssyncadd.s32 @p0 $0xFFFFF000;
	s5 =	sshra.s32 @!p0 s10, $0x2  }
0x78: {  	s8 =	simm.s32 @!p0 $0x5000;
	s19 =	simm.s32 @!p0 $0x80;
	s7 =	sadd.s32 @!p0 $0x400, s5  }
0x79: {  	[tilespmem:s8], [sflag:$0x1] =	stream.indirect.gather @!p0 [hbm4b:s4+s19], $0x20, s7, s19, $0xb8;
	[tilespmem:$0x12000] =	vst v63  }
0x7a: {  	s7 =	simm.s32 @!p0 $0x6  }
0x7b: {  	_ =	swait.ge @!p0 [sflag:s7], $0x1000  }
0x7c: {  	[sflag:s7] =	ssyncset.done @!p0 $0x0  }
0x7d: {  	s8 =	simm.s32 @!p0 $0xA000;
	[sflag:s7] =	ssyncadd.s32 @!p0 $0xFFFFF000;
	s7 =	sadd.s32 @!p0 $0x2A80, s5  }
0x7e: {  	[spmem:s2] =	stream.indirect.scatter.add.f32 @!p0 [tilespmem:s8], [sflag:$0xE], $0x20, s7, s19, $0xb8;
	[tilespmem:$0x12000] =	vst v63  }
0x7f: {  	s7 =	simm.s32 @!p0 $0xA  }
0x80: {  	_ =	swait.ge @!p0 [sflag:s7], $0x1000  }
0x81: {  	[sflag:s7] =	ssyncset.done @!p0 $0x0  }
0x82: {  	s5 =	sadd.s32 @!p0 $0x480, s5;
	[sflag:s7] =	ssyncadd.s32 @!p0 $0xFFFFF000;
	s7 =	simm.s32 @!p0 $0x6000  }
0x83: {  	[tilespmem:s7], [sflag:$0x2] =	stream.indirect.gather @!p0 [hbm4b:s4+s19], $0x20, s5, s19, $0xb8;
	[tilespmem:$0x12000] =	vst v63  }
0x84: {  	_ =	swait.ge [sflag:s0], $0x1000  }
0x85: {  	[sflag:s0] =	ssyncset.done $0x0  }
.Ltmp2:
0x86: {  	s19 =	sadd.s32 $0x2B00, s3;
	[sflag:s0] =	ssyncadd.s32 $0xFFFFF000;
	(pc) =	sbr.rel @p0 .LBB2_4-.Ltmp2, $4  }
0x87: {  	[spmem:s2] =	stream.indirect.scatter.add.f32 [tilespmem:s26], [sflag:$0xF], $0x20, s19, s14, $0xb8;
	[tilespmem:$0x12000] =	vst v63  }
0x88: {  	_ =	swait.ge [sflag:s1], $0x1000  }
0x89: {  	[sflag:s1] =	ssyncset.done $0x0  }
0x8a: {  	s19 =	sadd.s32 $0x2B80, s3;
	[sflag:s1] =	ssyncadd.s32 $0xFFFFF000  }
0x8b: {  	s5 =	sadd.s32 $0x500, s3  }
0x8c: {  	[tilespmem:s18], [sflag:$0x3] =	stream.indirect.gather [hbm4b:s4+s14], $0x20, s5, s14, $0xb8;
	[tilespmem:$0x12000] =	vst v63  }
0x8d: {  	_ =	swait.ge [sflag:s13], $0x1000  }
0x8e: {  	[sflag:s13] =	ssyncset.done $0x0  }
0x8f: {  	[sflag:s13] =	ssyncadd.s32 $0xFFFFF000  }
0x90: {  	[spmem:s2] =	stream.indirect.scatter.add.f32 [tilespmem:s29], [sflag:$0x10], $0x20, s19, s14, $0xb8;
	[tilespmem:$0x12000] =	vst v63  }
.Ltmp3:
0x91: {  	_ = 	snop;
	(pc) =	sbr.rel .LBB2_2-.Ltmp3, $4  }
0x92: {  	_ =	swait.ge [sflag:s17], $0x1000  }
0x93: {  	[sflag:s17] =	ssyncset.done $0x0  }
0x94: {  	s10 =	sadd.s32 $0x1000, s10;
	s19 =	sadd.s32 $0x580, s3;
	[sflag:s17] =	ssyncadd.s32 $0xFFFFF000  }
0x95: {  	[tilespmem:s20], [sflag:$0x4] =	stream.indirect.gather [hbm4b:s4+s14], $0x20, s19, s14, $0xb8;
	[tilespmem:$0x12000] =	vst v63  }
.LBB2_5:
0x96: {  	_ =	sfence.sel $0x180000  }
0x97: {  	[bflag:$0x0] =	sbarrier.arrive $0xFFFF  }
0x98: {  	_ =	strace $0x9000004A  }
0x99: {  	s0 =	stileid.u32;
	[bflag:$0x2] =	sbarrier.arrive $0xFFFF  }
0x9a: {  	p0 =	sne.s32 s0, $0x0;
	s0 =	rddreg [dreg:$0x3]  }
0x9b: {  	s0 =	sadd.s32 @!p0 $0x100000, s0  }
0x9c: {  	[sflag:s0] =	ssyncadd.tile.s32 @!p0 $0x1;
	_ =	shalt  }
.Lfunc_end2:
_tile_overlayer_lowered:
.L_overlay_start_2:
0x9d: {  	(tag) =	ssettag $0x2  }
0x9e: {  	s0 =	rddreg [dreg:$0x0];
	s2 =	stileid.u32  }
0x9f: {  	s1 =	rddreg [dreg:$0x1];
	p0 =	sne.s32 s2, $0x0  }
0xa0: {  	s3 =	rddreg [dreg:$0x2];
	[bflag:$0x3] =	sbarrier.arrive $0xFFFF;
	s2 =	simm.s32 @!p0 $0x1C11  }
0xa1: {  	[timem:s3], [sflag:s2] =	dma.local @!p0 [hbm:s0], s1  }
0xa2: {  	s0 =	simm.s32 @!p0 $0x11  }
0xa3: {  	_ =	swait.ge @!p0 [sflag:s0], s1  }
0xa4: {  	s1 =	ssub.s32 @!p0 $0x0, s1;
	[sflag:s0] =	ssyncset.done @!p0 $0x0  }
0xa5: {  	[sflag:s0] =	ssyncadd.s32 @!p0 s1  }
0xa6: {  	[bflag:$0x3] =	sbarrier.arrive $0xFFFF  }
0xa7: {  	_ =	shalt  }

// kernel: kernel.14.cloned.1.call-start
scs
__scs_entry_jumppad:
0x0: {  	(pc) =	sbr.rel $0x88, $3  }
0x1: {  	(tag) =	ssettag $0x0;
	lr =	simm.s32 $0x1  }
0x2: {  	[smem:$0x3F9B] =	sst lr;
	_ =	strace $0xD0000000  }
0x3: {  	_ = 	snop  }
0x4: {  	_ = 	snop  }
0x5: {  	_ = 	snop  }
0x6: {  	_ = 	snop  }
0x7: {  	_ = 	snop  }
__scs_overlays_trampoline_lowered:
0x8: {  	[smem:$0x3FAA] =	sst s0  }
0x9: {  	[smem:$0x3FAB] =	sst s1  }
0xa: {  	[smem:$0x3FAC] =	sst s2  }
0xb: {  	[smem:$0x3FAD] =	sst s3  }
0xc: {  	[smem:$0x3FAE] =	sst s4  }
0xd: {  	[smem:$0x3FAF] =	sst s5  }
0xe: {  	[smem:$0x3FB0] =	sst s6  }
0xf: {  	[smem:$0x3FB1] =	sst s7  }
0x10: {  	[smem:$0x3FB2] =	sst s8  }
0x11: {  	[smem:$0x3FB3] =	sst s9;
	s0 =	simm.s32 @!p0 $0x0  }
0x12: {  	s1 =	sld [smem:$0x3F99];
	s0 =	simm.s32 @p0 $0x1  }
0x13: {  	[smem:$0x3FB4] =	sst s0;
	s0 =	simm.s32 @!p1 $0x0  }
0x14: {  	s2 =	sld [smem:$0x3F98];
	s0 =	simm.s32 @p1 $0x1  }
0x15: {  	[smem:$0x3FB5] =	sst s0;
	s0 =	simm.s32 @!p2 $0x0  }
0x16: {  	s3 =	sld [smem:$0x3FDB];
	s0 =	simm.s32 @p2 $0x1  }
0x17: {  	s4 =	simm.s32 $0x1BF5;
	[smem:$0x3FB7] =	sst s0  }
0x18: {  	s0 =	sld [smem:$0x3F9A];
	_ =	swait.ge [sflag:s4], $0x0  }
0x19: {  	s7 =	sld [smem:$0x3F9B]  }
0x1a: {  	s8 =	sadd.s32 $0xFFFFE003, lr  }
0x1b: {  	s9 =	sadd.s32 $0xFFFFFEF7, lr;
	s5 =	simm.s32 $0xFFFFFFFF;
	p2 =	slt.u32 s8, $0xFFFFF086  }
0x1c: {  	p1 =	slt.u32 s9, $0xF7A;
	s5 =	simm.s32 @!p2 $0x0  }
0x1d: {  	s5 =	simm.s32 @p1 $0x1;
	p0 =	seq.s32 s7, s2  }
0x1e: {  	s7 =	smul.u32 @!p0 $0xF7A, s2;
	p2 =	seq.s32 @!p0 s5, $0x0  }
0x1f: {  	s9 =	smul.u32 $0xF7A, s1;
	s8 =	simm.s32 @!p0 $0x1BF5;
	p2 =	por !p2, p0  }
0x20: {  	[sflag:s8] =	ssyncset.s32 @!p0 $0xFFFFF086;
	s6 =	sadd.s32 @!p0 s3, s7;
	s7 =	simm.s32 @!p0 $0x108  }
0x21: {  	s3 =	sadd.s32 s3, s9;
	s6 =	sadd.s32 @!p0 $0x88, s6;
	s7 =	simm.s32 @p2 $0x1082  }
0x22: {  	[simem:s7], [sflag:s8] =	dma.local @!p0 [hbm:s6], $0xF7A  }
0x23: {  	s9 =	sor.u32 $0xD0000000, s2;
	s6 =	simm.s32 $0x108;
	_ =	swait.ge @!p0 [sflag:s8], $0x0  }
0x24: {  	s3 =	sadd.s32 $0x88, s3;
	s6 =	simm.s32 @!p1 $0x1082;
	[sflag:s4] =	ssyncset.s32 $0xFFFFF086  }
0x25: {  	[simem:s6], [sflag:s4] =	dma.local [hbm:s3], $0xF7A  }
0x26: {  	[smem:$0x3F9B] =	sst s1;
	(tag) =	ssettag s2;
	_ =	strace s9  }
0x27: {  	s1 =	sld [smem:$0x3FAB]  }
0x28: {  	s2 =	sld [smem:$0x3FAC]  }
0x29: {  	s4 =	sld [smem:$0x3FAE]  }
0x2a: {  	p0 =	seq.s32 s5, $0x0;
	s5 =	sld [smem:$0x3FAF]  }
0x2b: {  	s6 =	sld [smem:$0x3FB0]  }
0x2c: {  	s7 =	sld [smem:$0x3FB1]  }
0x2d: {  	s3 =	simm.s32 $0x108;
	s8 =	sld [smem:$0x3FB2]  }
0x2e: {  	s3 =	simm.s32 @!p0 $0x1082;
	s9 =	sld [smem:$0x3FB3]  }
0x2f: {  	lr =	sadd.s32 s0, s3;
	s0 =	sld [smem:$0x3FAA]  }
0x30: {  	s3 =	sld [smem:$0x3FAD]  }
0x31: {  	[smem:$0x3FB6] =	sst s10  }
0x32: {  	s10 =	sld [smem:$0x3FB4];
	_ =	sdelay $0x3  }
0x33: {  	p0 =	seq.s32 s10, $0x1;
	s10 =	sld [smem:$0x3FB6];
	_ =	sdelay $0x3  }
0x34: {  	[smem:$0x3FB6] =	sst s10  }
0x35: {  	s10 =	sld [smem:$0x3FB5];
	_ =	sdelay $0x3  }
0x36: {  	p1 =	seq.s32 s10, $0x1;
	s10 =	sld [smem:$0x3FB6];
	_ =	sdelay $0x3  }
0x37: {  	[smem:$0x3FB6] =	sst s10  }
0x38: {  	s10 =	sld [smem:$0x3FB7]  }
0x39: {  	_ = 	snop;
	(pc) =	sbr.ind lr, $3  }
0x3a: {  	_ = 	snop  }
0x3b: {  	_ = 	snop  }
0x3c: {  	p2 =	seq.s32 s10, $0x1;
	s10 =	sld [smem:$0x3FB6]  }
0x3d: {  	_ =	shalt  }
0x3e: {  	_ =	shalt  }
0x3f: {  	_ =	shalt  }
0x40: {  	_ =	shalt  }
0x41: {  	_ =	shalt  }
0x42: {  	_ =	shalt  }
0x43: {  	_ =	shalt  }
0x44: {  	_ =	shalt  }
0x45: {  	_ =	shalt  }
0x46: {  	_ =	shalt  }
0x47: {  	_ =	shalt  }
0x48: {  	_ =	shalt  }
0x49: {  	_ =	shalt  }
0x4a: {  	_ =	shalt  }
0x4b: {  	_ =	shalt  }
0x4c: {  	_ =	shalt  }
0x4d: {  	_ =	shalt  }
0x4e: {  	_ =	shalt  }
0x4f: {  	_ =	shalt  }
0x50: {  	_ =	shalt  }
0x51: {  	_ =	shalt  }
0x52: {  	_ =	shalt  }
0x53: {  	_ =	shalt  }
0x54: {  	_ =	shalt  }
0x55: {  	_ =	shalt  }
0x56: {  	_ =	shalt  }
0x57: {  	_ =	shalt  }
0x58: {  	_ =	shalt  }
0x59: {  	_ =	shalt  }
0x5a: {  	_ =	shalt  }
0x5b: {  	_ =	shalt  }
0x5c: {  	_ =	shalt  }
0x5d: {  	_ =	shalt  }
0x5e: {  	_ =	shalt  }
0x5f: {  	_ =	shalt  }
0x60: {  	_ =	shalt  }
0x61: {  	_ =	shalt  }
0x62: {  	_ =	shalt  }
0x63: {  	_ =	shalt  }
0x64: {  	_ =	shalt  }
0x65: {  	_ =	shalt  }
0x66: {  	_ =	shalt  }
0x67: {  	_ =	shalt  }
0x68: {  	_ =	shalt  }
0x69: {  	_ =	shalt  }
0x6a: {  	_ =	shalt  }
0x6b: {  	_ =	shalt  }
0x6c: {  	_ =	shalt  }
0x6d: {  	_ =	shalt  }
0x6e: {  	_ =	shalt  }
0x6f: {  	_ =	shalt  }
0x70: {  	_ =	shalt  }
0x71: {  	_ =	shalt  }
0x72: {  	_ =	shalt  }
0x73: {  	_ =	shalt  }
0x74: {  	_ =	shalt  }
0x75: {  	_ =	shalt  }
0x76: {  	_ =	shalt  }
0x77: {  	_ =	shalt  }
0x78: {  	_ =	shalt  }
0x79: {  	_ =	shalt  }
0x7a: {  	_ =	shalt  }
0x7b: {  	_ =	shalt  }
0x7c: {  	_ =	shalt  }
0x7d: {  	_ =	shalt  }
0x7e: {  	_ =	shalt  }
0x7f: {  	_ =	shalt  }
0x80: {  	_ =	shalt  }
0x81: {  	_ =	shalt  }
0x82: {  	_ =	shalt  }
0x83: {  	_ =	shalt  }
0x84: {  	_ =	shalt  }
0x85: {  	_ =	shalt  }
0x86: {  	_ =	shalt  }
0x87: {  	_ =	shalt  }
.Lfunc_end0:
.L_simem_size_0:
called_computation.2_lowered:
.L_overlay_start_0:
0x88: {  	s2 =	sld [smem:$0x3FD9]  }
0x89: {  	s3 =	sld [smem:$0x3FFE];
	_ =	sdelay $0x1  }
0x8a: {  	s1 =	srdreg.scid  }
0x8b: {  	s0 =	sand.u32 $0x1, s1  }
0x8c: {  	s17 =	sshll.u32 s0, $0xA;
	s2 =	sadd.s32 s3, s2  }
0x8d: {  	s2 =	sadd.s32 s2, s17  }
0x8e: {  	[smem:$0x3FC2] =	sst s2  }
0x8f: {  	_ = 	snop  }
0x90: {  	s2 =	sld [smem:$0x3FD0];
	(tm) =	ssettm $0x1  }
0x91: {  	s18 =	sld [smem:$0x3FFB];
	_ =	sdelay $0x3  }
0x92: {  	_ =	strace s18  }
0x93: {  	s3 =	sld [smem:$0x3FFC];
	_ =	sdelay $0x3  }
0x94: {  	_ =	strace s3  }
0x95: {  	s3 =	sld [smem:$0x3FFD];
	_ =	sdelay $0x3  }
0x96: {  	_ =	strace s3  }
0x97: {  	_ =	strace $0x8FFFFFFF  }
0x98: {  	s19 =	sld [smem:$0x3FDB];
	_ =	sdelay $0x1  }
0x99: {  	s4 =	simm.s32 $_scs_section_size  }
0x9a: {  	s5 =	simm.s32 $_size__tile_overlayer_lowered;
	s6 =	simm.s32 $_tile_overlayer_lowered  }
0x9b: {  	s22 =	simm.s32 $0x1BFF;
	s21 =	sshll.u32 s6, $0x1;
	s3 =	sadd.s32 s4, s19  }
0x9c: {  	s7 =	simm.s32 $0x0;
	s20 =	sshll.u32 s5, $0x1;
	s5 =	sadd.s32 s21, s3  }
0x9d: {  	[timem:s7], [sflag:s22] =	dma.local [hbm:s5], s20  }
0x9e: {  	_ =	swait.ge [sflag:s22], s20  }
0x9f: {  	s4 =	ssub.s32 $0x0, s20;
	[sflag:s22] =	ssyncset.done $0x0  }
0xa0: {  	[sflag:s22] =	ssyncadd.s32 s4;
	_ =	sdelay $0x1  }
0xa1: {  	s23 =	simm.s32 $0x1B8B  }
0xa2: {  	_ =	swait.ge [sflag:s23], $0x1  }
0xa3: {  	[sflag:s23] =	ssyncset.done $0x0  }
0xa4: {  	s25 =	simm.s32 $0x1B8E;
	s24 =	sld [smem:$0x3FFE];
	[sflag:s23] =	ssyncadd.s32 $0xFFFFFFFF  }
0xa5: {  	s26 =	simm.s32 $execute0_lowered;
	[smem:$0x3FD2] =	sst s25  }
0xa6: {  	s5 =	sshll.u32 s26, $0x1;
	_ =	strace $0x8000004C;
	[dreg:$0x1] =	wrdreg $0xFFFFFFFF  }
0xa7: {  	s28 =	simm.s32 $_size_execute0_lowered;
	s3 =	sadd.s32 s3, s5;
	[dreg:$0x0] =	wrdreg $0x0  }
0xa8: {  	s5 =	sshll.u32 s28, $0x1;
	[dreg:$0x2] =	wrdreg s3  }
0xa9: {  	[dreg:$0x3] =	wrdreg s5  }
0xaa: {  	[dreg:$0x4] =	wrdreg $0xC0  }
0xab: {  	_ =	task [dreg:s7], $0x5FFFF  }
0xac: {  	[dreg:$0x1] =	wrdreg $0xFFFFFFFF  }
0xad: {  	[dreg:$0x0] =	wrdreg $0x60  }
0xae: {  	[dreg:$0x2] =	wrdreg s24  }
0xaf: {  	[dreg:$0x3] =	wrdreg s2  }
0xb0: {  	[dreg:$0x4] =	wrdreg $0xD0000  }
0xb1: {  	[dreg:$0x5] =	wrdreg $0x9  }
0xb2: {  	_ =	task.clear_ibuf [dreg:s7], $0x6FFFF;
	_ =	strace $0x9000004C  }
0xb3: {  	s29 =	simm.s32 $0x9;
	_ =	strace $0x8000004E  }
0xb4: {  	_ =	swait.ge [sflag:s29], $0x1  }
0xb5: {  	[sflag:s29] =	ssyncadd.s32 $0xFFFFFFFF  }
0xb6: {  	_ =	strace $0x9000004E  }
0xb7: {  	_ =	sfence  }
0xb8: {  	s30 =	sld [smem:$0x0];
	_ =	sdelay $0x2  }
0xb9: {  	s31 =	sshll.u32 s1, $0xD;
	s1 =	sshrl.u32 s1, $0x2  }
0xba: {  	s3 =	sand.u32 $0x4000, s31;
	s1 =	sadd.s32 s1, s30  }
0xbb: {  	s0 =	sor.u32 s3, s0;
	s1 =	sshll.u32 s1, $0x11  }
0xbc: {  	s0 =	sor.u32 s1, s0  }
0xbd: {  	s0 =	sadd.s32 $0x8F2B, s0  }
0xbe: {  	[sflag:s0] =	ssyncadd.remote.s32 $0x1  }
0xbf: {  	_ =	sfence.sel $0xFFFF  }
0xc0: {  	[dreg:$0x0] =	wrdreg $0xFFFFFFFF;
	(pc) =	sbr.abs _section_cstart, $3  }
0xc1: {  	[dreg:$0x1] =	wrdreg $0xFFFFFFFF  }
0xc2: {  	_ =	task.clear_ibuf [dreg:s7], $0x2FFFF;
	_ =	strace $0x9FFFFFFF  }
0xc3: {  	(tm) =	ssettm $0x7FFFFFFF  }
tec
execute0_lowered:
.L_overlay_start_1:
0x0: {  	(tag) =	ssettag $0x1  }
0x1: {  	s0 =	rddreg [dreg:$0x0]  }
0x2: {  	s1 =	srdreg.scid;
	s3 =	rddreg [dreg:$0x1]  }
0x3: {  	s2 =	rddreg [dreg:$0x2];
	s8 =	stileid.u32;
	s5 =	simm.s32 $0x0  }
0x4: {  	s12 =	simm.s32 $0x11;
	s14 =	simm.s32 $0x80;
	s15 =	simm.s32 $0x5000  }
0x5: {  	s16 =	simm.s32 $0x6000;
	s18 =	simm.s32 $0x7000;
	s20 =	simm.s32 $0x8000  }
0x6: {  	s21 =	simm.s32 $0x1;
	s28 =	simm.s32 $0x4;
	s29 =	simm.s32 $0xC000  }
0x7: {  	s30 =	simm.s32 $0x5;
	s31 =	simm.s32 $0x9;
	s13 =	simm.s32 $0x8  }
0x8: {  	s17 =	simm.s32 $0xC;
	s9 =	simm.s32 $0x0;
	s1 =	sand.u32 $0x1, s1  }
0x9: {  	[smem:$0x7FF] =	sst s5;
	s6 =	smul.u32 $0x5000, s8;
	s24 =	sshll.u32 s8, $0x6  }
0xa: {  	s4 =	sshll.u32 s1, $0x4;
	_ =	strace $0x8000004D;
	s7 =	ssub.s32 $0x2, s1  }
0xb: {  	s1 =	smul.u32 $0x50000, s1;
	s4 =	sor.u32 s8, s4;
	s23 =	sshrl.u32 s7, $0x1  }
0xc: {  	s25 =	sadd.s32 s6, s2;
	s22 =	smul.u32 $0x500, s4;
	s4 =	sadd.s32 $0x3E200, s0  }
0xd: {  	s1 =	sadd.s32 s6, s1;
	s6 =	sor.u32 $0x1C11, s24;
	s11 =	sshrl.u32 s25, $0x3  }
0xe: {  	s24 =	simm.s32 $0xA000;
	s25 =	simm.s32 $0x3;
	s1 =	sshrl.u32 s1, $0x3  }
0xf: {  	s5 =	sadd.s32 s22, s0;
	s0 =	sadd.s32 $0x48200, s0;
	s1 =	sadd.s32 s3, s1  }
.Ltmp0:
0x10: {  	s22 =	simm.s32 $0x9000;
	[dreg:$0x4] =	wrdreg s0;
	(pc) =	sbr.rel .LBB2_1-.Ltmp0, $4  }
0x11: {  	s0 =	ssub.s32 s7, s23;
	s26 =	sadd.s32 $0x2200, s5;
	[dreg:$0x7] =	wrdreg s1  }
0x12: {  	s5 =	sadd.s32 $0xC200, s5;
	s23 =	simm.s32 $0x2;
	[dreg:$0x5] =	wrdreg s26  }
0x13: {  	s1 =	simm.s32 $0xB;
	[dreg:$0x6] =	wrdreg s5;
	s0 =	smax.u32 s0, $0x1  }
0x14: {  	s26 =	simm.s32 $0xB000;
	[dreg:$0x8] =	wrdreg s0;
	s0 =	simm.s32 $0x7  }
.LBB2_4:
0x15: {  	_ =	swait.ge [sflag:s13], $0x1000  }
0x16: {  	[sflag:s13] =	ssyncset.done $0x0  }
0x17: {  	[sflag:s13] =	ssyncadd.s32 $0xFFFFF000  }
0x18: {  	[spmem:s2] =	stream.indirect.scatter.add.f32 [tilespmem:s29], [sflag:$0x10], $0x20, s19, s14, $0xb8;
	[tilespmem:$0x12000] =	vst v63  }
0x19: {  	_ =	swait.ge [sflag:s17], $0x1000  }
0x1a: {  	[sflag:s17] =	ssyncset.done $0x0  }
0x1b: {  	s3 =	simm.s32 $0xD;
	[sflag:s17] =	ssyncadd.s32 $0xFFFFF000  }
0x1c: {  	_ =	swait.ge [sflag:s3], $0x1000  }
0x1d: {  	[sflag:s3] =	ssyncset.done $0x0  }
0x1e: {  	s5 =	simm.s32 $0xE;
	[sflag:s3] =	ssyncadd.s32 $0xFFFFF000  }
0x1f: {  	_ =	swait.ge [sflag:s5], $0x1000  }
0x20: {  	[sflag:s5] =	ssyncset.done $0x0  }
0x21: {  	s7 =	simm.s32 $0xF;
	[sflag:s5] =	ssyncadd.s32 $0xFFFFF000  }
0x22: {  	_ =	swait.ge [sflag:s7], $0x1000  }
0x23: {  	[sflag:s7] =	ssyncset.done $0x0  }
0x24: {  	s8 =	simm.s32 $0x10;
	[sflag:s7] =	ssyncadd.s32 $0xFFFFF000  }
0x25: {  	_ =	swait.ge [sflag:s8], $0x1000  }
0x26: {  	[sflag:s8] =	ssyncset.done $0x0  }
0x27: {  	[sflag:s8] =	ssyncadd.s32 $0xFFFFF000  }
0x28: {  	[bflag:$0x0] =	sbarrier.arrive $0xFFFF  }
0x29: {  	s10 =	rddreg [dreg:$0x7]  }
0x2a: {  	[hbm:s10], [sflag:s6] =	dma.local [spmem:s11], $0xA00  }
0x2b: {  	_ =	swait.ge [sflag:s12], $0xA00  }
0x2c: {  	s9 =	sadd.s32 $0x1, s9;
	s19 =	rddreg [dreg:$0x8]  }
0x2d: {  	p0 =	sne.s32 s9, s19  }
.Ltmp1:
0x2e: {  	_ = 	snop;
	(pc) =	sbr.rel @!p0 .LBB2_5-.Ltmp1, $3  }
0x2f: {  	_ =	sdelay $0x1  }
0x30: {  	[sflag:s12] =	ssyncset.done $0x0  }
0x31: {  	[sflag:s12] =	ssyncadd.s32 $0xFFFFF600  }
.LBB2_1:
0x32: {  	s3 =	rddreg [dreg:$0x4]  }
0x33: {  	[spmem:s11], [sflag:s6] =	dma.local [hbm:s3], $0xA00  }
0x34: {  	_ =	swait.ge [sflag:s12], $0xA00  }
0x35: {  	[sflag:s12] =	ssyncset.done $0x0  }
0x36: {  	s19 =	simm.s32 $0x0;
	s5 =	rddreg [dreg:$0x5];
	[sflag:s12] =	ssyncadd.s32 $0xFFFFF600  }
0x37: {  	[tilespmem:s19], [sflag:$0x11] =	stream.linear.gather [hbm4b:s5+s19], $0x2800, $0x38;
	[tilespmem:$0x12000] =	vst v63  }
0x38: {  	_ =	swait.ge [sflag:s12], $0x2800  }
0x39: {  	[sflag:s12] =	ssyncset.done $0x0  }
0x3a: {  	s7 =	simm.s32 $0x2800;
	s8 =	rddreg [dreg:$0x6];
	[sflag:s12] =	ssyncadd.s32 $0xFFFFD800  }
0x3b: {  	[tilespmem:s7], [sflag:$0x11] =	stream.linear.gather [hbm4b:s8+s19], $0x2800, $0x38;
	[tilespmem:$0x12000] =	vst v63  }
0x3c: {  	_ =	swait.ge [sflag:s12], $0x2800  }
0x3d: {  	[sflag:s12] =	ssyncset.done $0x0  }
0x3e: {  	[sflag:s12] =	ssyncadd.s32 $0xFFFFD800  }
0x3f: {  	[bflag:$0x0] =	sbarrier.arrive $0xFFFF  }
0x40: {  	[tilespmem:s15], [sflag:$0x1] =	stream.indirect.gather [hbm4b:s4+s14], $0x20, s19, s14, $0xb8;
	[tilespmem:$0x12000] =	vst v63  }
0x41: {  	_ = 	snop  }
0x42: {  	[tilespmem:s16], [sflag:$0x2] =	stream.indirect.gather [hbm4b:s4+s14], $0x20, s14, s14, $0xb8;
	[tilespmem:$0x12000] =	vst v63  }
0x43: {  	s10 =	simm.s32 $0x100  }
0x44: {  	[tilespmem:s18], [sflag:$0x3] =	stream.indirect.gather [hbm4b:s4+s14], $0x20, s10, s14, $0xb8;
	[tilespmem:$0x12000] =	vst v63  }
0x45: {  	s19 =	simm.s32 $0x180;
	s10 =	simm.s32 $0x0  }
0x46: {  	[tilespmem:s20], [sflag:$0x4] =	stream.indirect.gather [hbm4b:s4+s14], $0x20, s19, s14, $0xb8;
	[tilespmem:$0x12000] =	vst v63  }
.LBB2_2:
0x47: {  	_ =	swait.ge [sflag:s21], $0x1000  }
0x48: {  	s3 =	sshra.s32 s10, $0x2;
	[sflag:s21] =	ssyncset.done $0x0  }
0x49: {  	p0 =	seq.s32 s10, $0x0;
	s19 =	sadd.s32 $0x2800, s3;
	[sflag:s21] =	ssyncadd.s32 $0xFFFFF000  }
0x4a: {  	[spmem:s2] =	stream.indirect.scatter.add.f32 [tilespmem:s15], [sflag:$0x9], $0x20, s19, s14, $0xb8;
	[tilespmem:$0x12000] =	vst v63  }
0x4b: {  	s19 =	simm.s32 @!p0 $0xD  }
0x4c: {  	_ =	swait.ge @!p0 [sflag:s19], $0x1000  }
0x4d: {  	[sflag:s19] =	ssyncset.done @!p0 $0x0  }
0x4e: {  	s7 =	sadd.s32 $0x200, s3;
	[sflag:s19] =	ssyncadd.s32 @!p0 $0xFFFFF000  }
0x4f: {  	[tilespmem:s22], [sflag:$0x5] =	stream.indirect.gather [hbm4b:s4+s14], $0x20, s7, s14, $0xb8;
	[tilespmem:$0x12000] =	vst v63  }
0x50: {  	_ =	swait.ge [sflag:s23], $0x1000  }
0x51: {  	[sflag:s23] =	ssyncset.done $0x0  }
0x52: {  	s8 =	sadd.s32 $0x2880, s3;
	s19 =	simm.s32 @!p0 $0xE;
	[sflag:s23] =	ssyncadd.s32 $0xFFFFF000  }
0x53: {  	[spmem:s2] =	stream.indirect.scatter.add.f32 [tilespmem:s16], [sflag:$0xA], $0x20, s8, s14, $0xb8;
	[tilespmem:$0x12000] =	vst v63  }
0x54: {  	_ =	swait.ge @!p0 [sflag:s19], $0x1000  }
0x55: {  	[sflag:s19] =	ssyncset.done @!p0 $0x0  }
0x56: {  	s5 =	sadd.s32 $0x280, s3;
	[sflag:s19] =	ssyncadd.s32 @!p0 $0xFFFFF000  }
0x57: {  	[tilespmem:s24], [sflag:$0x6] =	stream.indirect.gather [hbm4b:s4+s14], $0x20, s5, s14, $0xb8;
	[tilespmem:$0x12000] =	vst v63  }
0x58: {  	_ =	swait.ge [sflag:s25], $0x1000  }
0x59: {  	[sflag:s25] =	ssyncset.done $0x0  }
0x5a: {  	s7 =	sadd.s32 $0x2900, s3;
	s19 =	simm.s32 @!p0 $0xF;
	[sflag:s25] =	ssyncadd.s32 $0xFFFFF000  }
0x5b: {  	[spmem:s2] =	stream.indirect.scatter.add.f32 [tilespmem:s18], [sflag:$0xB], $0x20, s7, s14, $0xb8;
	[tilespmem:$0x12000] =	vst v63  }
0x5c: {  	_ =	swait.ge @!p0 [sflag:s19], $0x1000  }
0x5d: {  	[sflag:s19] =	ssyncset.done @!p0 $0x0  }
0x5e: {  	s8 =	sadd.s32 $0x300, s3;
	[sflag:s19] =	ssyncadd.s32 @!p0 $0xFFFFF000  }
0x5f: {  	[tilespmem:s26], [sflag:$0x7] =	stream.indirect.gather [hbm4b:s4+s14], $0x20, s8, s14, $0xb8;
	[tilespmem:$0x12000] =	vst v63  }
0x60: {  	_ =	swait.ge [sflag:s28], $0x1000  }
0x61: {  	[sflag:s28] =	ssyncset.done $0x0  }
0x62: {  	s5 =	sadd.s32 $0x2980, s3;
	s19 =	simm.s32 @!p0 $0x10;
	[sflag:s28] =	ssyncadd.s32 $0xFFFFF000  }
0x63: {  	[spmem:s2] =	stream.indirect.scatter.add.f32 [tilespmem:s20], [sflag:$0xC], $0x20, s5, s14, $0xb8;
	[tilespmem:$0x12000] =	vst v63  }
0x64: {  	_ =	swait.ge @!p0 [sflag:s19], $0x1000  }
0x65: {  	[sflag:s19] =	ssyncset.done @!p0 $0x0  }
0x66: {  	s7 =	sadd.s32 $0x380, s3;
	[sflag:s19] =	ssyncadd.s32 @!p0 $0xFFFFF000  }
0x67: {  	[tilespmem:s29], [sflag:$0x8] =	stream.indirect.gather [hbm4b:s4+s14], $0x20, s7, s14, $0xb8;
	[tilespmem:$0x12000] =	vst v63  }
0x68: {  	_ =	swait.ge [sflag:s30], $0x1000  }
0x69: {  	[sflag:s30] =	ssyncset.done $0x0  }
0x6a: {  	s8 =	sadd.s32 $0x2A00, s3;
	[sflag:s30] =	ssyncadd.s32 $0xFFFFF000  }
0x6b: {  	[spmem:s2] =	stream.indirect.scatter.add.f32 [tilespmem:s22], [sflag:$0xD], $0x20, s8, s14, $0xb8;
	[tilespmem:$0x12000] =	vst v63  }
0x6c: {  	_ =	swait.ge [sflag:s31], $0x1000  }
0x6d: {  	p0 =	seq.s32 s10, $0x9000;
	[sflag:s31] =	ssyncset.done $0x0  }
0x6e: {  	s19 =	simm.s32 @p0 $0x6;
	[sflag:s31] =	ssyncadd.s32 $0xFFFFF000  }
0x6f: {  	_ =	swait.ge @p0 [sflag:s19], $0x1000  }
0x70: {  	[sflag:s19] =	ssyncset.done @p0 $0x0  }
0x71: {  	[sflag:s19] =	ssyncadd.s32 @p0 $0xFFFFF000;
	s19 =	sshra.s32 @p0 s10, $0x2  }
0x72: {  	s5 =	simm.s32 @p0 $0x80;
	s7 =	simm.s32 @p0 $0xA000;
	s19 =	sadd.s32 @p0 $0x2A80, s19  }
0x73: {  	[spmem:s2] =	stream.indirect.scatter.add.f32 @p0 [tilespmem:s7], [sflag:$0xE], $0x20, s19, s5, $0xb8;
	[tilespmem:$0x12000] =	vst v63  }
0x74: {  	s5 =	simm.s32 @p0 $0xA  }
0x75: {  	_ =	swait.ge @p0 [sflag:s5], $0x1000  }
0x76: {  	[sflag:s5] =	ssyncset.done @p0 $0x0  }
0x77: {  	[sflag:s5] =	ssyncadd.s32 @p0 $0xFFFFF000;
	s5 =	sshra.s32 @!p0 s10, $0x2  }
0x78: {  	s8 =	simm.s32 @!p0 $0x5000;
	s19 =	simm.s32 @!p0 $0x80;
	s7 =	sadd.s32 @!p0 $0x400, s5  }
0x79: {  	[tilespmem:s8], [sflag:$0x1] =	stream.indirect.gather @!p0 [hbm4b:s4+s19], $0x20, s7, s19, $0xb8;
	[tilespmem:$0x12000] =	vst v63  }
0x7a: {  	s7 =	simm.s32 @!p0 $0x6  }
0x7b: {  	_ =	swait.ge @!p0 [sflag:s7], $0x1000  }
0x7c: {  	[sflag:s7] =	ssyncset.done @!p0 $0x0  }
0x7d: {  	s8 =	simm.s32 @!p0 $0xA000;
	[sflag:s7] =	ssyncadd.s32 @!p0 $0xFFFFF000;
	s7 =	sadd.s32 @!p0 $0x2A80, s5  }
0x7e: {  	[spmem:s2] =	stream.indirect.scatter.add.f32 @!p0 [tilespmem:s8], [sflag:$0xE], $0x20, s7, s19, $0xb8;
	[tilespmem:$0x12000] =	vst v63  }
0x7f: {  	s7 =	simm.s32 @!p0 $0xA  }
0x80: {  	_ =	swait.ge @!p0 [sflag:s7], $0x1000  }
0x81: {  	[sflag:s7] =	ssyncset.done @!p0 $0x0  }
0x82: {  	s5 =	sadd.s32 @!p0 $0x480, s5;
	[sflag:s7] =	ssyncadd.s32 @!p0 $0xFFFFF000;
	s7 =	simm.s32 @!p0 $0x6000  }
0x83: {  	[tilespmem:s7], [sflag:$0x2] =	stream.indirect.gather @!p0 [hbm4b:s4+s19], $0x20, s5, s19, $0xb8;
	[tilespmem:$0x12000] =	vst v63  }
0x84: {  	_ =	swait.ge [sflag:s0], $0x1000  }
0x85: {  	[sflag:s0] =	ssyncset.done $0x0  }
.Ltmp2:
0x86: {  	s19 =	sadd.s32 $0x2B00, s3;
	[sflag:s0] =	ssyncadd.s32 $0xFFFFF000;
	(pc) =	sbr.rel @p0 .LBB2_4-.Ltmp2, $4  }
0x87: {  	[spmem:s2] =	stream.indirect.scatter.add.f32 [tilespmem:s26], [sflag:$0xF], $0x20, s19, s14, $0xb8;
	[tilespmem:$0x12000] =	vst v63  }
0x88: {  	_ =	swait.ge [sflag:s1], $0x1000  }
0x89: {  	[sflag:s1] =	ssyncset.done $0x0  }
0x8a: {  	s19 =	sadd.s32 $0x2B80, s3;
	[sflag:s1] =	ssyncadd.s32 $0xFFFFF000  }
0x8b: {  	s5 =	sadd.s32 $0x500, s3  }
0x8c: {  	[tilespmem:s18], [sflag:$0x3] =	stream.indirect.gather [hbm4b:s4+s14], $0x20, s5, s14, $0xb8;
	[tilespmem:$0x12000] =	vst v63  }
0x8d: {  	_ =	swait.ge [sflag:s13], $0x1000  }
0x8e: {  	[sflag:s13] =	ssyncset.done $0x0  }
0x8f: {  	[sflag:s13] =	ssyncadd.s32 $0xFFFFF000  }
0x90: {  	[spmem:s2] =	stream.indirect.scatter.add.f32 [tilespmem:s29], [sflag:$0x10], $0x20, s19, s14, $0xb8;
	[tilespmem:$0x12000] =	vst v63  }
.Ltmp3:
0x91: {  	_ = 	snop;
	(pc) =	sbr.rel .LBB2_2-.Ltmp3, $4  }
0x92: {  	_ =	swait.ge [sflag:s17], $0x1000  }
0x93: {  	[sflag:s17] =	ssyncset.done $0x0  }
0x94: {  	s10 =	sadd.s32 $0x1000, s10;
	s19 =	sadd.s32 $0x580, s3;
	[sflag:s17] =	ssyncadd.s32 $0xFFFFF000  }
0x95: {  	[tilespmem:s20], [sflag:$0x4] =	stream.indirect.gather [hbm4b:s4+s14], $0x20, s19, s14, $0xb8;
	[tilespmem:$0x12000] =	vst v63  }
.LBB2_5:
0x96: {  	_ =	sfence.sel $0x180000  }
0x97: {  	[bflag:$0x0] =	sbarrier.arrive $0xFFFF  }
0x98: {  	_ =	strace $0x9000004D  }
0x99: {  	s0 =	stileid.u32;
	[bflag:$0x2] =	sbarrier.arrive $0xFFFF  }
0x9a: {  	p0 =	sne.s32 s0, $0x0;
	s0 =	rddreg [dreg:$0x3]  }
0x9b: {  	s0 =	sadd.s32 @!p0 $0x100000, s0  }
0x9c: {  	[sflag:s0] =	ssyncadd.tile.s32 @!p0 $0x1;
	_ =	shalt  }
.Lfunc_end2:
_tile_overlayer_lowered:
.L_overlay_start_2:
0x9d: {  	(tag) =	ssettag $0x2  }
0x9e: {  	s0 =	rddreg [dreg:$0x0];
	s2 =	stileid.u32  }
0x9f: {  	s1 =	rddreg [dreg:$0x1];
	p0 =	sne.s32 s2, $0x0  }
0xa0: {  	s3 =	rddreg [dreg:$0x2];
	[bflag:$0x3] =	sbarrier.arrive $0xFFFF;
	s2 =	simm.s32 @!p0 $0x1C11  }
0xa1: {  	[timem:s3], [sflag:s2] =	dma.local @!p0 [hbm:s0], s1  }
0xa2: {  	s0 =	simm.s32 @!p0 $0x11  }
0xa3: {  	_ =	swait.ge @!p0 [sflag:s0], s1  }
0xa4: {  	s1 =	ssub.s32 @!p0 $0x0, s1;
	[sflag:s0] =	ssyncset.done @!p0 $0x0  }
0xa5: {  	[sflag:s0] =	ssyncadd.s32 @!p0 s1  }
0xa6: {  	[bflag:$0x3] =	sbarrier.arrive $0xFFFF  }
0xa7: {  	_ =	shalt  }

// kernel: kernel.8.cloned.1.call-start
scs
__scs_entry_jumppad:
0x0: {  	(pc) =	sbr.rel $0x88, $3  }
0x1: {  	(tag) =	ssettag $0x0;
	lr =	simm.s32 $0x1  }
0x2: {  	[smem:$0x3F9B] =	sst lr;
	_ =	strace $0xD0000000  }
0x3: {  	_ = 	snop  }
0x4: {  	_ = 	snop  }
0x5: {  	_ = 	snop  }
0x6: {  	_ = 	snop  }
0x7: {  	_ = 	snop  }
__scs_overlays_trampoline_lowered:
0x8: {  	[smem:$0x3FAA] =	sst s0  }
0x9: {  	[smem:$0x3FAB] =	sst s1  }
0xa: {  	[smem:$0x3FAC] =	sst s2  }
0xb: {  	[smem:$0x3FAD] =	sst s3  }
0xc: {  	[smem:$0x3FAE] =	sst s4  }
0xd: {  	[smem:$0x3FAF] =	sst s5  }
0xe: {  	[smem:$0x3FB0] =	sst s6  }
0xf: {  	[smem:$0x3FB1] =	sst s7  }
0x10: {  	[smem:$0x3FB2] =	sst s8  }
0x11: {  	[smem:$0x3FB3] =	sst s9;
	s0 =	simm.s32 @!p0 $0x0  }
0x12: {  	s1 =	sld [smem:$0x3F99];
	s0 =	simm.s32 @p0 $0x1  }
0x13: {  	[smem:$0x3FB4] =	sst s0;
	s0 =	simm.s32 @!p1 $0x0  }
0x14: {  	s2 =	sld [smem:$0x3F98];
	s0 =	simm.s32 @p1 $0x1  }
0x15: {  	[smem:$0x3FB5] =	sst s0;
	s0 =	simm.s32 @!p2 $0x0  }
0x16: {  	s3 =	sld [smem:$0x3FDB];
	s0 =	simm.s32 @p2 $0x1  }
0x17: {  	s4 =	simm.s32 $0x1BF5;
	[smem:$0x3FB7] =	sst s0  }
0x18: {  	s0 =	sld [smem:$0x3F9A];
	_ =	swait.ge [sflag:s4], $0x0  }
0x19: {  	s7 =	sld [smem:$0x3F9B]  }
0x1a: {  	s8 =	sadd.s32 $0xFFFFE003, lr  }
0x1b: {  	s9 =	sadd.s32 $0xFFFFFEF7, lr;
	s5 =	simm.s32 $0xFFFFFFFF;
	p2 =	slt.u32 s8, $0xFFFFF086  }
0x1c: {  	p1 =	slt.u32 s9, $0xF7A;
	s5 =	simm.s32 @!p2 $0x0  }
0x1d: {  	s5 =	simm.s32 @p1 $0x1;
	p0 =	seq.s32 s7, s2  }
0x1e: {  	s7 =	smul.u32 @!p0 $0xF7A, s2;
	p2 =	seq.s32 @!p0 s5, $0x0  }
0x1f: {  	s9 =	smul.u32 $0xF7A, s1;
	s8 =	simm.s32 @!p0 $0x1BF5;
	p2 =	por !p2, p0  }
0x20: {  	[sflag:s8] =	ssyncset.s32 @!p0 $0xFFFFF086;
	s6 =	sadd.s32 @!p0 s3, s7;
	s7 =	simm.s32 @!p0 $0x108  }
0x21: {  	s3 =	sadd.s32 s3, s9;
	s6 =	sadd.s32 @!p0 $0x88, s6;
	s7 =	simm.s32 @p2 $0x1082  }
0x22: {  	[simem:s7], [sflag:s8] =	dma.local @!p0 [hbm:s6], $0xF7A  }
0x23: {  	s9 =	sor.u32 $0xD0000000, s2;
	s6 =	simm.s32 $0x108;
	_ =	swait.ge @!p0 [sflag:s8], $0x0  }
0x24: {  	s3 =	sadd.s32 $0x88, s3;
	s6 =	simm.s32 @!p1 $0x1082;
	[sflag:s4] =	ssyncset.s32 $0xFFFFF086  }
0x25: {  	[simem:s6], [sflag:s4] =	dma.local [hbm:s3], $0xF7A  }
0x26: {  	[smem:$0x3F9B] =	sst s1;
	(tag) =	ssettag s2;
	_ =	strace s9  }
0x27: {  	s1 =	sld [smem:$0x3FAB]  }
0x28: {  	s2 =	sld [smem:$0x3FAC]  }
0x29: {  	s4 =	sld [smem:$0x3FAE]  }
0x2a: {  	p0 =	seq.s32 s5, $0x0;
	s5 =	sld [smem:$0x3FAF]  }
0x2b: {  	s6 =	sld [smem:$0x3FB0]  }
0x2c: {  	s7 =	sld [smem:$0x3FB1]  }
0x2d: {  	s3 =	simm.s32 $0x108;
	s8 =	sld [smem:$0x3FB2]  }
0x2e: {  	s3 =	simm.s32 @!p0 $0x1082;
	s9 =	sld [smem:$0x3FB3]  }
0x2f: {  	lr =	sadd.s32 s0, s3;
	s0 =	sld [smem:$0x3FAA]  }
0x30: {  	s3 =	sld [smem:$0x3FAD]  }
0x31: {  	[smem:$0x3FB6] =	sst s10  }
0x32: {  	s10 =	sld [smem:$0x3FB4];
	_ =	sdelay $0x3  }
0x33: {  	p0 =	seq.s32 s10, $0x1;
	s10 =	sld [smem:$0x3FB6];
	_ =	sdelay $0x3  }
0x34: {  	[smem:$0x3FB6] =	sst s10  }
0x35: {  	s10 =	sld [smem:$0x3FB5];
	_ =	sdelay $0x3  }
0x36: {  	p1 =	seq.s32 s10, $0x1;
	s10 =	sld [smem:$0x3FB6];
	_ =	sdelay $0x3  }
0x37: {  	[smem:$0x3FB6] =	sst s10  }
0x38: {  	s10 =	sld [smem:$0x3FB7]  }
0x39: {  	_ = 	snop;
	(pc) =	sbr.ind lr, $3  }
0x3a: {  	_ = 	snop  }
0x3b: {  	_ = 	snop  }
0x3c: {  	p2 =	seq.s32 s10, $0x1;
	s10 =	sld [smem:$0x3FB6]  }
0x3d: {  	_ =	shalt  }
0x3e: {  	_ =	shalt  }
0x3f: {  	_ =	shalt  }
0x40: {  	_ =	shalt  }
0x41: {  	_ =	shalt  }
0x42: {  	_ =	shalt  }
0x43: {  	_ =	shalt  }
0x44: {  	_ =	shalt  }
0x45: {  	_ =	shalt  }
0x46: {  	_ =	shalt  }
0x47: {  	_ =	shalt  }
0x48: {  	_ =	shalt  }
0x49: {  	_ =	shalt  }
0x4a: {  	_ =	shalt  }
0x4b: {  	_ =	shalt  }
0x4c: {  	_ =	shalt  }
0x4d: {  	_ =	shalt  }
0x4e: {  	_ =	shalt  }
0x4f: {  	_ =	shalt  }
0x50: {  	_ =	shalt  }
0x51: {  	_ =	shalt  }
0x52: {  	_ =	shalt  }
0x53: {  	_ =	shalt  }
0x54: {  	_ =	shalt  }
0x55: {  	_ =	shalt  }
0x56: {  	_ =	shalt  }
0x57: {  	_ =	shalt  }
0x58: {  	_ =	shalt  }
0x59: {  	_ =	shalt  }
0x5a: {  	_ =	shalt  }
0x5b: {  	_ =	shalt  }
0x5c: {  	_ =	shalt  }
0x5d: {  	_ =	shalt  }
0x5e: {  	_ =	shalt  }
0x5f: {  	_ =	shalt  }
0x60: {  	_ =	shalt  }
0x61: {  	_ =	shalt  }
0x62: {  	_ =	shalt  }
0x63: {  	_ =	shalt  }
0x64: {  	_ =	shalt  }
0x65: {  	_ =	shalt  }
0x66: {  	_ =	shalt  }
0x67: {  	_ =	shalt  }
0x68: {  	_ =	shalt  }
0x69: {  	_ =	shalt  }
0x6a: {  	_ =	shalt  }
0x6b: {  	_ =	shalt  }
0x6c: {  	_ =	shalt  }
0x6d: {  	_ =	shalt  }
0x6e: {  	_ =	shalt  }
0x6f: {  	_ =	shalt  }
0x70: {  	_ =	shalt  }
0x71: {  	_ =	shalt  }
0x72: {  	_ =	shalt  }
0x73: {  	_ =	shalt  }
0x74: {  	_ =	shalt  }
0x75: {  	_ =	shalt  }
0x76: {  	_ =	shalt  }
0x77: {  	_ =	shalt  }
0x78: {  	_ =	shalt  }
0x79: {  	_ =	shalt  }
0x7a: {  	_ =	shalt  }
0x7b: {  	_ =	shalt  }
0x7c: {  	_ =	shalt  }
0x7d: {  	_ =	shalt  }
0x7e: {  	_ =	shalt  }
0x7f: {  	_ =	shalt  }
0x80: {  	_ =	shalt  }
0x81: {  	_ =	shalt  }
0x82: {  	_ =	shalt  }
0x83: {  	_ =	shalt  }
0x84: {  	_ =	shalt  }
0x85: {  	_ =	shalt  }
0x86: {  	_ =	shalt  }
0x87: {  	_ =	shalt  }
.Lfunc_end0:
.L_simem_size_0:
called_computation_lowered:
.L_overlay_start_0:
0x88: {  	s2 =	sld [smem:$0x3FD9]  }
0x89: {  	s3 =	sld [smem:$0x3FFE];
	_ =	sdelay $0x1  }
0x8a: {  	s1 =	srdreg.scid  }
0x8b: {  	s0 =	sand.u32 $0x1, s1  }
0x8c: {  	s17 =	sshll.u32 s0, $0xA;
	s2 =	sadd.s32 s3, s2  }
0x8d: {  	s2 =	sadd.s32 s2, s17  }
0x8e: {  	[smem:$0x3FC2] =	sst s2  }
0x8f: {  	_ = 	snop  }
0x90: {  	s2 =	sld [smem:$0x3FD0];
	(tm) =	ssettm $0x1  }
0x91: {  	s18 =	sld [smem:$0x3FFB];
	_ =	sdelay $0x3  }
0x92: {  	_ =	strace s18  }
0x93: {  	s3 =	sld [smem:$0x3FFC];
	_ =	sdelay $0x3  }
0x94: {  	_ =	strace s3  }
0x95: {  	s3 =	sld [smem:$0x3FFD];
	_ =	sdelay $0x3  }
0x96: {  	_ =	strace s3  }
0x97: {  	_ =	strace $0x8FFFFFFF  }
0x98: {  	s19 =	sld [smem:$0x3FDB];
	_ =	sdelay $0x1  }
0x99: {  	s4 =	simm.s32 $_scs_section_size  }
0x9a: {  	s5 =	simm.s32 $_size__tile_overlayer_lowered;
	s6 =	simm.s32 $_tile_overlayer_lowered  }
0x9b: {  	s22 =	simm.s32 $0x1BFF;
	s21 =	sshll.u32 s6, $0x1;
	s3 =	sadd.s32 s4, s19  }
0x9c: {  	s7 =	simm.s32 $0x0;
	s20 =	sshll.u32 s5, $0x1;
	s5 =	sadd.s32 s21, s3  }
0x9d: {  	[timem:s7], [sflag:s22] =	dma.local [hbm:s5], s20  }
0x9e: {  	_ =	swait.ge [sflag:s22], s20  }
0x9f: {  	s4 =	ssub.s32 $0x0, s20;
	[sflag:s22] =	ssyncset.done $0x0  }
0xa0: {  	[sflag:s22] =	ssyncadd.s32 s4;
	_ =	sdelay $0x1  }
0xa1: {  	s23 =	simm.s32 $0x1B8B  }
0xa2: {  	_ =	swait.ge [sflag:s23], $0x1  }
0xa3: {  	[sflag:s23] =	ssyncset.done $0x0  }
0xa4: {  	s25 =	simm.s32 $0x1B8E;
	s24 =	sld [smem:$0x3FFE];
	[sflag:s23] =	ssyncadd.s32 $0xFFFFFFFF  }
0xa5: {  	s26 =	simm.s32 $execute0_lowered;
	[smem:$0x3FD2] =	sst s25  }
0xa6: {  	s5 =	sshll.u32 s26, $0x1;
	_ =	strace $0x80000046;
	[dreg:$0x1] =	wrdreg $0xFFFFFFFF  }
0xa7: {  	s28 =	simm.s32 $_size_execute0_lowered;
	s3 =	sadd.s32 s3, s5;
	[dreg:$0x0] =	wrdreg $0x0  }
0xa8: {  	s5 =	sshll.u32 s28, $0x1;
	[dreg:$0x2] =	wrdreg s3  }
0xa9: {  	[dreg:$0x3] =	wrdreg s5  }
0xaa: {  	[dreg:$0x4] =	wrdreg $0xC0  }
0xab: {  	_ =	task [dreg:s7], $0x5FFFF  }
0xac: {  	[dreg:$0x1] =	wrdreg $0xFFFFFFFF  }
0xad: {  	[dreg:$0x0] =	wrdreg $0x60  }
0xae: {  	[dreg:$0x2] =	wrdreg s24  }
0xaf: {  	[dreg:$0x3] =	wrdreg s2  }
0xb0: {  	[dreg:$0x4] =	wrdreg $0x28800  }
0xb1: {  	[dreg:$0x5] =	wrdreg $0x9  }
0xb2: {  	_ =	task.clear_ibuf [dreg:s7], $0x6FFFF;
	_ =	strace $0x90000046  }
0xb3: {  	s29 =	simm.s32 $0x9;
	_ =	strace $0x80000048  }
0xb4: {  	_ =	swait.ge [sflag:s29], $0x1  }
0xb5: {  	[sflag:s29] =	ssyncadd.s32 $0xFFFFFFFF  }
0xb6: {  	_ =	strace $0x90000048  }
0xb7: {  	_ =	sfence  }
0xb8: {  	s30 =	sld [smem:$0x0];
	_ =	sdelay $0x2  }
0xb9: {  	s31 =	sshll.u32 s1, $0xD;
	s1 =	sshrl.u32 s1, $0x2  }
0xba: {  	s3 =	sand.u32 $0x4000, s31;
	s1 =	sadd.s32 s1, s30  }
0xbb: {  	s0 =	sor.u32 s3, s0;
	s1 =	sshll.u32 s1, $0x11  }
0xbc: {  	s0 =	sor.u32 s1, s0  }
0xbd: {  	s0 =	sadd.s32 $0x8F2B, s0  }
0xbe: {  	[sflag:s0] =	ssyncadd.remote.s32 $0x1  }
0xbf: {  	_ =	sfence.sel $0xFFFF  }
0xc0: {  	[dreg:$0x0] =	wrdreg $0xFFFFFFFF;
	(pc) =	sbr.abs _section_cstart, $3  }
0xc1: {  	[dreg:$0x1] =	wrdreg $0xFFFFFFFF  }
0xc2: {  	_ =	task.clear_ibuf [dreg:s7], $0x2FFFF;
	_ =	strace $0x9FFFFFFF  }
0xc3: {  	(tm) =	ssettm $0x7FFFFFFF  }
tec
execute0_lowered:
.L_overlay_start_1:
0x0: {  	(tag) =	ssettag $0x1  }
0x1: {  	s5 =	rddreg [dreg:$0x0]  }
0x2: {  	s8 =	rddreg [dreg:$0x1]  }
0x3: {  	s0 =	srdreg.scid;
	s2 =	rddreg [dreg:$0x2]  }
0x4: {  	s3 =	simm.s32 $0x0;
	s4 =	sand.u32 $0x1, s0;
	s0 =	rddreg [dreg:$0x3]  }
0x5: {  	s1 =	stileid.u32;
	[smem:$0x7FF] =	sst s3  }
0x6: {  	s9 =	smul.u32 $0x280, s1;
	s31 =	sshll.u32 s1, $0x6;
	s6 =	sshll.u32 s4, $0x4  }
0x7: {  	_ =	strace $0x80000047;
	s7 =	ssub.s32 $0x2, s4;
	s11 =	smul.u32 $0x2800, s4  }
0x8: {  	s4 =	sadd.s32 $0x16200, s5;
	s6 =	sor.u32 s1, s6;
	s30 =	sshrl.u32 s7, $0x1  }
0x9: {  	s13 =	sadd.s32 s9, s2;
	s6 =	smul.u32 $0x500, s6;
	s9 =	sadd.s32 s9, s11  }
0xa: {  	s12 =	ssub.s32 s7, s30;
	s11 =	simm.s32 $0x1;
	s9 =	sshrl.u32 s9, $0x3  }
0xb: {  	s10 =	sadd.s32 s6, s5;
	s5 =	sadd.s32 $0x16400, s5;
	s6 =	sor.u32 $0x1C01, s31  }
0xc: {  	s8 =	sadd.s32 s8, s9;
	s9 =	smax.u32 s12, $0x1;
	s12 =	simm.s32 $0x80  }
0xd: {  	s7 =	sadd.s32 $0xC200, s10;
	s10 =	sshrl.u32 s13, $0x3;
	s13 =	simm.s32 $0x0  }
.LBB2_1:
0xe: {  	[spmem:s10], [sflag:s6] =	dma.local [hbm:s5], $0x50  }
0xf: {  	_ =	swait.ge [sflag:s11], $0x50  }
0x10: {  	[sflag:s11] =	ssyncset.done $0x0  }
0x11: {  	[sflag:s11] =	ssyncadd.s32 $0xFFFFFFB0  }
0x12: {  	[tilespmem:s3], [sflag:$0x1] =	stream.linear.gather [hbm4b:s4+s3], $0x80, $0x38;
	[tilespmem:$0x2B00] =	vst v63  }
0x13: {  	_ =	swait.ge [sflag:s11], $0x80  }
0x14: {  	[sflag:s11] =	ssyncset.done $0x0  }
0x15: {  	[sflag:s11] =	ssyncadd.s32 $0xFFFFFF80  }
0x16: {  	[tilespmem:s12], [sflag:$0x1] =	stream.linear.gather [hbm4b:s7+s3], $0x2800, $0x38;
	[tilespmem:$0x2B00] =	vst v63  }
0x17: {  	_ =	swait.ge [sflag:s11], $0x2800  }
0x18: {  	[sflag:s11] =	ssyncset.done $0x0  }
0x19: {  	[sflag:s11] =	ssyncadd.s32 $0xFFFFD800  }
0x1a: {  	s14 =	simm.s32 $0x80;
	[bflag:$0x0] =	sbarrier.arrive $0xFFFF  }
0x1b: {  	[spmem:s2] =	stream.indirect.scatter.add.f32 [tilespmem:s3], [sflag:$0x1], $0x1, s14, s12, $0xb8;
	[tilespmem:$0x2B00] =	vst v63  }
0x1c: {  	s14 =	simm.s32 $0x200;
	_ =	swait.ge [sflag:s11], $0x80  }
.LBB2_2:
0x1d: {  	s15 =	sshra.s32 s14, $0x2;
	[sflag:s11] =	ssyncset.done $0x0;
	p0 =	sne.s32 s14, $0x9E00  }
.Ltmp0:
0x1e: {  	s15 =	sadd.s32 $0x80, s15;
	[sflag:s11] =	ssyncadd.s32 $0xFFFFFF80;
	(pc) =	sbr.rel @p0 .LBB2_2-.Ltmp0, $3  }
0x1f: {  	[spmem:s2] =	stream.indirect.scatter.add.f32 [tilespmem:s3], [sflag:$0x1], $0x1, s15, s12, $0xb8;
	[tilespmem:$0x2B00] =	vst v63  }
0x20: {  	s14 =	sadd.s32 $0x200, s14;
	_ =	sdelay $0x1  }
0x21: {  	_ =	swait.ge [sflag:s11], $0x80  }
0x22: {  	[sflag:s11] =	ssyncset.done $0x0;
	s13 =	sadd.s32 $0x1, s13  }
0x23: {  	[sflag:s11] =	ssyncadd.s32 $0xFFFFFF80;
	p0 =	sne.s32 s13, s9  }
.Ltmp1:
0x24: {  	[bflag:$0x0] =	sbarrier.arrive $0xFFFF;
	(pc) =	sbr.rel @p0 .LBB2_1-.Ltmp1, $4  }
0x25: {  	[hbm:s8], [sflag:s6] =	dma.local [spmem:s10], $0x50  }
0x26: {  	_ =	swait.ge [sflag:s11], $0x50  }
0x27: {  	[sflag:s11] =	ssyncset.done $0x0  }
0x28: {  	[sflag:s11] =	ssyncadd.s32 $0xFFFFFFB0  }
0x29: {  	_ =	sfence.sel $0x180000  }
0x2a: {  	[bflag:$0x0] =	sbarrier.arrive $0xFFFF  }
0x2b: {  	p0 =	sne.s32 s1, $0x0;
	_ =	strace $0x90000047  }
0x2c: {  	s0 =	sadd.s32 @!p0 $0x100000, s0;
	[bflag:$0x2] =	sbarrier.arrive $0xFFFF  }
0x2d: {  	[sflag:s0] =	ssyncadd.tile.s32 @!p0 $0x1;
	_ =	shalt  }
.Lfunc_end2:
_tile_overlayer_lowered:
.L_overlay_start_2:
0x2e: {  	(tag) =	ssettag $0x2  }
0x2f: {  	s0 =	rddreg [dreg:$0x0];
	s2 =	stileid.u32  }
0x30: {  	s1 =	rddreg [dreg:$0x1];
	p0 =	sne.s32 s2, $0x0  }
0x31: {  	s3 =	rddreg [dreg:$0x2];
	[bflag:$0x3] =	sbarrier.arrive $0xFFFF;
	s2 =	simm.s32 @!p0 $0x1C01  }
0x32: {  	[timem:s3], [sflag:s2] =	dma.local @!p0 [hbm:s0], s1  }
0x33: {  	s0 =	simm.s32 @!p0 $0x1  }
0x34: {  	_ =	swait.ge @!p0 [sflag:s0], s1  }
0x35: {  	s1 =	ssub.s32 @!p0 $0x0, s1;
	[sflag:s0] =	ssyncset.done @!p0 $0x0  }
0x36: {  	[sflag:s0] =	ssyncadd.s32 @!p0 s1  }
0x37: {  	[bflag:$0x3] =	sbarrier.arrive $0xFFFF  }
0x38: {  	_ =	shalt  }

</sc_bundles>
